<compile_context>
chip_gen: v7x
topology: tpu7x:2x2x1
jax: 0.10.2.dev20260603
libtpu: 0.0.44.dev20260713+nightly
codegen_flags: <defaults>
</compile_context>

<pallas_src>
import functools
import math

import jax
import jax.numpy as jnp
from jax import lax
from jax.experimental import pallas as pl
from jax.experimental.pallas import tpu as pltpu
from jax.experimental.pallas import tpu_sc as plsc

N = 10000
NP = 10240
E = 320000
NSC = 2
NSUB = 16
NTILES = NSC * NSUB
CHUNK = 128
NBUF = 2
PT = 10240
EP = PT * NTILES
NCHUNK = PT // CHUNK
NPH = 2
CPH = NCHUNK // NPH
GPH = CPH // NBUF
DCHUNK = 128
DNCHUNK = PT // DCHUNK
RPT = NP // NSUB
BLK = 256
EPS = 1e-5
BNSCALE = 1.0 / math.sqrt(1.0 + EPS)
NEG = -3.4e38

_MESH = plsc.VectorSubcoreMesh(core_axis_name="c", subcore_axis_name="s")


def _make_deg():
    @functools.partial(
        pl.kernel,
        out_type=jax.ShapeDtypeStruct((NSC, NP, 128), jnp.float32),
        mesh=_MESH,
        scratch_types=[
            pltpu.VMEM((DNCHUNK, DCHUNK), jnp.int32),
            pltpu.VMEM((DCHUNK, 128), jnp.float32),
            pltpu.VMEM_SHARED((NP, 128), jnp.float32),
            pltpu.SemaphoreType.DMA,
        ],
    )
    def deg_k(dst_hbm, zeros_hbm, ones_hbm, out_hbm, didx_all, ones_v, dacc,
              ssem):
        c = lax.axis_index("c")
        s = lax.axis_index("s")
        wid = c * NSUB + s
        r0 = s * RPT
        pltpu.sync_copy(ones_hbm, ones_v)
        pltpu.sync_copy(dst_hbm.at[wid], didx_all)
        pltpu.sync_copy(zeros_hbm.at[pl.ds(r0, RPT)], dacc.at[pl.ds(r0, RPT)])
        plsc.subcore_barrier()

        def body(j, carry):
            pltpu.async_copy(ones_v, dacc.at[didx_all.at[j]], ssem, add=True)
            return carry

        lax.fori_loop(0, DNCHUNK, body, 0)

        def drain(j, carry):
            pltpu.make_async_copy(ones_hbm, ones_v, ssem).wait()
            return carry

        lax.fori_loop(0, DNCHUNK, drain, 0)
        plsc.subcore_barrier()
        pltpu.sync_copy(dacc.at[pl.ds(r0, RPT)], out_hbm.at[c, pl.ds(r0, RPT)])

    return deg_k


def _make_agg(F):
    @functools.partial(
        pl.kernel,
        out_type=jax.ShapeDtypeStruct((NSC, NP, F), jnp.float32),
        mesh=_MESH,
        scratch_types=[
            pltpu.VMEM((CPH, CHUNK), jnp.int32),
            pltpu.VMEM((CPH, CHUNK), jnp.int32),
            pltpu.VMEM((NBUF, CHUNK, F), jnp.float32),
            pltpu.VMEM_SHARED((NP, F), jnp.float32),
        ] + [pltpu.SemaphoreType.DMA] * (2 * NBUF),
    )
    def agg_k(src_hbm, dst_hbm, hs_hbm, zeros_hbm, out_hbm,
              sidx_h, didx_h, rows, acc, *sems):
        gsem = sems[:NBUF]
        ssem = sems[NBUF:]
        c = lax.axis_index("c")
        s = lax.axis_index("s")
        wid = c * NSUB + s
        r0 = s * RPT
        pltpu.sync_copy(zeros_hbm.at[pl.ds(r0, RPT)], acc.at[pl.ds(r0, RPT)])
        plsc.subcore_barrier()

        for p in range(NPH):
            pltpu.sync_copy(src_hbm.at[wid, pl.ds(p * CPH, CPH)], sidx_h)
            pltpu.sync_copy(dst_hbm.at[wid, pl.ds(p * CPH, CPH)], didx_h)
            for b in range(NBUF):
                pltpu.async_copy(hs_hbm.at[sidx_h.at[b]], rows.at[b], gsem[b])

            def body(g, carry):
                scat = []
                for b in range(NBUF):
                    j = g * NBUF + b
                    pltpu.make_async_copy(
                        hs_hbm.at[pl.ds(0, CHUNK)], rows.at[b], gsem[b]).wait()
                    scat.append(pltpu.async_copy(
                        rows.at[b], acc.at[didx_h.at[j]], ssem[b], add=True))
                for b in range(NBUF):
                    scat[b].wait()
                    j2 = (g + 1) * NBUF + b

                    @pl.when(j2 < CPH)
                    def _():
                        pltpu.async_copy(
                            hs_hbm.at[sidx_h.at[j2]], rows.at[b], gsem[b])
                return carry

            lax.fori_loop(0, GPH, body, 0)

        plsc.subcore_barrier()
        pltpu.sync_copy(acc.at[pl.ds(r0, RPT)], out_hbm.at[c, pl.ds(r0, RPT)])

    return agg_k


_DEG = _make_deg()
_AGG128 = _make_agg(128)


def _rowmask(pid):
    row = pid * BLK + lax.broadcasted_iota(jnp.int32, (BLK, 1), 0)
    return (row < N).astype(jnp.float32)


def _tc1(xp, W1, degp):
    def body(x_ref, w_ref, d_ref, hs_ref, dinv_ref):
        pid = pl.program_id(0)
        dd = d_ref[...]
        dinv = lax.rsqrt(1.0 + dd[0, :, 0:1] + dd[1, :, 0:1])
        h = jnp.dot(x_ref[...], w_ref[...], preferred_element_type=jnp.float32)
        hs_ref[...] = h * dinv * _rowmask(pid)
        dinv_ref[...] = dinv

    return pl.pallas_call(
        body,
        grid=(NP // BLK,),
        in_specs=[
            pl.BlockSpec((BLK, 128), lambda i: (i, 0)),
            pl.BlockSpec((128, 128), lambda i: (0, 0)),
            pl.BlockSpec((NSC, BLK, 128), lambda i: (0, i, 0)),
        ],
        out_specs=[
            pl.BlockSpec((BLK, 128), lambda i: (i, 0)),
            pl.BlockSpec((BLK, 1), lambda i: (i, 0)),
        ],
        out_shape=[
            jax.ShapeDtypeStruct((NP, 128), jnp.float32),
            jax.ShapeDtypeStruct((NP, 1), jnp.float32),
        ],
    )(xp, W1, degp)


def _tc_mid(acc, hs, dinv, b, g, be, W, fout):
    def body(acc_ref, hs_ref, dinv_ref, b_ref, g_ref, be_ref, w_ref, o_ref):
        pid = pl.program_id(0)
        a = acc_ref[...]
        di = dinv_ref[...]
        z = (a[0] + a[1] + hs_ref[...]) * di + b_ref[...][None, :]
        z = z * (g_ref[...] * BNSCALE)[None, :] + be_ref[...][None, :]
        z = jnp.maximum(z, 0.0) * _rowmask(pid)
        h = jnp.dot(z, w_ref[...], preferred_element_type=jnp.float32)
        o_ref[...] = h * di

    return pl.pallas_call(
        body,
        grid=(NP // BLK,),
        in_specs=[
            pl.BlockSpec((NSC, BLK, 128), lambda i: (0, i, 0)),
            pl.BlockSpec((BLK, 128), lambda i: (i, 0)),
            pl.BlockSpec((BLK, 1), lambda i: (i, 0)),
            pl.BlockSpec((128,), lambda i: (0,)),
            pl.BlockSpec((128,), lambda i: (0,)),
            pl.BlockSpec((128,), lambda i: (0,)),
            pl.BlockSpec((128, fout), lambda i: (0, 0)),
        ],
        out_specs=pl.BlockSpec((BLK, fout), lambda i: (i, 0)),
        out_shape=jax.ShapeDtypeStruct((NP, fout), jnp.float32),
    )(acc, hs, dinv, b, g, be, W)


def _tc_out(acc, hs, dinv, b):
    def body(acc_ref, hs_ref, dinv_ref, b_ref, o_ref):
        a = acc_ref[...]
        z = (a[0] + a[1] + hs_ref[...]) * dinv_ref[...] + b_ref[...][None, :]
        col = lax.broadcasted_iota(jnp.int32, (BLK, 128), 1)
        valid = col < 40
        zm = jnp.where(valid, z, NEG)
        m = jnp.max(zm, axis=1, keepdims=True)
        e = jnp.where(valid, jnp.exp(z - m), 0.0)
        ssum = jnp.sum(e, axis=1, keepdims=True)
        o_ref[...] = z - m - jnp.log(ssum)

    return pl.pallas_call(
        body,
        grid=(NP // BLK,),
        in_specs=[
            pl.BlockSpec((NSC, BLK, 128), lambda i: (0, i, 0)),
            pl.BlockSpec((BLK, 128), lambda i: (i, 0)),
            pl.BlockSpec((BLK, 1), lambda i: (i, 0)),
            pl.BlockSpec((128,), lambda i: (0,)),
        ],
        out_specs=pl.BlockSpec((BLK, 128), lambda i: (i, 0)),
        out_shape=jax.ShapeDtypeStruct((NP, 128), jnp.float32),
    )(acc, hs, dinv, b)


def kernel(x, edge_index, W1, b1, g1, be1, W2, b2, g2, be2, W3, b3):
    ei = edge_index.astype(jnp.int32)
    pad_e = jnp.full((EP - E,), N, jnp.int32)
    src = jnp.concatenate([ei[0], pad_e]).reshape(NTILES, NCHUNK, CHUNK)
    dstf = jnp.concatenate([ei[1], pad_e])
    dst = dstf.reshape(NTILES, NCHUNK, CHUNK)
    dstd = dstf.reshape(NTILES, DNCHUNK, DCHUNK)
    xp = jnp.pad(x, ((0, NP - N), (0, 0)))
    W3p = jnp.pad(W3, ((0, 0), (0, 128 - 40)))
    b3p = jnp.pad(b3, (0, 128 - 40))
    zeros128 = jnp.zeros((NP, 128), jnp.float32)
    ones128 = jnp.ones((DCHUNK, 128), jnp.float32)

    degp = _DEG(dstd, zeros128, ones128)
    hs1, dinv = _tc1(xp, W1, degp)
    acc1 = _AGG128(src, dst, hs1, zeros128)
    hs2 = _tc_mid(acc1, hs1, dinv, b1, g1, be1, W2, 128)
    acc2 = _AGG128(src, dst, hs2, zeros128)
    hs3 = _tc_mid(acc2, hs2, dinv, b2, g2, be2, W3p, 128)
    acc3 = _AGG128(src, dst, hs3, zeros128)
    outp = _tc_out(acc3, hs3, dinv, b3p)
    return outp[:N, :40]

# --- scband reference (transcript-rebuilt; emitter-appended) ---
"""Pipeline reference for scband-gcn-17197049053431 (READ-ONLY COPY).

The authoritative reference and input builder live on the scoring server;
editing this copy changes nothing except your own understanding.
"""

import jax, jax.numpy as jnp
import numpy as np

N_NODES = 10000
EPS = 1e-5

def gcn_conv(x, edge_index, W, b):
    # PyG GCNConv: add self-loops, symmetric normalization, scatter-add aggregation
    src = edge_index[0]
    dst = edge_index[1]
    loop = jnp.arange(N_NODES, dtype=edge_index.dtype)
    src = jnp.concatenate([src, loop])
    dst = jnp.concatenate([dst, loop])
    ones = jnp.ones(src.shape[0], dtype=x.dtype)
    deg = jnp.zeros((N_NODES,), dtype=x.dtype).at[dst].add(ones)
    dinv = jnp.where(deg > 0, 1.0 / jnp.sqrt(deg), 0.0)
    norm = dinv[src] * dinv[dst]
    h = x @ W
    msg = h[src] * norm[:, None]
    out = jnp.zeros((N_NODES, W.shape[1]), dtype=x.dtype).at[dst].add(msg)
    return out + b

def batchnorm_eval(x, gamma, beta):
    # eval-mode BatchNorm1d with running_mean=0, running_var=1
    return (x - 0.0) / jnp.sqrt(1.0 + EPS) * gamma + beta

def setup_inputs(seed: int = 0) -> dict:
    key = jax.random.key(seed)
    ks = jax.random.split(key, 12)
    x = jax.random.normal(ks[0], (N_NODES, 128), dtype=jnp.float32)
    edge_index = jax.random.randint(ks[1], (2, 320000), 0, N_NODES, dtype=jnp.int64)
    s = 1.0 / np.sqrt(128)
    W1 = jax.random.uniform(ks[2], (128, 128), jnp.float32, -s, s)
    b1 = jnp.zeros((128,), jnp.float32)
    W2 = jax.random.uniform(ks[3], (128, 128), jnp.float32, -s, s)
    b2 = jnp.zeros((128,), jnp.float32)
    W3 = jax.random.uniform(ks[4], (128, 40), jnp.float32, -s, s)
    b3 = jnp.zeros((40,), jnp.float32)
    g1 = jnp.ones((128,), jnp.float32)
    be1 = jnp.zeros((128,), jnp.float32)
    g2 = jnp.ones((128,), jnp.float32)
    be2 = jnp.zeros((128,), jnp.float32)
    return {"x": x, "edge_index": edge_index, "W1": W1, "b1": b1, "g1": g1, "be1": be1, "W2": W2, "b2": b2, "g2": g2, "be2": be2, "W3": W3, "b3": b3}

def reference(x, edge_index, W1, b1, g1, be1, W2, b2, g2, be2, W3, b3):
    # layer 1
    h = gcn_conv(x, edge_index, W1, b1)
    h = batchnorm_eval(h, g1, be1)
    h = jax.nn.relu(h)
    # dropout is identity in eval mode
    # layer 2
    h = gcn_conv(h, edge_index, W2, b2)
    h = batchnorm_eval(h, g2, be2)
    h = jax.nn.relu(h)
    # layer 3 (output)
    h = gcn_conv(h, edge_index, W3, b3)
    out = jax.nn.log_softmax(h, axis=1)
    return out

if __name__ == "__main__":
    import jax
    _d = setup_inputs()
    print(jax.jit(kernel)(*tuple(_d.values())))

</pallas_src>

<mosaic_0001>
#map = affine_map<(d0, d1) -> (0, 0, 0)>
#map1 = affine_map<(d0, d1) -> (0, 0)>
module attributes {stable_mosaic.version = 14 : i64} {
  func.func @agg_k(%arg0: i32, %arg1: i32, %arg2: memref<32x80x128xi32, #tpu.memory_space<hbm>>, %arg3: memref<32x80x128xi32, #tpu.memory_space<hbm>>, %arg4: memref<10240x128xf32, #tpu.memory_space<hbm>>, %arg5: memref<10240x128xf32, #tpu.memory_space<hbm>>, %arg6: memref<2x10240x128xf32, #tpu.memory_space<hbm>>, %arg7: memref<40x128xi32, #tpu.memory_space<vmem>>, %arg8: memref<40x128xi32, #tpu.memory_space<vmem>>, %arg9: memref<2x128x128xf32, #tpu.memory_space<vmem>>, %arg10: memref<10240x128xf32, #tpu.memory_space<vmem_shared>>, %arg11: memref<!tpu.dma_semaphore, #tpu.memory_space<semaphore_mem>>, %arg12: memref<!tpu.dma_semaphore, #tpu.memory_space<semaphore_mem>>, %arg13: memref<!tpu.dma_semaphore, #tpu.memory_space<semaphore_mem>>, %arg14: memref<!tpu.dma_semaphore, #tpu.memory_space<semaphore_mem>>) attributes {dimension_semantics = [#tpu.dimension_semantics<core_parallel>, #tpu.dimension_semantics<subcore_parallel>], iteration_bounds = array<i64: 2, 16>, scalar_prefetch = 0 : i64, scratch_operands = 8 : i64, tpu.core_type = #tpu.core_type<sc_vector_subcore>, window_params = [{transform_indices = #map}, {transform_indices = #map}, {transform_indices = #map1}, {transform_indices = #map1}, {transform_indices = #map}]} {
    %mul3A = arith.constant 16 : i32
    %mul3A_0 = arith.muli %arg0, %mul3A : i32
    %add3A = arith.addi %mul3A_0, %arg1 : i32
    %mul3A_1 = arith.constant 640 : i32
    %mul3A_2 = arith.muli %arg1, %mul3A_1 : i32
    "tpu.region"() ({
      %run_scoped3A = tpu.sem_alloc : memref<!tpu.dma_semaphore, #tpu.memory_space<semaphore_mem>>
      %dma_start3A_62 = arith.constant 0 : i32
      %dma_start3A_63 = tpu.memref_slice %arg10[%mul3A_2, %dma_start3A_62] : memref<10240x128xf32, #tpu.memory_space<vmem_shared>> -> memref<640x128xf32, #tpu.memory_space<vmem_shared>>
      %dma_start3A_64 = arith.constant 0 : i32
      %dma_start3A_65 = tpu.memref_slice %arg5[%mul3A_2, %dma_start3A_64] : memref<10240x128xf32, #tpu.memory_space<hbm>> -> memref<640x128xf32, #tpu.memory_space<hbm>>
      tpu.enqueue_dma source(%dma_start3A_65 : memref<640x128xf32, #tpu.memory_space<hbm>>) target(%dma_start3A_63 : memref<640x128xf32, #tpu.memory_space<vmem_shared>>) target_semaphore(%run_scoped3A : memref<!tpu.dma_semaphore, #tpu.memory_space<semaphore_mem>>)
      %dma_wait3A = arith.constant 0 : i32
      %dma_wait3A_66 = tpu.memref_slice %arg10[%mul3A_2, %dma_wait3A] : memref<10240x128xf32, #tpu.memory_space<vmem_shared>> -> memref<640x128xf32, #tpu.memory_space<vmem_shared>>
      %dma_wait3A_67 = arith.constant 0 : i32
      %dma_wait3A_68 = tpu.memref_slice %arg5[%mul3A_2, %dma_wait3A_67] : memref<10240x128xf32, #tpu.memory_space<hbm>> -> memref<640x128xf32, #tpu.memory_space<hbm>>
      tpu.wait_dma2 semaphore(%run_scoped3A : memref<!tpu.dma_semaphore, #tpu.memory_space<semaphore_mem>>) src(%dma_wait3A_68 : memref<640x128xf32, #tpu.memory_space<hbm>>) dst(%dma_wait3A_66 : memref<640x128xf32, #tpu.memory_space<vmem_shared>>)
      tpu.yield
    }) : () -> ()
    %barrier3A = arith.constant 0 : index
    tpu.barrier barrier_id(%barrier3A)
    "tpu.region"() ({
      %run_scoped3A = tpu.sem_alloc : memref<!tpu.dma_semaphore, #tpu.memory_space<semaphore_mem>>
      %dma_start3A_62 = arith.constant 0 : i32
      %dma_start3A_63 = arith.constant 0 : i32
      %dma_start3A_64 = tpu.memref_slice %arg2[%add3A, %dma_start3A_62, %dma_start3A_63] : memref<32x80x128xi32, #tpu.memory_space<hbm>> -> memref<1x40x128xi32, #tpu.memory_space<hbm>>
      %dma_start3A_65 = tpu.memref_squeeze %dma_start3A_64 : memref<1x40x128xi32, #tpu.memory_space<hbm>> -> memref<40x128xi32, #tpu.memory_space<hbm>>
      %dma_start3A_66 = arith.constant 0 : i32
      %dma_start3A_67 = arith.constant 0 : i32
      %dma_start3A_68 = tpu.memref_slice %arg2[%add3A, %dma_start3A_66, %dma_start3A_67] : memref<32x80x128xi32, #tpu.memory_space<hbm>> -> memref<1x40x128xi32, #tpu.memory_space<hbm>>
      %dma_start3A_69 = tpu.memref_squeeze %dma_start3A_68 : memref<1x40x128xi32, #tpu.memory_space<hbm>> -> memref<40x128xi32, #tpu.memory_space<hbm>>
      tpu.enqueue_dma source(%dma_start3A_69 : memref<40x128xi32, #tpu.memory_space<hbm>>) target(%arg7 : memref<40x128xi32, #tpu.memory_space<vmem>>) target_semaphore(%run_scoped3A : memref<!tpu.dma_semaphore, #tpu.memory_space<semaphore_mem>>)
      %dma_wait3A = arith.constant 0 : i32
      %dma_wait3A_70 = arith.constant 0 : i32
      %dma_wait3A_71 = tpu.memref_slice %arg2[%add3A, %dma_wait3A, %dma_wait3A_70] : memref<32x80x128xi32, #tpu.memory_space<hbm>> -> memref<1x40x128xi32, #tpu.memory_space<hbm>>
      %dma_wait3A_72 = tpu.memref_squeeze %dma_wait3A_71 : memref<1x40x128xi32, #tpu.memory_space<hbm>> -> memref<40x128xi32, #tpu.memory_space<hbm>>
      %dma_wait3A_73 = arith.constant 0 : i32
      %dma_wait3A_74 = arith.constant 0 : i32
      %dma_wait3A_75 = tpu.memref_slice %arg2[%add3A, %dma_wait3A_73, %dma_wait3A_74] : memref<32x80x128xi32, #tpu.memory_space<hbm>> -> memref<1x40x128xi32, #tpu.memory_space<hbm>>
      %dma_wait3A_76 = tpu.memref_squeeze %dma_wait3A_75 : memref<1x40x128xi32, #tpu.memory_space<hbm>> -> memref<40x128xi32, #tpu.memory_space<hbm>>
      tpu.wait_dma2 semaphore(%run_scoped3A : memref<!tpu.dma_semaphore, #tpu.memory_space<semaphore_mem>>) src(%dma_wait3A_76 : memref<40x128xi32, #tpu.memory_space<hbm>>) dst(%arg7 : memref<40x128xi32, #tpu.memory_space<vmem>>)
      tpu.yield
    }) : () -> ()
    "tpu.region"() ({
      %run_scoped3A = tpu.sem_alloc : memref<!tpu.dma_semaphore, #tpu.memory_space<semaphore_mem>>
      %dma_start3A_62 = arith.constant 0 : i32
      %dma_start3A_63 = arith.constant 0 : i32
      %dma_start3A_64 = tpu.memref_slice %arg3[%add3A, %dma_start3A_62, %dma_start3A_63] : memref<32x80x128xi32, #tpu.memory_space<hbm>> -> memref<1x40x128xi32, #tpu.memory_space<hbm>>
      %dma_start3A_65 = tpu.memref_squeeze %dma_start3A_64 : memref<1x40x128xi32, #tpu.memory_space<hbm>> -> memref<40x128xi32, #tpu.memory_space<hbm>>
      %dma_start3A_66 = arith.constant 0 : i32
      %dma_start3A_67 = arith.constant 0 : i32
      %dma_start3A_68 = tpu.memref_slice %arg3[%add3A, %dma_start3A_66, %dma_start3A_67] : memref<32x80x128xi32, #tpu.memory_space<hbm>> -> memref<1x40x128xi32, #tpu.memory_space<hbm>>
      %dma_start3A_69 = tpu.memref_squeeze %dma_start3A_68 : memref<1x40x128xi32, #tpu.memory_space<hbm>> -> memref<40x128xi32, #tpu.memory_space<hbm>>
      tpu.enqueue_dma source(%dma_start3A_69 : memref<40x128xi32, #tpu.memory_space<hbm>>) target(%arg8 : memref<40x128xi32, #tpu.memory_space<vmem>>) target_semaphore(%run_scoped3A : memref<!tpu.dma_semaphore, #tpu.memory_space<semaphore_mem>>)
      %dma_wait3A = arith.constant 0 : i32
      %dma_wait3A_70 = arith.constant 0 : i32
      %dma_wait3A_71 = tpu.memref_slice %arg3[%add3A, %dma_wait3A, %dma_wait3A_70] : memref<32x80x128xi32, #tpu.memory_space<hbm>> -> memref<1x40x128xi32, #tpu.memory_space<hbm>>
      %dma_wait3A_72 = tpu.memref_squeeze %dma_wait3A_71 : memref<1x40x128xi32, #tpu.memory_space<hbm>> -> memref<40x128xi32, #tpu.memory_space<hbm>>
      %dma_wait3A_73 = arith.constant 0 : i32
      %dma_wait3A_74 = arith.constant 0 : i32
      %dma_wait3A_75 = tpu.memref_slice %arg3[%add3A, %dma_wait3A_73, %dma_wait3A_74] : memref<32x80x128xi32, #tpu.memory_space<hbm>> -> memref<1x40x128xi32, #tpu.memory_space<hbm>>
      %dma_wait3A_76 = tpu.memref_squeeze %dma_wait3A_75 : memref<1x40x128xi32, #tpu.memory_space<hbm>> -> memref<40x128xi32, #tpu.memory_space<hbm>>
      tpu.wait_dma2 semaphore(%run_scoped3A : memref<!tpu.dma_semaphore, #tpu.memory_space<semaphore_mem>>) src(%dma_wait3A_76 : memref<40x128xi32, #tpu.memory_space<hbm>>) dst(%arg8 : memref<40x128xi32, #tpu.memory_space<vmem>>)
      tpu.yield
    }) : () -> ()
    %dma_start3A = arith.constant 0 : i32
    %dma_start3A_3 = arith.constant 0 : i32
    %dma_start3A_4 = arith.constant 0 : i32
    %dma_start3A_5 = arith.constant 0 : i32
    %dma_start3A_6 = tpu.memref_slice %arg9[%dma_start3A_3, %dma_start3A_4, %dma_start3A_5] : memref<2x128x128xf32, #tpu.memory_space<vmem>> -> memref<1x128x128xf32, #tpu.memory_space<vmem>>
    %dma_start3A_7 = tpu.memref_squeeze %dma_start3A_6 : memref<1x128x128xf32, #tpu.memory_space<vmem>> -> memref<128x128xf32, #tpu.memory_space<vmem>>
    %dma_start3A_8 = arith.constant 0 : i32
    %dma_start3A_9 = tpu.memref_slice %arg7[%dma_start3A, %dma_start3A_8] : memref<40x128xi32, #tpu.memory_space<vmem>> -> memref<1x128xi32, #tpu.memory_space<vmem>>
    %dma_start3A_10 = tpu.memref_squeeze %dma_start3A_9 : memref<1x128xi32, #tpu.memory_space<vmem>> -> memref<128xi32, #tpu.memory_space<vmem>>
    %dma_start3A_11 = arith.constant 0 : i32
    %dma_start3A_12 = arith.constant 0 : i32
    %dma_start3A_13 = tpu.memref_slice %arg4[%dma_start3A_11, %dma_start3A_12] : memref<10240x128xf32, #tpu.memory_space<hbm>> -> memref<10240x128xf32, #tpu.memory_space<hbm>>
    tpu.enqueue_indirect_dma source(%dma_start3A_13 : memref<10240x128xf32, #tpu.memory_space<hbm>>) target(%dma_start3A_7 : memref<128x128xf32, #tpu.memory_space<vmem>>) offsets(%dma_start3A_10 : memref<128xi32, #tpu.memory_space<vmem>>) semaphore(%arg11 : memref<!tpu.dma_semaphore, #tpu.memory_space<semaphore_mem>>)
    %dma_start3A_14 = arith.constant 1 : i32
    %dma_start3A_15 = arith.constant 1 : i32
    %dma_start3A_16 = arith.constant 0 : i32
    %dma_start3A_17 = arith.constant 0 : i32
    %dma_start3A_18 = tpu.memref_slice %arg9[%dma_start3A_15, %dma_start3A_16, %dma_start3A_17] : memref<2x128x128xf32, #tpu.memory_space<vmem>> -> memref<1x128x128xf32, #tpu.memory_space<vmem>>
    %dma_start3A_19 = tpu.memref_squeeze %dma_start3A_18 : memref<1x128x128xf32, #tpu.memory_space<vmem>> -> memref<128x128xf32, #tpu.memory_space<vmem>>
    %dma_start3A_20 = arith.constant 0 : i32
    %dma_start3A_21 = tpu.memref_slice %arg7[%dma_start3A_14, %dma_start3A_20] : memref<40x128xi32, #tpu.memory_space<vmem>> -> memref<1x128xi32, #tpu.memory_space<vmem>>
    %dma_start3A_22 = tpu.memref_squeeze %dma_start3A_21 : memref<1x128xi32, #tpu.memory_space<vmem>> -> memref<128xi32, #tpu.memory_space<vmem>>
    %dma_start3A_23 = arith.constant 0 : i32
    %dma_start3A_24 = arith.constant 0 : i32
    %dma_start3A_25 = tpu.memref_slice %arg4[%dma_start3A_23, %dma_start3A_24] : memref<10240x128xf32, #tpu.memory_space<hbm>> -> memref<10240x128xf32, #tpu.memory_space<hbm>>
    tpu.enqueue_indirect_dma source(%dma_start3A_25 : memref<10240x128xf32, #tpu.memory_space<hbm>>) target(%dma_start3A_19 : memref<128x128xf32, #tpu.memory_space<vmem>>) offsets(%dma_start3A_22 : memref<128xi32, #tpu.memory_space<vmem>>) semaphore(%arg12 : memref<!tpu.dma_semaphore, #tpu.memory_space<semaphore_mem>>)
    %scan3A = arith.constant 0 : i32
    %scan3A_26 = arith.constant 0 : i32
    %scan3A_27 = arith.constant 20 : i32
    %scan3A_28 = arith.addi %scan3A_26, %scan3A_27 : i32
    %scan3A_29 = arith.constant 1 : i32
    scf.for %scan3A_62 = %scan3A_26 to %scan3A_28 step %scan3A_29  : i32 {
      %mul3A_63 = arith.constant 2 : i32
      %mul3A_64 = arith.muli %scan3A_62, %mul3A_63 : i32
      %add3A_65 = arith.constant 0 : i32
      %add3A_66 = arith.addi %mul3A_64, %add3A_65 : i32
      %dma_wait3A = arith.constant 0 : i32
      %dma_wait3A_67 = arith.constant 0 : i32
      %dma_wait3A_68 = arith.constant 0 : i32
      %dma_wait3A_69 = tpu.memref_slice %arg9[%dma_wait3A, %dma_wait3A_67, %dma_wait3A_68] : memref<2x128x128xf32, #tpu.memory_space<vmem>> -> memref<1x128x128xf32, #tpu.memory_space<vmem>>
      %dma_wait3A_70 = tpu.memref_squeeze %dma_wait3A_69 : memref<1x128x128xf32, #tpu.memory_space<vmem>> -> memref<128x128xf32, #tpu.memory_space<vmem>>
      %dma_wait3A_71 = arith.constant 0 : i32
      %dma_wait3A_72 = arith.constant 0 : i32
      %dma_wait3A_73 = tpu.memref_slice %arg4[%dma_wait3A_71, %dma_wait3A_72] : memref<10240x128xf32, #tpu.memory_space<hbm>> -> memref<128x128xf32, #tpu.memory_space<hbm>>
      %dma_wait3A_74 = arith.constant 0 : i32
      %dma_wait3A_75 = arith.constant 0 : i32
      %dma_wait3A_76 = tpu.memref_slice %arg9[%dma_wait3A, %dma_wait3A_74, %dma_wait3A_75] : memref<2x128x128xf32, #tpu.memory_space<vmem>> -> memref<1x128x128xf32, #tpu.memory_space<vmem>>
      %dma_wait3A_77 = tpu.memref_squeeze %dma_wait3A_76 : memref<1x128x128xf32, #tpu.memory_space<vmem>> -> memref<128x128xf32, #tpu.memory_space<vmem>>
      %dma_wait3A_78 = arith.constant 0 : i32
      %dma_wait3A_79 = arith.constant 0 : i32
      %dma_wait3A_80 = tpu.memref_slice %arg4[%dma_wait3A_78, %dma_wait3A_79] : memref<10240x128xf32, #tpu.memory_space<hbm>> -> memref<128x128xf32, #tpu.memory_space<hbm>>
      tpu.wait_dma2 semaphore(%arg11 : memref<!tpu.dma_semaphore, #tpu.memory_space<semaphore_mem>>) src(%dma_wait3A_80 : memref<128x128xf32, #tpu.memory_space<hbm>>) dst(%dma_wait3A_77 : memref<128x128xf32, #tpu.memory_space<vmem>>)
      %dma_start3A_81 = arith.constant 0 : i32
      %dma_start3A_82 = arith.constant 0 : i32
      %dma_start3A_83 = arith.constant 0 : i32
      %dma_start3A_84 = tpu.memref_slice %arg9[%dma_start3A_81, %dma_start3A_82, %dma_start3A_83] : memref<2x128x128xf32, #tpu.memory_space<vmem>> -> memref<1x128x128xf32, #tpu.memory_space<vmem>>
      %dma_start3A_85 = tpu.memref_squeeze %dma_start3A_84 : memref<1x128x128xf32, #tpu.memory_space<vmem>> -> memref<128x128xf32, #tpu.memory_space<vmem>>
      %dma_start3A_86 = arith.constant 0 : i32
      %dma_start3A_87 = tpu.memref_slice %arg8[%add3A_66, %dma_start3A_86] : memref<40x128xi32, #tpu.memory_space<vmem>> -> memref<1x128xi32, #tpu.memory_space<vmem>>
      %dma_start3A_88 = tpu.memref_squeeze %dma_start3A_87 : memref<1x128xi32, #tpu.memory_space<vmem>> -> memref<128xi32, #tpu.memory_space<vmem>>
      %dma_start3A_89 = arith.constant 0 : i32
      %dma_start3A_90 = arith.constant 0 : i32
      %dma_start3A_91 = tpu.memref_slice %arg10[%dma_start3A_89, %dma_start3A_90] : memref<10240x128xf32, #tpu.memory_space<vmem_shared>> -> memref<10240x128xf32, #tpu.memory_space<vmem_shared>>
      tpu.enqueue_indirect_dma source(%dma_start3A_85 : memref<128x128xf32, #tpu.memory_space<vmem>>) target(%dma_start3A_91 : memref<10240x128xf32, #tpu.memory_space<vmem_shared>>) offsets(%dma_start3A_88 : memref<128xi32, #tpu.memory_space<vmem>>) semaphore(%arg13 : memref<!tpu.dma_semaphore, #tpu.memory_space<semaphore_mem>>) {add = true}
      %mul3A_92 = arith.constant 2 : i32
      %mul3A_93 = arith.muli %scan3A_62, %mul3A_92 : i32
      %add3A_94 = arith.constant 1 : i32
      %add3A_95 = arith.addi %mul3A_93, %add3A_94 : i32
      %dma_wait3A_96 = arith.constant 1 : i32
      %dma_wait3A_97 = arith.constant 0 : i32
      %dma_wait3A_98 = arith.constant 0 : i32
      %dma_wait3A_99 = tpu.memref_slice %arg9[%dma_wait3A_96, %dma_wait3A_97, %dma_wait3A_98] : memref<2x128x128xf32, #tpu.memory_space<vmem>> -> memref<1x128x128xf32, #tpu.memory_space<vmem>>
      %dma_wait3A_100 = tpu.memref_squeeze %dma_wait3A_99 : memref<1x128x128xf32, #tpu.memory_space<vmem>> -> memref<128x128xf32, #tpu.memory_space<vmem>>
      %dma_wait3A_101 = arith.constant 0 : i32
      %dma_wait3A_102 = arith.constant 0 : i32
      %dma_wait3A_103 = tpu.memref_slice %arg4[%dma_wait3A_101, %dma_wait3A_102] : memref<10240x128xf32, #tpu.memory_space<hbm>> -> memref<128x128xf32, #tpu.memory_space<hbm>>
      %dma_wait3A_104 = arith.constant 0 : i32
      %dma_wait3A_105 = arith.constant 0 : i32
      %dma_wait3A_106 = tpu.memref_slice %arg9[%dma_wait3A_96, %dma_wait3A_104, %dma_wait3A_105] : memref<2x128x128xf32, #tpu.memory_space<vmem>> -> memref<1x128x128xf32, #tpu.memory_space<vmem>>
      %dma_wait3A_107 = tpu.memref_squeeze %dma_wait3A_106 : memref<1x128x128xf32, #tpu.memory_space<vmem>> -> memref<128x128xf32, #tpu.memory_space<vmem>>
      %dma_wait3A_108 = arith.constant 0 : i32
      %dma_wait3A_109 = arith.constant 0 : i32
      %dma_wait3A_110 = tpu.memref_slice %arg4[%dma_wait3A_108, %dma_wait3A_109] : memref<10240x128xf32, #tpu.memory_space<hbm>> -> memref<128x128xf32, #tpu.memory_space<hbm>>
      tpu.wait_dma2 semaphore(%arg12 : memref<!tpu.dma_semaphore, #tpu.memory_space<semaphore_mem>>) src(%dma_wait3A_110 : memref<128x128xf32, #tpu.memory_space<hbm>>) dst(%dma_wait3A_107 : memref<128x128xf32, #tpu.memory_space<vmem>>)
      %dma_start3A_111 = arith.constant 1 : i32
      %dma_start3A_112 = arith.constant 0 : i32
      %dma_start3A_113 = arith.constant 0 : i32
      %dma_start3A_114 = tpu.memref_slice %arg9[%dma_start3A_111, %dma_start3A_112, %dma_start3A_113] : memref<2x128x128xf32, #tpu.memory_space<vmem>> -> memref<1x128x128xf32, #tpu.memory_space<vmem>>
      %dma_start3A_115 = tpu.memref_squeeze %dma_start3A_114 : memref<1x128x128xf32, #tpu.memory_space<vmem>> -> memref<128x128xf32, #tpu.memory_space<vmem>>
      %dma_start3A_116 = arith.constant 0 : i32
      %dma_start3A_117 = tpu.memref_slice %arg8[%add3A_95, %dma_start3A_116] : memref<40x128xi32, #tpu.memory_space<vmem>> -> memref<1x128xi32, #tpu.memory_space<vmem>>
      %dma_start3A_118 = tpu.memref_squeeze %dma_start3A_117 : memref<1x128xi32, #tpu.memory_space<vmem>> -> memref<128xi32, #tpu.memory_space<vmem>>
      %dma_start3A_119 = arith.constant 0 : i32
      %dma_start3A_120 = arith.constant 0 : i32
      %dma_start3A_121 = tpu.memref_slice %arg10[%dma_start3A_119, %dma_start3A_120] : memref<10240x128xf32, #tpu.memory_space<vmem_shared>> -> memref<10240x128xf32, #tpu.memory_space<vmem_shared>>
      tpu.enqueue_indirect_dma source(%dma_start3A_115 : memref<128x128xf32, #tpu.memory_space<vmem>>) target(%dma_start3A_121 : memref<10240x128xf32, #tpu.memory_space<vmem_shared>>) offsets(%dma_start3A_118 : memref<128xi32, #tpu.memory_space<vmem>>) semaphore(%arg14 : memref<!tpu.dma_semaphore, #tpu.memory_space<semaphore_mem>>) {add = true}
      %dma_wait3A_122 = arith.constant 0 : i32
      %dma_wait3A_123 = arith.constant 0 : i32
      %dma_wait3A_124 = arith.constant 0 : i32
      %dma_wait3A_125 = tpu.memref_slice %arg9[%dma_wait3A_122, %dma_wait3A_123, %dma_wait3A_124] : memref<2x128x128xf32, #tpu.memory_space<vmem>> -> memref<1x128x128xf32, #tpu.memory_space<vmem>>
      %dma_wait3A_126 = tpu.memref_squeeze %dma_wait3A_125 : memref<1x128x128xf32, #tpu.memory_space<vmem>> -> memref<128x128xf32, #tpu.memory_space<vmem>>
      %dma_wait3A_127 = arith.constant 0 : i32
      %dma_wait3A_128 = tpu.memref_slice %arg8[%add3A_66, %dma_wait3A_127] : memref<40x128xi32, #tpu.memory_space<vmem>> -> memref<1x128xi32, #tpu.memory_space<vmem>>
      %dma_wait3A_129 = tpu.memref_squeeze %dma_wait3A_128 : memref<1x128xi32, #tpu.memory_space<vmem>> -> memref<128xi32, #tpu.memory_space<vmem>>
      %dma_wait3A_130 = arith.constant 0 : i32
      %dma_wait3A_131 = arith.constant 0 : i32
      %dma_wait3A_132 = tpu.memref_slice %arg10[%dma_wait3A_130, %dma_wait3A_131] : memref<10240x128xf32, #tpu.memory_space<vmem_shared>> -> memref<10240x128xf32, #tpu.memory_space<vmem_shared>>
      tpu.wait_indirect_dma semaphore(%arg13 : memref<!tpu.dma_semaphore, #tpu.memory_space<semaphore_mem>>) src(%dma_wait3A_126 : memref<128x128xf32, #tpu.memory_space<vmem>>) dst(%dma_wait3A_132 : memref<10240x128xf32, #tpu.memory_space<vmem_shared>>)
      %add3A_133 = arith.constant 1 : i32
      %add3A_134 = arith.addi %scan3A_62, %add3A_133 : i32
      %mul3A_135 = arith.constant 2 : i32
      %mul3A_136 = arith.muli %add3A_134, %mul3A_135 : i32
      %add3A_137 = arith.constant 0 : i32
      %add3A_138 = arith.addi %mul3A_136, %add3A_137 : i32
      %lt3A = arith.constant 40 : i32
      %lt3A_139 = arith.cmpi slt, %add3A_138, %lt3A : i32
      %convert_element_type3A = arith.extui %lt3A_139 : i1 to i32
      %cond3A = arith.constant 0 : i32
      %cond3A_140 = arith.cmpi ne, %convert_element_type3A, %cond3A : i32
      scf.if %cond3A_140 {
        %dma_start3A_163 = arith.constant 0 : i32
        %dma_start3A_164 = arith.constant 0 : i32
        %dma_start3A_165 = arith.constant 0 : i32
        %dma_start3A_166 = tpu.memref_slice %arg9[%dma_start3A_163, %dma_start3A_164, %dma_start3A_165] : memref<2x128x128xf32, #tpu.memory_space<vmem>> -> memref<1x128x128xf32, #tpu.memory_space<vmem>>
        %dma_start3A_167 = tpu.memref_squeeze %dma_start3A_166 : memref<1x128x128xf32, #tpu.memory_space<vmem>> -> memref<128x128xf32, #tpu.memory_space<vmem>>
        %dma_start3A_168 = arith.constant 0 : i32
        %dma_start3A_169 = tpu.memref_slice %arg7[%add3A_138, %dma_start3A_168] : memref<40x128xi32, #tpu.memory_space<vmem>> -> memref<1x128xi32, #tpu.memory_space<vmem>>
        %dma_start3A_170 = tpu.memref_squeeze %dma_start3A_169 : memref<1x128xi32, #tpu.memory_space<vmem>> -> memref<128xi32, #tpu.memory_space<vmem>>
        %dma_start3A_171 = arith.constant 0 : i32
        %dma_start3A_172 = arith.constant 0 : i32
        %dma_start3A_173 = tpu.memref_slice %arg4[%dma_start3A_171, %dma_start3A_172] : memref<10240x128xf32, #tpu.memory_space<hbm>> -> memref<10240x128xf32, #tpu.memory_space<hbm>>
        tpu.enqueue_indirect_dma source(%dma_start3A_173 : memref<10240x128xf32, #tpu.memory_space<hbm>>) target(%dma_start3A_167 : memref<128x128xf32, #tpu.memory_space<vmem>>) offsets(%dma_start3A_170 : memref<128xi32, #tpu.memory_space<vmem>>) semaphore(%arg11 : memref<!tpu.dma_semaphore, #tpu.memory_space<semaphore_mem>>)
      } else {
      }
      %dma_wait3A_141 = arith.constant 1 : i32
      %dma_wait3A_142 = arith.constant 0 : i32
      %dma_wait3A_143 = arith.constant 0 : i32
      %dma_wait3A_144 = tpu.memref_slice %arg9[%dma_wait3A_141, %dma_wait3A_142, %dma_wait3A_143] : memref<2x128x128xf32, #tpu.memory_space<vmem>> -> memref<1x128x128xf32, #tpu.memory_space<vmem>>
      %dma_wait3A_145 = tpu.memref_squeeze %dma_wait3A_144 : memref<1x128x128xf32, #tpu.memory_space<vmem>> -> memref<128x128xf32, #tpu.memory_space<vmem>>
      %dma_wait3A_146 = arith.constant 0 : i32
      %dma_wait3A_147 = tpu.memref_slice %arg8[%add3A_95, %dma_wait3A_146] : memref<40x128xi32, #tpu.memory_space<vmem>> -> memref<1x128xi32, #tpu.memory_space<vmem>>
      %dma_wait3A_148 = tpu.memref_squeeze %dma_wait3A_147 : memref<1x128xi32, #tpu.memory_space<vmem>> -> memref<128xi32, #tpu.memory_space<vmem>>
      %dma_wait3A_149 = arith.constant 0 : i32
      %dma_wait3A_150 = arith.constant 0 : i32
      %dma_wait3A_151 = tpu.memref_slice %arg10[%dma_wait3A_149, %dma_wait3A_150] : memref<10240x128xf32, #tpu.memory_space<vmem_shared>> -> memref<10240x128xf32, #tpu.memory_space<vmem_shared>>
      tpu.wait_indirect_dma semaphore(%arg14 : memref<!tpu.dma_semaphore, #tpu.memory_space<semaphore_mem>>) src(%dma_wait3A_145 : memref<128x128xf32, #tpu.memory_space<vmem>>) dst(%dma_wait3A_151 : memref<10240x128xf32, #tpu.memory_space<vmem_shared>>)
      %add3A_152 = arith.constant 1 : i32
      %add3A_153 = arith.addi %scan3A_62, %add3A_152 : i32
      %mul3A_154 = arith.constant 2 : i32
      %mul3A_155 = arith.muli %add3A_153, %mul3A_154 : i32
      %add3A_156 = arith.constant 1 : i32
      %add3A_157 = arith.addi %mul3A_155, %add3A_156 : i32
      %lt3A_158 = arith.constant 40 : i32
      %lt3A_159 = arith.cmpi slt, %add3A_157, %lt3A_158 : i32
      %convert_element_type3A_160 = arith.extui %lt3A_159 : i1 to i32
      %cond3A_161 = arith.constant 0 : i32
      %cond3A_162 = arith.cmpi ne, %convert_element_type3A_160, %cond3A_161 : i32
      scf.if %cond3A_162 {
        %dma_start3A_163 = arith.constant 1 : i32
        %dma_start3A_164 = arith.constant 0 : i32
        %dma_start3A_165 = arith.constant 0 : i32
        %dma_start3A_166 = tpu.memref_slice %arg9[%dma_start3A_163, %dma_start3A_164, %dma_start3A_165] : memref<2x128x128xf32, #tpu.memory_space<vmem>> -> memref<1x128x128xf32, #tpu.memory_space<vmem>>
        %dma_start3A_167 = tpu.memref_squeeze %dma_start3A_166 : memref<1x128x128xf32, #tpu.memory_space<vmem>> -> memref<128x128xf32, #tpu.memory_space<vmem>>
        %dma_start3A_168 = arith.constant 0 : i32
        %dma_start3A_169 = tpu.memref_slice %arg7[%add3A_157, %dma_start3A_168] : memref<40x128xi32, #tpu.memory_space<vmem>> -> memref<1x128xi32, #tpu.memory_space<vmem>>
        %dma_start3A_170 = tpu.memref_squeeze %dma_start3A_169 : memref<1x128xi32, #tpu.memory_space<vmem>> -> memref<128xi32, #tpu.memory_space<vmem>>
        %dma_start3A_171 = arith.constant 0 : i32
        %dma_start3A_172 = arith.constant 0 : i32
        %dma_start3A_173 = tpu.memref_slice %arg4[%dma_start3A_171, %dma_start3A_172] : memref<10240x128xf32, #tpu.memory_space<hbm>> -> memref<10240x128xf32, #tpu.memory_space<hbm>>
        tpu.enqueue_indirect_dma source(%dma_start3A_173 : memref<10240x128xf32, #tpu.memory_space<hbm>>) target(%dma_start3A_167 : memref<128x128xf32, #tpu.memory_space<vmem>>) offsets(%dma_start3A_170 : memref<128xi32, #tpu.memory_space<vmem>>) semaphore(%arg12 : memref<!tpu.dma_semaphore, #tpu.memory_space<semaphore_mem>>)
      } else {
      }
    }
    %scan3A_30 = arith.constant 20 : i32
    "tpu.region"() ({
      %run_scoped3A = tpu.sem_alloc : memref<!tpu.dma_semaphore, #tpu.memory_space<semaphore_mem>>
      %dma_start3A_62 = arith.constant 40 : i32
      %dma_start3A_63 = arith.constant 0 : i32
      %dma_start3A_64 = tpu.memref_slice %arg2[%add3A, %dma_start3A_62, %dma_start3A_63] : memref<32x80x128xi32, #tpu.memory_space<hbm>> -> memref<1x40x128xi32, #tpu.memory_space<hbm>>
      %dma_start3A_65 = tpu.memref_squeeze %dma_start3A_64 : memref<1x40x128xi32, #tpu.memory_space<hbm>> -> memref<40x128xi32, #tpu.memory_space<hbm>>
      %dma_start3A_66 = arith.constant 40 : i32
      %dma_start3A_67 = arith.constant 0 : i32
      %dma_start3A_68 = tpu.memref_slice %arg2[%add3A, %dma_start3A_66, %dma_start3A_67] : memref<32x80x128xi32, #tpu.memory_space<hbm>> -> memref<1x40x128xi32, #tpu.memory_space<hbm>>
      %dma_start3A_69 = tpu.memref_squeeze %dma_start3A_68 : memref<1x40x128xi32, #tpu.memory_space<hbm>> -> memref<40x128xi32, #tpu.memory_space<hbm>>
      tpu.enqueue_dma source(%dma_start3A_69 : memref<40x128xi32, #tpu.memory_space<hbm>>) target(%arg7 : memref<40x128xi32, #tpu.memory_space<vmem>>) target_semaphore(%run_scoped3A : memref<!tpu.dma_semaphore, #tpu.memory_space<semaphore_mem>>)
      %dma_wait3A = arith.constant 40 : i32
      %dma_wait3A_70 = arith.constant 0 : i32
      %dma_wait3A_71 = tpu.memref_slice %arg2[%add3A, %dma_wait3A, %dma_wait3A_70] : memref<32x80x128xi32, #tpu.memory_space<hbm>> -> memref<1x40x128xi32, #tpu.memory_space<hbm>>
      %dma_wait3A_72 = tpu.memref_squeeze %dma_wait3A_71 : memref<1x40x128xi32, #tpu.memory_space<hbm>> -> memref<40x128xi32, #tpu.memory_space<hbm>>
      %dma_wait3A_73 = arith.constant 40 : i32
      %dma_wait3A_74 = arith.constant 0 : i32
      %dma_wait3A_75 = tpu.memref_slice %arg2[%add3A, %dma_wait3A_73, %dma_wait3A_74] : memref<32x80x128xi32, #tpu.memory_space<hbm>> -> memref<1x40x128xi32, #tpu.memory_space<hbm>>
      %dma_wait3A_76 = tpu.memref_squeeze %dma_wait3A_75 : memref<1x40x128xi32, #tpu.memory_space<hbm>> -> memref<40x128xi32, #tpu.memory_space<hbm>>
      tpu.wait_dma2 semaphore(%run_scoped3A : memref<!tpu.dma_semaphore, #tpu.memory_space<semaphore_mem>>) src(%dma_wait3A_76 : memref<40x128xi32, #tpu.memory_space<hbm>>) dst(%arg7 : memref<40x128xi32, #tpu.memory_space<vmem>>)
      tpu.yield
    }) : () -> ()
    "tpu.region"() ({
      %run_scoped3A = tpu.sem_alloc : memref<!tpu.dma_semaphore, #tpu.memory_space<semaphore_mem>>
      %dma_start3A_62 = arith.constant 40 : i32
      %dma_start3A_63 = arith.constant 0 : i32
      %dma_start3A_64 = tpu.memref_slice %arg3[%add3A, %dma_start3A_62, %dma_start3A_63] : memref<32x80x128xi32, #tpu.memory_space<hbm>> -> memref<1x40x128xi32, #tpu.memory_space<hbm>>
      %dma_start3A_65 = tpu.memref_squeeze %dma_start3A_64 : memref<1x40x128xi32, #tpu.memory_space<hbm>> -> memref<40x128xi32, #tpu.memory_space<hbm>>
      %dma_start3A_66 = arith.constant 40 : i32
      %dma_start3A_67 = arith.constant 0 : i32
      %dma_start3A_68 = tpu.memref_slice %arg3[%add3A, %dma_start3A_66, %dma_start3A_67] : memref<32x80x128xi32, #tpu.memory_space<hbm>> -> memref<1x40x128xi32, #tpu.memory_space<hbm>>
      %dma_start3A_69 = tpu.memref_squeeze %dma_start3A_68 : memref<1x40x128xi32, #tpu.memory_space<hbm>> -> memref<40x128xi32, #tpu.memory_space<hbm>>
      tpu.enqueue_dma source(%dma_start3A_69 : memref<40x128xi32, #tpu.memory_space<hbm>>) target(%arg8 : memref<40x128xi32, #tpu.memory_space<vmem>>) target_semaphore(%run_scoped3A : memref<!tpu.dma_semaphore, #tpu.memory_space<semaphore_mem>>)
      %dma_wait3A = arith.constant 40 : i32
      %dma_wait3A_70 = arith.constant 0 : i32
      %dma_wait3A_71 = tpu.memref_slice %arg3[%add3A, %dma_wait3A, %dma_wait3A_70] : memref<32x80x128xi32, #tpu.memory_space<hbm>> -> memref<1x40x128xi32, #tpu.memory_space<hbm>>
      %dma_wait3A_72 = tpu.memref_squeeze %dma_wait3A_71 : memref<1x40x128xi32, #tpu.memory_space<hbm>> -> memref<40x128xi32, #tpu.memory_space<hbm>>
      %dma_wait3A_73 = arith.constant 40 : i32
      %dma_wait3A_74 = arith.constant 0 : i32
      %dma_wait3A_75 = tpu.memref_slice %arg3[%add3A, %dma_wait3A_73, %dma_wait3A_74] : memref<32x80x128xi32, #tpu.memory_space<hbm>> -> memref<1x40x128xi32, #tpu.memory_space<hbm>>
      %dma_wait3A_76 = tpu.memref_squeeze %dma_wait3A_75 : memref<1x40x128xi32, #tpu.memory_space<hbm>> -> memref<40x128xi32, #tpu.memory_space<hbm>>
      tpu.wait_dma2 semaphore(%run_scoped3A : memref<!tpu.dma_semaphore, #tpu.memory_space<semaphore_mem>>) src(%dma_wait3A_76 : memref<40x128xi32, #tpu.memory_space<hbm>>) dst(%arg8 : memref<40x128xi32, #tpu.memory_space<vmem>>)
      tpu.yield
    }) : () -> ()
    %dma_start3A_31 = arith.constant 0 : i32
    %dma_start3A_32 = arith.constant 0 : i32
    %dma_start3A_33 = arith.constant 0 : i32
    %dma_start3A_34 = arith.constant 0 : i32
    %dma_start3A_35 = tpu.memref_slice %arg9[%dma_start3A_32, %dma_start3A_33, %dma_start3A_34] : memref<2x128x128xf32, #tpu.memory_space<vmem>> -> memref<1x128x128xf32, #tpu.memory_space<vmem>>
    %dma_start3A_36 = tpu.memref_squeeze %dma_start3A_35 : memref<1x128x128xf32, #tpu.memory_space<vmem>> -> memref<128x128xf32, #tpu.memory_space<vmem>>
    %dma_start3A_37 = arith.constant 0 : i32
    %dma_start3A_38 = tpu.memref_slice %arg7[%dma_start3A_31, %dma_start3A_37] : memref<40x128xi32, #tpu.memory_space<vmem>> -> memref<1x128xi32, #tpu.memory_space<vmem>>
    %dma_start3A_39 = tpu.memref_squeeze %dma_start3A_38 : memref<1x128xi32, #tpu.memory_space<vmem>> -> memref<128xi32, #tpu.memory_space<vmem>>
    %dma_start3A_40 = arith.constant 0 : i32
    %dma_start3A_41 = arith.constant 0 : i32
    %dma_start3A_42 = tpu.memref_slice %arg4[%dma_start3A_40, %dma_start3A_41] : memref<10240x128xf32, #tpu.memory_space<hbm>> -> memref<10240x128xf32, #tpu.memory_space<hbm>>
    tpu.enqueue_indirect_dma source(%dma_start3A_42 : memref<10240x128xf32, #tpu.memory_space<hbm>>) target(%dma_start3A_36 : memref<128x128xf32, #tpu.memory_space<vmem>>) offsets(%dma_start3A_39 : memref<128xi32, #tpu.memory_space<vmem>>) semaphore(%arg11 : memref<!tpu.dma_semaphore, #tpu.memory_space<semaphore_mem>>)
    %dma_start3A_43 = arith.constant 1 : i32
    %dma_start3A_44 = arith.constant 1 : i32
    %dma_start3A_45 = arith.constant 0 : i32
    %dma_start3A_46 = arith.constant 0 : i32
    %dma_start3A_47 = tpu.memref_slice %arg9[%dma_start3A_44, %dma_start3A_45, %dma_start3A_46] : memref<2x128x128xf32, #tpu.memory_space<vmem>> -> memref<1x128x128xf32, #tpu.memory_space<vmem>>
    %dma_start3A_48 = tpu.memref_squeeze %dma_start3A_47 : memref<1x128x128xf32, #tpu.memory_space<vmem>> -> memref<128x128xf32, #tpu.memory_space<vmem>>
    %dma_start3A_49 = arith.constant 0 : i32
    %dma_start3A_50 = tpu.memref_slice %arg7[%dma_start3A_43, %dma_start3A_49] : memref<40x128xi32, #tpu.memory_space<vmem>> -> memref<1x128xi32, #tpu.memory_space<vmem>>
    %dma_start3A_51 = tpu.memref_squeeze %dma_start3A_50 : memref<1x128xi32, #tpu.memory_space<vmem>> -> memref<128xi32, #tpu.memory_space<vmem>>
    %dma_start3A_52 = arith.constant 0 : i32
    %dma_start3A_53 = arith.constant 0 : i32
    %dma_start3A_54 = tpu.memref_slice %arg4[%dma_start3A_52, %dma_start3A_53] : memref<10240x128xf32, #tpu.memory_space<hbm>> -> memref<10240x128xf32, #tpu.memory_space<hbm>>
    tpu.enqueue_indirect_dma source(%dma_start3A_54 : memref<10240x128xf32, #tpu.memory_space<hbm>>) target(%dma_start3A_48 : memref<128x128xf32, #tpu.memory_space<vmem>>) offsets(%dma_start3A_51 : memref<128xi32, #tpu.memory_space<vmem>>) semaphore(%arg12 : memref<!tpu.dma_semaphore, #tpu.memory_space<semaphore_mem>>)
    %scan3A_55 = arith.constant 0 : i32
    %scan3A_56 = arith.constant 0 : i32
    %scan3A_57 = arith.constant 20 : i32
    %scan3A_58 = arith.addi %scan3A_56, %scan3A_57 : i32
    %scan3A_59 = arith.constant 1 : i32
    scf.for %scan3A_62 = %scan3A_56 to %scan3A_58 step %scan3A_59  : i32 {
      %mul3A_63 = arith.constant 2 : i32
      %mul3A_64 = arith.muli %scan3A_62, %mul3A_63 : i32
      %add3A_65 = arith.constant 0 : i32
      %add3A_66 = arith.addi %mul3A_64, %add3A_65 : i32
      %dma_wait3A = arith.constant 0 : i32
      %dma_wait3A_67 = arith.constant 0 : i32
      %dma_wait3A_68 = arith.constant 0 : i32
      %dma_wait3A_69 = tpu.memref_slice %arg9[%dma_wait3A, %dma_wait3A_67, %dma_wait3A_68] : memref<2x128x128xf32, #tpu.memory_space<vmem>> -> memref<1x128x128xf32, #tpu.memory_space<vmem>>
      %dma_wait3A_70 = tpu.memref_squeeze %dma_wait3A_69 : memref<1x128x128xf32, #tpu.memory_space<vmem>> -> memref<128x128xf32, #tpu.memory_space<vmem>>
      %dma_wait3A_71 = arith.constant 0 : i32
      %dma_wait3A_72 = arith.constant 0 : i32
      %dma_wait3A_73 = tpu.memref_slice %arg4[%dma_wait3A_71, %dma_wait3A_72] : memref<10240x128xf32, #tpu.memory_space<hbm>> -> memref<128x128xf32, #tpu.memory_space<hbm>>
      %dma_wait3A_74 = arith.constant 0 : i32
      %dma_wait3A_75 = arith.constant 0 : i32
      %dma_wait3A_76 = tpu.memref_slice %arg9[%dma_wait3A, %dma_wait3A_74, %dma_wait3A_75] : memref<2x128x128xf32, #tpu.memory_space<vmem>> -> memref<1x128x128xf32, #tpu.memory_space<vmem>>
      %dma_wait3A_77 = tpu.memref_squeeze %dma_wait3A_76 : memref<1x128x128xf32, #tpu.memory_space<vmem>> -> memref<128x128xf32, #tpu.memory_space<vmem>>
      %dma_wait3A_78 = arith.constant 0 : i32
      %dma_wait3A_79 = arith.constant 0 : i32
      %dma_wait3A_80 = tpu.memref_slice %arg4[%dma_wait3A_78, %dma_wait3A_79] : memref<10240x128xf32, #tpu.memory_space<hbm>> -> memref<128x128xf32, #tpu.memory_space<hbm>>
      tpu.wait_dma2 semaphore(%arg11 : memref<!tpu.dma_semaphore, #tpu.memory_space<semaphore_mem>>) src(%dma_wait3A_80 : memref<128x128xf32, #tpu.memory_space<hbm>>) dst(%dma_wait3A_77 : memref<128x128xf32, #tpu.memory_space<vmem>>)
      %dma_start3A_81 = arith.constant 0 : i32
      %dma_start3A_82 = arith.constant 0 : i32
      %dma_start3A_83 = arith.constant 0 : i32
      %dma_start3A_84 = tpu.memref_slice %arg9[%dma_start3A_81, %dma_start3A_82, %dma_start3A_83] : memref<2x128x128xf32, #tpu.memory_space<vmem>> -> memref<1x128x128xf32, #tpu.memory_space<vmem>>
      %dma_start3A_85 = tpu.memref_squeeze %dma_start3A_84 : memref<1x128x128xf32, #tpu.memory_space<vmem>> -> memref<128x128xf32, #tpu.memory_space<vmem>>
      %dma_start3A_86 = arith.constant 0 : i32
      %dma_start3A_87 = tpu.memref_slice %arg8[%add3A_66, %dma_start3A_86] : memref<40x128xi32, #tpu.memory_space<vmem>> -> memref<1x128xi32, #tpu.memory_space<vmem>>
      %dma_start3A_88 = tpu.memref_squeeze %dma_start3A_87 : memref<1x128xi32, #tpu.memory_space<vmem>> -> memref<128xi32, #tpu.memory_space<vmem>>
      %dma_start3A_89 = arith.constant 0 : i32
      %dma_start3A_90 = arith.constant 0 : i32
      %dma_start3A_91 = tpu.memref_slice %arg10[%dma_start3A_89, %dma_start3A_90] : memref<10240x128xf32, #tpu.memory_space<vmem_shared>> -> memref<10240x128xf32, #tpu.memory_space<vmem_shared>>
      tpu.enqueue_indirect_dma source(%dma_start3A_85 : memref<128x128xf32, #tpu.memory_space<vmem>>) target(%dma_start3A_91 : memref<10240x128xf32, #tpu.memory_space<vmem_shared>>) offsets(%dma_start3A_88 : memref<128xi32, #tpu.memory_space<vmem>>) semaphore(%arg13 : memref<!tpu.dma_semaphore, #tpu.memory_space<semaphore_mem>>) {add = true}
      %mul3A_92 = arith.constant 2 : i32
      %mul3A_93 = arith.muli %scan3A_62, %mul3A_92 : i32
      %add3A_94 = arith.constant 1 : i32
      %add3A_95 = arith.addi %mul3A_93, %add3A_94 : i32
      %dma_wait3A_96 = arith.constant 1 : i32
      %dma_wait3A_97 = arith.constant 0 : i32
      %dma_wait3A_98 = arith.constant 0 : i32
      %dma_wait3A_99 = tpu.memref_slice %arg9[%dma_wait3A_96, %dma_wait3A_97, %dma_wait3A_98] : memref<2x128x128xf32, #tpu.memory_space<vmem>> -> memref<1x128x128xf32, #tpu.memory_space<vmem>>
      %dma_wait3A_100 = tpu.memref_squeeze %dma_wait3A_99 : memref<1x128x128xf32, #tpu.memory_space<vmem>> -> memref<128x128xf32, #tpu.memory_space<vmem>>
      %dma_wait3A_101 = arith.constant 0 : i32
      %dma_wait3A_102 = arith.constant 0 : i32
      %dma_wait3A_103 = tpu.memref_slice %arg4[%dma_wait3A_101, %dma_wait3A_102] : memref<10240x128xf32, #tpu.memory_space<hbm>> -> memref<128x128xf32, #tpu.memory_space<hbm>>
      %dma_wait3A_104 = arith.constant 0 : i32
      %dma_wait3A_105 = arith.constant 0 : i32
      %dma_wait3A_106 = tpu.memref_slice %arg9[%dma_wait3A_96, %dma_wait3A_104, %dma_wait3A_105] : memref<2x128x128xf32, #tpu.memory_space<vmem>> -> memref<1x128x128xf32, #tpu.memory_space<vmem>>
      %dma_wait3A_107 = tpu.memref_squeeze %dma_wait3A_106 : memref<1x128x128xf32, #tpu.memory_space<vmem>> -> memref<128x128xf32, #tpu.memory_space<vmem>>
      %dma_wait3A_108 = arith.constant 0 : i32
      %dma_wait3A_109 = arith.constant 0 : i32
      %dma_wait3A_110 = tpu.memref_slice %arg4[%dma_wait3A_108, %dma_wait3A_109] : memref<10240x128xf32, #tpu.memory_space<hbm>> -> memref<128x128xf32, #tpu.memory_space<hbm>>
      tpu.wait_dma2 semaphore(%arg12 : memref<!tpu.dma_semaphore, #tpu.memory_space<semaphore_mem>>) src(%dma_wait3A_110 : memref<128x128xf32, #tpu.memory_space<hbm>>) dst(%dma_wait3A_107 : memref<128x128xf32, #tpu.memory_space<vmem>>)
      %dma_start3A_111 = arith.constant 1 : i32
      %dma_start3A_112 = arith.constant 0 : i32
      %dma_start3A_113 = arith.constant 0 : i32
      %dma_start3A_114 = tpu.memref_slice %arg9[%dma_start3A_111, %dma_start3A_112, %dma_start3A_113] : memref<2x128x128xf32, #tpu.memory_space<vmem>> -> memref<1x128x128xf32, #tpu.memory_space<vmem>>
      %dma_start3A_115 = tpu.memref_squeeze %dma_start3A_114 : memref<1x128x128xf32, #tpu.memory_space<vmem>> -> memref<128x128xf32, #tpu.memory_space<vmem>>
      %dma_start3A_116 = arith.constant 0 : i32
      %dma_start3A_117 = tpu.memref_slice %arg8[%add3A_95, %dma_start3A_116] : memref<40x128xi32, #tpu.memory_space<vmem>> -> memref<1x128xi32, #tpu.memory_space<vmem>>
      %dma_start3A_118 = tpu.memref_squeeze %dma_start3A_117 : memref<1x128xi32, #tpu.memory_space<vmem>> -> memref<128xi32, #tpu.memory_space<vmem>>
      %dma_start3A_119 = arith.constant 0 : i32
      %dma_start3A_120 = arith.constant 0 : i32
      %dma_start3A_121 = tpu.memref_slice %arg10[%dma_start3A_119, %dma_start3A_120] : memref<10240x128xf32, #tpu.memory_space<vmem_shared>> -> memref<10240x128xf32, #tpu.memory_space<vmem_shared>>
      tpu.enqueue_indirect_dma source(%dma_start3A_115 : memref<128x128xf32, #tpu.memory_space<vmem>>) target(%dma_start3A_121 : memref<10240x128xf32, #tpu.memory_space<vmem_shared>>) offsets(%dma_start3A_118 : memref<128xi32, #tpu.memory_space<vmem>>) semaphore(%arg14 : memref<!tpu.dma_semaphore, #tpu.memory_space<semaphore_mem>>) {add = true}
      %dma_wait3A_122 = arith.constant 0 : i32
      %dma_wait3A_123 = arith.constant 0 : i32
      %dma_wait3A_124 = arith.constant 0 : i32
      %dma_wait3A_125 = tpu.memref_slice %arg9[%dma_wait3A_122, %dma_wait3A_123, %dma_wait3A_124] : memref<2x128x128xf32, #tpu.memory_space<vmem>> -> memref<1x128x128xf32, #tpu.memory_space<vmem>>
      %dma_wait3A_126 = tpu.memref_squeeze %dma_wait3A_125 : memref<1x128x128xf32, #tpu.memory_space<vmem>> -> memref<128x128xf32, #tpu.memory_space<vmem>>
      %dma_wait3A_127 = arith.constant 0 : i32
      %dma_wait3A_128 = tpu.memref_slice %arg8[%add3A_66, %dma_wait3A_127] : memref<40x128xi32, #tpu.memory_space<vmem>> -> memref<1x128xi32, #tpu.memory_space<vmem>>
      %dma_wait3A_129 = tpu.memref_squeeze %dma_wait3A_128 : memref<1x128xi32, #tpu.memory_space<vmem>> -> memref<128xi32, #tpu.memory_space<vmem>>
      %dma_wait3A_130 = arith.constant 0 : i32
      %dma_wait3A_131 = arith.constant 0 : i32
      %dma_wait3A_132 = tpu.memref_slice %arg10[%dma_wait3A_130, %dma_wait3A_131] : memref<10240x128xf32, #tpu.memory_space<vmem_shared>> -> memref<10240x128xf32, #tpu.memory_space<vmem_shared>>
      tpu.wait_indirect_dma semaphore(%arg13 : memref<!tpu.dma_semaphore, #tpu.memory_space<semaphore_mem>>) src(%dma_wait3A_126 : memref<128x128xf32, #tpu.memory_space<vmem>>) dst(%dma_wait3A_132 : memref<10240x128xf32, #tpu.memory_space<vmem_shared>>)
      %add3A_133 = arith.constant 1 : i32
      %add3A_134 = arith.addi %scan3A_62, %add3A_133 : i32
      %mul3A_135 = arith.constant 2 : i32
      %mul3A_136 = arith.muli %add3A_134, %mul3A_135 : i32
      %add3A_137 = arith.constant 0 : i32
      %add3A_138 = arith.addi %mul3A_136, %add3A_137 : i32
      %lt3A = arith.constant 40 : i32
      %lt3A_139 = arith.cmpi slt, %add3A_138, %lt3A : i32
      %convert_element_type3A = arith.extui %lt3A_139 : i1 to i32
      %cond3A = arith.constant 0 : i32
      %cond3A_140 = arith.cmpi ne, %convert_element_type3A, %cond3A : i32
      scf.if %cond3A_140 {
        %dma_start3A_163 = arith.constant 0 : i32
        %dma_start3A_164 = arith.constant 0 : i32
        %dma_start3A_165 = arith.constant 0 : i32
        %dma_start3A_166 = tpu.memref_slice %arg9[%dma_start3A_163, %dma_start3A_164, %dma_start3A_165] : memref<2x128x128xf32, #tpu.memory_space<vmem>> -> memref<1x128x128xf32, #tpu.memory_space<vmem>>
        %dma_start3A_167 = tpu.memref_squeeze %dma_start3A_166 : memref<1x128x128xf32, #tpu.memory_space<vmem>> -> memref<128x128xf32, #tpu.memory_space<vmem>>
        %dma_start3A_168 = arith.constant 0 : i32
        %dma_start3A_169 = tpu.memref_slice %arg7[%add3A_138, %dma_start3A_168] : memref<40x128xi32, #tpu.memory_space<vmem>> -> memref<1x128xi32, #tpu.memory_space<vmem>>
        %dma_start3A_170 = tpu.memref_squeeze %dma_start3A_169 : memref<1x128xi32, #tpu.memory_space<vmem>> -> memref<128xi32, #tpu.memory_space<vmem>>
        %dma_start3A_171 = arith.constant 0 : i32
        %dma_start3A_172 = arith.constant 0 : i32
        %dma_start3A_173 = tpu.memref_slice %arg4[%dma_start3A_171, %dma_start3A_172] : memref<10240x128xf32, #tpu.memory_space<hbm>> -> memref<10240x128xf32, #tpu.memory_space<hbm>>
        tpu.enqueue_indirect_dma source(%dma_start3A_173 : memref<10240x128xf32, #tpu.memory_space<hbm>>) target(%dma_start3A_167 : memref<128x128xf32, #tpu.memory_space<vmem>>) offsets(%dma_start3A_170 : memref<128xi32, #tpu.memory_space<vmem>>) semaphore(%arg11 : memref<!tpu.dma_semaphore, #tpu.memory_space<semaphore_mem>>)
      } else {
      }
      %dma_wait3A_141 = arith.constant 1 : i32
      %dma_wait3A_142 = arith.constant 0 : i32
      %dma_wait3A_143 = arith.constant 0 : i32
      %dma_wait3A_144 = tpu.memref_slice %arg9[%dma_wait3A_141, %dma_wait3A_142, %dma_wait3A_143] : memref<2x128x128xf32, #tpu.memory_space<vmem>> -> memref<1x128x128xf32, #tpu.memory_space<vmem>>
      %dma_wait3A_145 = tpu.memref_squeeze %dma_wait3A_144 : memref<1x128x128xf32, #tpu.memory_space<vmem>> -> memref<128x128xf32, #tpu.memory_space<vmem>>
      %dma_wait3A_146 = arith.constant 0 : i32
      %dma_wait3A_147 = tpu.memref_slice %arg8[%add3A_95, %dma_wait3A_146] : memref<40x128xi32, #tpu.memory_space<vmem>> -> memref<1x128xi32, #tpu.memory_space<vmem>>
      %dma_wait3A_148 = tpu.memref_squeeze %dma_wait3A_147 : memref<1x128xi32, #tpu.memory_space<vmem>> -> memref<128xi32, #tpu.memory_space<vmem>>
      %dma_wait3A_149 = arith.constant 0 : i32
      %dma_wait3A_150 = arith.constant 0 : i32
      %dma_wait3A_151 = tpu.memref_slice %arg10[%dma_wait3A_149, %dma_wait3A_150] : memref<10240x128xf32, #tpu.memory_space<vmem_shared>> -> memref<10240x128xf32, #tpu.memory_space<vmem_shared>>
      tpu.wait_indirect_dma semaphore(%arg14 : memref<!tpu.dma_semaphore, #tpu.memory_space<semaphore_mem>>) src(%dma_wait3A_145 : memref<128x128xf32, #tpu.memory_space<vmem>>) dst(%dma_wait3A_151 : memref<10240x128xf32, #tpu.memory_space<vmem_shared>>)
      %add3A_152 = arith.constant 1 : i32
      %add3A_153 = arith.addi %scan3A_62, %add3A_152 : i32
      %mul3A_154 = arith.constant 2 : i32
      %mul3A_155 = arith.muli %add3A_153, %mul3A_154 : i32
      %add3A_156 = arith.constant 1 : i32
      %add3A_157 = arith.addi %mul3A_155, %add3A_156 : i32
      %lt3A_158 = arith.constant 40 : i32
      %lt3A_159 = arith.cmpi slt, %add3A_157, %lt3A_158 : i32
      %convert_element_type3A_160 = arith.extui %lt3A_159 : i1 to i32
      %cond3A_161 = arith.constant 0 : i32
      %cond3A_162 = arith.cmpi ne, %convert_element_type3A_160, %cond3A_161 : i32
      scf.if %cond3A_162 {
        %dma_start3A_163 = arith.constant 1 : i32
        %dma_start3A_164 = arith.constant 0 : i32
        %dma_start3A_165 = arith.constant 0 : i32
        %dma_start3A_166 = tpu.memref_slice %arg9[%dma_start3A_163, %dma_start3A_164, %dma_start3A_165] : memref<2x128x128xf32, #tpu.memory_space<vmem>> -> memref<1x128x128xf32, #tpu.memory_space<vmem>>
        %dma_start3A_167 = tpu.memref_squeeze %dma_start3A_166 : memref<1x128x128xf32, #tpu.memory_space<vmem>> -> memref<128x128xf32, #tpu.memory_space<vmem>>
        %dma_start3A_168 = arith.constant 0 : i32
        %dma_start3A_169 = tpu.memref_slice %arg7[%add3A_157, %dma_start3A_168] : memref<40x128xi32, #tpu.memory_space<vmem>> -> memref<1x128xi32, #tpu.memory_space<vmem>>
        %dma_start3A_170 = tpu.memref_squeeze %dma_start3A_169 : memref<1x128xi32, #tpu.memory_space<vmem>> -> memref<128xi32, #tpu.memory_space<vmem>>
        %dma_start3A_171 = arith.constant 0 : i32
        %dma_start3A_172 = arith.constant 0 : i32
        %dma_start3A_173 = tpu.memref_slice %arg4[%dma_start3A_171, %dma_start3A_172] : memref<10240x128xf32, #tpu.memory_space<hbm>> -> memref<10240x128xf32, #tpu.memory_space<hbm>>
        tpu.enqueue_indirect_dma source(%dma_start3A_173 : memref<10240x128xf32, #tpu.memory_space<hbm>>) target(%dma_start3A_167 : memref<128x128xf32, #tpu.memory_space<vmem>>) offsets(%dma_start3A_170 : memref<128xi32, #tpu.memory_space<vmem>>) semaphore(%arg12 : memref<!tpu.dma_semaphore, #tpu.memory_space<semaphore_mem>>)
      } else {
      }
    }
    %scan3A_60 = arith.constant 20 : i32
    %barrier3A_61 = arith.constant 0 : index
    tpu.barrier barrier_id(%barrier3A_61)
    "tpu.region"() ({
      %run_scoped3A = tpu.sem_alloc : memref<!tpu.dma_semaphore, #tpu.memory_space<semaphore_mem>>
      %dma_start3A_62 = arith.constant 0 : i32
      %dma_start3A_63 = tpu.memref_slice %arg6[%arg0, %mul3A_2, %dma_start3A_62] : memref<2x10240x128xf32, #tpu.memory_space<hbm>> -> memref<1x640x128xf32, #tpu.memory_space<hbm>>
      %dma_start3A_64 = tpu.memref_squeeze %dma_start3A_63 : memref<1x640x128xf32, #tpu.memory_space<hbm>> -> memref<640x128xf32, #tpu.memory_space<hbm>>
      %dma_start3A_65 = arith.constant 0 : i32
      %dma_start3A_66 = tpu.memref_slice %arg10[%mul3A_2, %dma_start3A_65] : memref<10240x128xf32, #tpu.memory_space<vmem_shared>> -> memref<640x128xf32, #tpu.memory_space<vmem_shared>>
      tpu.enqueue_dma source(%dma_start3A_66 : memref<640x128xf32, #tpu.memory_space<vmem_shared>>) target(%dma_start3A_64 : memref<640x128xf32, #tpu.memory_space<hbm>>) target_semaphore(%run_scoped3A : memref<!tpu.dma_semaphore, #tpu.memory_space<semaphore_mem>>)
      %dma_wait3A = arith.constant 0 : i32
      %dma_wait3A_67 = tpu.memref_slice %arg6[%arg0, %mul3A_2, %dma_wait3A] : memref<2x10240x128xf32, #tpu.memory_space<hbm>> -> memref<1x640x128xf32, #tpu.memory_space<hbm>>
      %dma_wait3A_68 = tpu.memref_squeeze %dma_wait3A_67 : memref<1x640x128xf32, #tpu.memory_space<hbm>> -> memref<640x128xf32, #tpu.memory_space<hbm>>
      %dma_wait3A_69 = arith.constant 0 : i32
      %dma_wait3A_70 = tpu.memref_slice %arg10[%mul3A_2, %dma_wait3A_69] : memref<10240x128xf32, #tpu.memory_space<vmem_shared>> -> memref<640x128xf32, #tpu.memory_space<vmem_shared>>
      tpu.wait_dma2 semaphore(%run_scoped3A : memref<!tpu.dma_semaphore, #tpu.memory_space<semaphore_mem>>) src(%dma_wait3A_70 : memref<640x128xf32, #tpu.memory_space<vmem_shared>>) dst(%dma_wait3A_68 : memref<640x128xf32, #tpu.memory_space<hbm>>)
      tpu.yield
    }) : () -> ()
    return
  }
}

#map = affine_map<(d0, d1) -> (0, 0, 0)>
#map1 = affine_map<(d0, d1) -> (0, 0)>
module attributes {stable_mosaic.version = 14 : i64} {
  func.func @deg_k(%arg0: i32, %arg1: i32, %arg2: memref<32x80x128xi32, #tpu.memory_space<hbm>>, %arg3: memref<10240x128xf32, #tpu.memory_space<hbm>>, %arg4: memref<128x128xf32, #tpu.memory_space<hbm>>, %arg5: memref<2x10240x128xf32, #tpu.memory_space<hbm>>, %arg6: memref<80x128xi32, #tpu.memory_space<vmem>>, %arg7: memref<128x128xf32, #tpu.memory_space<vmem>>, %arg8: memref<10240x128xf32, #tpu.memory_space<vmem_shared>>, %arg9: memref<!tpu.dma_semaphore, #tpu.memory_space<semaphore_mem>>) attributes {dimension_semantics = [#tpu.dimension_semantics<core_parallel>, #tpu.dimension_semantics<subcore_parallel>], iteration_bounds = array<i64: 2, 16>, scalar_prefetch = 0 : i64, scratch_operands = 4 : i64, tpu.core_type = #tpu.core_type<sc_vector_subcore>, window_params = [{transform_indices = #map}, {transform_indices = #map1}, {transform_indices = #map1}, {transform_indices = #map}]} {
    %mul3A = arith.constant 16 : i32
    %mul3A_0 = arith.muli %arg0, %mul3A : i32
    %add3A = arith.addi %mul3A_0, %arg1 : i32
    %mul3A_1 = arith.constant 640 : i32
    %mul3A_2 = arith.muli %arg1, %mul3A_1 : i32
    "tpu.region"() ({
      %run_scoped3A = tpu.sem_alloc : memref<!tpu.dma_semaphore, #tpu.memory_space<semaphore_mem>>
      tpu.enqueue_dma source(%arg4 : memref<128x128xf32, #tpu.memory_space<hbm>>) target(%arg7 : memref<128x128xf32, #tpu.memory_space<vmem>>) target_semaphore(%run_scoped3A : memref<!tpu.dma_semaphore, #tpu.memory_space<semaphore_mem>>)
      tpu.wait_dma2 semaphore(%run_scoped3A : memref<!tpu.dma_semaphore, #tpu.memory_space<semaphore_mem>>) src(%arg4 : memref<128x128xf32, #tpu.memory_space<hbm>>) dst(%arg7 : memref<128x128xf32, #tpu.memory_space<vmem>>)
      tpu.yield
    }) : () -> ()
    "tpu.region"() ({
      %run_scoped3A = tpu.sem_alloc : memref<!tpu.dma_semaphore, #tpu.memory_space<semaphore_mem>>
      %dma_start3A = arith.constant 0 : i32
      %dma_start3A_15 = arith.constant 0 : i32
      %dma_start3A_16 = tpu.memref_slice %arg2[%add3A, %dma_start3A, %dma_start3A_15] : memref<32x80x128xi32, #tpu.memory_space<hbm>> -> memref<1x80x128xi32, #tpu.memory_space<hbm>>
      %dma_start3A_17 = tpu.memref_squeeze %dma_start3A_16 : memref<1x80x128xi32, #tpu.memory_space<hbm>> -> memref<80x128xi32, #tpu.memory_space<hbm>>
      %dma_start3A_18 = arith.constant 0 : i32
      %dma_start3A_19 = arith.constant 0 : i32
      %dma_start3A_20 = tpu.memref_slice %arg2[%add3A, %dma_start3A_18, %dma_start3A_19] : memref<32x80x128xi32, #tpu.memory_space<hbm>> -> memref<1x80x128xi32, #tpu.memory_space<hbm>>
      %dma_start3A_21 = tpu.memref_squeeze %dma_start3A_20 : memref<1x80x128xi32, #tpu.memory_space<hbm>> -> memref<80x128xi32, #tpu.memory_space<hbm>>
      tpu.enqueue_dma source(%dma_start3A_21 : memref<80x128xi32, #tpu.memory_space<hbm>>) target(%arg6 : memref<80x128xi32, #tpu.memory_space<vmem>>) target_semaphore(%run_scoped3A : memref<!tpu.dma_semaphore, #tpu.memory_space<semaphore_mem>>)
      %dma_wait3A = arith.constant 0 : i32
      %dma_wait3A_22 = arith.constant 0 : i32
      %dma_wait3A_23 = tpu.memref_slice %arg2[%add3A, %dma_wait3A, %dma_wait3A_22] : memref<32x80x128xi32, #tpu.memory_space<hbm>> -> memref<1x80x128xi32, #tpu.memory_space<hbm>>
      %dma_wait3A_24 = tpu.memref_squeeze %dma_wait3A_23 : memref<1x80x128xi32, #tpu.memory_space<hbm>> -> memref<80x128xi32, #tpu.memory_space<hbm>>
      %dma_wait3A_25 = arith.constant 0 : i32
      %dma_wait3A_26 = arith.constant 0 : i32
      %dma_wait3A_27 = tpu.memref_slice %arg2[%add3A, %dma_wait3A_25, %dma_wait3A_26] : memref<32x80x128xi32, #tpu.memory_space<hbm>> -> memref<1x80x128xi32, #tpu.memory_space<hbm>>
      %dma_wait3A_28 = tpu.memref_squeeze %dma_wait3A_27 : memref<1x80x128xi32, #tpu.memory_space<hbm>> -> memref<80x128xi32, #tpu.memory_space<hbm>>
      tpu.wait_dma2 semaphore(%run_scoped3A : memref<!tpu.dma_semaphore, #tpu.memory_space<semaphore_mem>>) src(%dma_wait3A_28 : memref<80x128xi32, #tpu.memory_space<hbm>>) dst(%arg6 : memref<80x128xi32, #tpu.memory_space<vmem>>)
      tpu.yield
    }) : () -> ()
    "tpu.region"() ({
      %run_scoped3A = tpu.sem_alloc : memref<!tpu.dma_semaphore, #tpu.memory_space<semaphore_mem>>
      %dma_start3A = arith.constant 0 : i32
      %dma_start3A_15 = tpu.memref_slice %arg8[%mul3A_2, %dma_start3A] : memref<10240x128xf32, #tpu.memory_space<vmem_shared>> -> memref<640x128xf32, #tpu.memory_space<vmem_shared>>
      %dma_start3A_16 = arith.constant 0 : i32
      %dma_start3A_17 = tpu.memref_slice %arg3[%mul3A_2, %dma_start3A_16] : memref<10240x128xf32, #tpu.memory_space<hbm>> -> memref<640x128xf32, #tpu.memory_space<hbm>>
      tpu.enqueue_dma source(%dma_start3A_17 : memref<640x128xf32, #tpu.memory_space<hbm>>) target(%dma_start3A_15 : memref<640x128xf32, #tpu.memory_space<vmem_shared>>) target_semaphore(%run_scoped3A : memref<!tpu.dma_semaphore, #tpu.memory_space<semaphore_mem>>)
      %dma_wait3A = arith.constant 0 : i32
      %dma_wait3A_18 = tpu.memref_slice %arg8[%mul3A_2, %dma_wait3A] : memref<10240x128xf32, #tpu.memory_space<vmem_shared>> -> memref<640x128xf32, #tpu.memory_space<vmem_shared>>
      %dma_wait3A_19 = arith.constant 0 : i32
      %dma_wait3A_20 = tpu.memref_slice %arg3[%mul3A_2, %dma_wait3A_19] : memref<10240x128xf32, #tpu.memory_space<hbm>> -> memref<640x128xf32, #tpu.memory_space<hbm>>
      tpu.wait_dma2 semaphore(%run_scoped3A : memref<!tpu.dma_semaphore, #tpu.memory_space<semaphore_mem>>) src(%dma_wait3A_20 : memref<640x128xf32, #tpu.memory_space<hbm>>) dst(%dma_wait3A_18 : memref<640x128xf32, #tpu.memory_space<vmem_shared>>)
      tpu.yield
    }) : () -> ()
    %barrier3A = arith.constant 0 : index
    tpu.barrier barrier_id(%barrier3A)
    %scan3A = arith.constant 0 : i32
    %scan3A_3 = arith.constant 0 : i32
    %scan3A_4 = arith.constant 80 : i32
    %scan3A_5 = arith.addi %scan3A_3, %scan3A_4 : i32
    %scan3A_6 = arith.constant 1 : i32
    scf.for %scan3A_15 = %scan3A_3 to %scan3A_5 step %scan3A_6  : i32 {
      %dma_start3A = arith.constant 0 : i32
      %dma_start3A_16 = tpu.memref_slice %arg6[%scan3A_15, %dma_start3A] : memref<80x128xi32, #tpu.memory_space<vmem>> -> memref<1x128xi32, #tpu.memory_space<vmem>>
      %dma_start3A_17 = tpu.memref_squeeze %dma_start3A_16 : memref<1x128xi32, #tpu.memory_space<vmem>> -> memref<128xi32, #tpu.memory_space<vmem>>
      %dma_start3A_18 = arith.constant 0 : i32
      %dma_start3A_19 = arith.constant 0 : i32
      %dma_start3A_20 = tpu.memref_slice %arg8[%dma_start3A_18, %dma_start3A_19] : memref<10240x128xf32, #tpu.memory_space<vmem_shared>> -> memref<10240x128xf32, #tpu.memory_space<vmem_shared>>
      tpu.enqueue_indirect_dma source(%arg7 : memref<128x128xf32, #tpu.memory_space<vmem>>) target(%dma_start3A_20 : memref<10240x128xf32, #tpu.memory_space<vmem_shared>>) offsets(%dma_start3A_17 : memref<128xi32, #tpu.memory_space<vmem>>) semaphore(%arg9 : memref<!tpu.dma_semaphore, #tpu.memory_space<semaphore_mem>>) {add = true}
    }
    %scan3A_7 = arith.constant 80 : i32
    %scan3A_8 = arith.constant 0 : i32
    %scan3A_9 = arith.constant 0 : i32
    %scan3A_10 = arith.constant 80 : i32
    %scan3A_11 = arith.addi %scan3A_9, %scan3A_10 : i32
    %scan3A_12 = arith.constant 1 : i32
    scf.for %scan3A_15 = %scan3A_9 to %scan3A_11 step %scan3A_12  : i32 {
      tpu.wait_dma2 semaphore(%arg9 : memref<!tpu.dma_semaphore, #tpu.memory_space<semaphore_mem>>) src(%arg4 : memref<128x128xf32, #tpu.memory_space<hbm>>) dst(%arg7 : memref<128x128xf32, #tpu.memory_space<vmem>>)
    }
    %scan3A_13 = arith.constant 80 : i32
    %barrier3A_14 = arith.constant 0 : index
    tpu.barrier barrier_id(%barrier3A_14)
    "tpu.region"() ({
      %run_scoped3A = tpu.sem_alloc : memref<!tpu.dma_semaphore, #tpu.memory_space<semaphore_mem>>
      %dma_start3A = arith.constant 0 : i32
      %dma_start3A_15 = tpu.memref_slice %arg5[%arg0, %mul3A_2, %dma_start3A] : memref<2x10240x128xf32, #tpu.memory_space<hbm>> -> memref<1x640x128xf32, #tpu.memory_space<hbm>>
      %dma_start3A_16 = tpu.memref_squeeze %dma_start3A_15 : memref<1x640x128xf32, #tpu.memory_space<hbm>> -> memref<640x128xf32, #tpu.memory_space<hbm>>
      %dma_start3A_17 = arith.constant 0 : i32
      %dma_start3A_18 = tpu.memref_slice %arg8[%mul3A_2, %dma_start3A_17] : memref<10240x128xf32, #tpu.memory_space<vmem_shared>> -> memref<640x128xf32, #tpu.memory_space<vmem_shared>>
      tpu.enqueue_dma source(%dma_start3A_18 : memref<640x128xf32, #tpu.memory_space<vmem_shared>>) target(%dma_start3A_16 : memref<640x128xf32, #tpu.memory_space<hbm>>) target_semaphore(%run_scoped3A : memref<!tpu.dma_semaphore, #tpu.memory_space<semaphore_mem>>)
      %dma_wait3A = arith.constant 0 : i32
      %dma_wait3A_19 = tpu.memref_slice %arg5[%arg0, %mul3A_2, %dma_wait3A] : memref<2x10240x128xf32, #tpu.memory_space<hbm>> -> memref<1x640x128xf32, #tpu.memory_space<hbm>>
      %dma_wait3A_20 = tpu.memref_squeeze %dma_wait3A_19 : memref<1x640x128xf32, #tpu.memory_space<hbm>> -> memref<640x128xf32, #tpu.memory_space<hbm>>
      %dma_wait3A_21 = arith.constant 0 : i32
      %dma_wait3A_22 = tpu.memref_slice %arg8[%mul3A_2, %dma_wait3A_21] : memref<10240x128xf32, #tpu.memory_space<vmem_shared>> -> memref<640x128xf32, #tpu.memory_space<vmem_shared>>
      tpu.wait_dma2 semaphore(%run_scoped3A : memref<!tpu.dma_semaphore, #tpu.memory_space<semaphore_mem>>) src(%dma_wait3A_22 : memref<640x128xf32, #tpu.memory_space<vmem_shared>>) dst(%dma_wait3A_20 : memref<640x128xf32, #tpu.memory_space<hbm>>)
      tpu.yield
    }) : () -> ()
    return
  }
}

#map = affine_map<(d0, d1) -> (0, 0, 0)>
#map1 = affine_map<(d0, d1) -> (0, 0)>
module attributes {stable_mosaic.version = 14 : i64} {
  func.func @agg_k(%arg0: i32, %arg1: i32, %arg2: memref<32x80x128xi32, #tpu.memory_space<hbm>>, %arg3: memref<32x80x128xi32, #tpu.memory_space<hbm>>, %arg4: memref<10240x128xf32, #tpu.memory_space<hbm>>, %arg5: memref<10240x128xf32, #tpu.memory_space<hbm>>, %arg6: memref<2x10240x128xf32, #tpu.memory_space<hbm>>, %arg7: memref<40x128xi32, #tpu.memory_space<vmem>>, %arg8: memref<40x128xi32, #tpu.memory_space<vmem>>, %arg9: memref<2x128x128xf32, #tpu.memory_space<vmem>>, %arg10: memref<10240x128xf32, #tpu.memory_space<vmem_shared>>, %arg11: memref<!tpu.dma_semaphore, #tpu.memory_space<semaphore_mem>>, %arg12: memref<!tpu.dma_semaphore, #tpu.memory_space<semaphore_mem>>, %arg13: memref<!tpu.dma_semaphore, #tpu.memory_space<semaphore_mem>>, %arg14: memref<!tpu.dma_semaphore, #tpu.memory_space<semaphore_mem>>) attributes {dimension_semantics = [#tpu.dimension_semantics<core_parallel>, #tpu.dimension_semantics<subcore_parallel>], iteration_bounds = array<i64: 2, 16>, scalar_prefetch = 0 : i64, scratch_operands = 8 : i64, tpu.core_type = #tpu.core_type<sc_vector_subcore>, window_params = [{transform_indices = #map}, {transform_indices = #map}, {transform_indices = #map1}, {transform_indices = #map1}, {transform_indices = #map}]} {
    %mul3A = arith.constant 16 : i32
    %mul3A_0 = arith.muli %arg0, %mul3A : i32
    %add3A = arith.addi %mul3A_0, %arg1 : i32
    %mul3A_1 = arith.constant 640 : i32
    %mul3A_2 = arith.muli %arg1, %mul3A_1 : i32
    "tpu.region"() ({
      %run_scoped3A = tpu.sem_alloc : memref<!tpu.dma_semaphore, #tpu.memory_space<semaphore_mem>>
      %dma_start3A_62 = arith.constant 0 : i32
      %dma_start3A_63 = tpu.memref_slice %arg10[%mul3A_2, %dma_start3A_62] : memref<10240x128xf32, #tpu.memory_space<vmem_shared>> -> memref<640x128xf32, #tpu.memory_space<vmem_shared>>
      %dma_start3A_64 = arith.constant 0 : i32
      %dma_start3A_65 = tpu.memref_slice %arg5[%mul3A_2, %dma_start3A_64] : memref<10240x128xf32, #tpu.memory_space<hbm>> -> memref<640x128xf32, #tpu.memory_space<hbm>>
      tpu.enqueue_dma source(%dma_start3A_65 : memref<640x128xf32, #tpu.memory_space<hbm>>) target(%dma_start3A_63 : memref<640x128xf32, #tpu.memory_space<vmem_shared>>) target_semaphore(%run_scoped3A : memref<!tpu.dma_semaphore, #tpu.memory_space<semaphore_mem>>)
      %dma_wait3A = arith.constant 0 : i32
      %dma_wait3A_66 = tpu.memref_slice %arg10[%mul3A_2, %dma_wait3A] : memref<10240x128xf32, #tpu.memory_space<vmem_shared>> -> memref<640x128xf32, #tpu.memory_space<vmem_shared>>
      %dma_wait3A_67 = arith.constant 0 : i32
      %dma_wait3A_68 = tpu.memref_slice %arg5[%mul3A_2, %dma_wait3A_67] : memref<10240x128xf32, #tpu.memory_space<hbm>> -> memref<640x128xf32, #tpu.memory_space<hbm>>
      tpu.wait_dma2 semaphore(%run_scoped3A : memref<!tpu.dma_semaphore, #tpu.memory_space<semaphore_mem>>) src(%dma_wait3A_68 : memref<640x128xf32, #tpu.memory_space<hbm>>) dst(%dma_wait3A_66 : memref<640x128xf32, #tpu.memory_space<vmem_shared>>)
      tpu.yield
    }) : () -> ()
    %barrier3A = arith.constant 0 : index
    tpu.barrier barrier_id(%barrier3A)
    "tpu.region"() ({
      %run_scoped3A = tpu.sem_alloc : memref<!tpu.dma_semaphore, #tpu.memory_space<semaphore_mem>>
      %dma_start3A_62 = arith.constant 0 : i32
      %dma_start3A_63 = arith.constant 0 : i32
      %dma_start3A_64 = tpu.memref_slice %arg2[%add3A, %dma_start3A_62, %dma_start3A_63] : memref<32x80x128xi32, #tpu.memory_space<hbm>> -> memref<1x40x128xi32, #tpu.memory_space<hbm>>
      %dma_start3A_65 = tpu.memref_squeeze %dma_start3A_64 : memref<1x40x128xi32, #tpu.memory_space<hbm>> -> memref<40x128xi32, #tpu.memory_space<hbm>>
      %dma_start3A_66 = arith.constant 0 : i32
      %dma_start3A_67 = arith.constant 0 : i32
      %dma_start3A_68 = tpu.memref_slice %arg2[%add3A, %dma_start3A_66, %dma_start3A_67] : memref<32x80x128xi32, #tpu.memory_space<hbm>> -> memref<1x40x128xi32, #tpu.memory_space<hbm>>
      %dma_start3A_69 = tpu.memref_squeeze %dma_start3A_68 : memref<1x40x128xi32, #tpu.memory_space<hbm>> -> memref<40x128xi32, #tpu.memory_space<hbm>>
      tpu.enqueue_dma source(%dma_start3A_69 : memref<40x128xi32, #tpu.memory_space<hbm>>) target(%arg7 : memref<40x128xi32, #tpu.memory_space<vmem>>) target_semaphore(%run_scoped3A : memref<!tpu.dma_semaphore, #tpu.memory_space<semaphore_mem>>)
      %dma_wait3A = arith.constant 0 : i32
      %dma_wait3A_70 = arith.constant 0 : i32
      %dma_wait3A_71 = tpu.memref_slice %arg2[%add3A, %dma_wait3A, %dma_wait3A_70] : memref<32x80x128xi32, #tpu.memory_space<hbm>> -> memref<1x40x128xi32, #tpu.memory_space<hbm>>
      %dma_wait3A_72 = tpu.memref_squeeze %dma_wait3A_71 : memref<1x40x128xi32, #tpu.memory_space<hbm>> -> memref<40x128xi32, #tpu.memory_space<hbm>>
      %dma_wait3A_73 = arith.constant 0 : i32
      %dma_wait3A_74 = arith.constant 0 : i32
      %dma_wait3A_75 = tpu.memref_slice %arg2[%add3A, %dma_wait3A_73, %dma_wait3A_74] : memref<32x80x128xi32, #tpu.memory_space<hbm>> -> memref<1x40x128xi32, #tpu.memory_space<hbm>>
      %dma_wait3A_76 = tpu.memref_squeeze %dma_wait3A_75 : memref<1x40x128xi32, #tpu.memory_space<hbm>> -> memref<40x128xi32, #tpu.memory_space<hbm>>
      tpu.wait_dma2 semaphore(%run_scoped3A : memref<!tpu.dma_semaphore, #tpu.memory_space<semaphore_mem>>) src(%dma_wait3A_76 : memref<40x128xi32, #tpu.memory_space<hbm>>) dst(%arg7 : memref<40x128xi32, #tpu.memory_space<vmem>>)
      tpu.yield
    }) : () -> ()
    "tpu.region"() ({
      %run_scoped3A = tpu.sem_alloc : memref<!tpu.dma_semaphore, #tpu.memory_space<semaphore_mem>>
      %dma_start3A_62 = arith.constant 0 : i32
      %dma_start3A_63 = arith.constant 0 : i32
      %dma_start3A_64 = tpu.memref_slice %arg3[%add3A, %dma_start3A_62, %dma_start3A_63] : memref<32x80x128xi32, #tpu.memory_space<hbm>> -> memref<1x40x128xi32, #tpu.memory_space<hbm>>
      %dma_start3A_65 = tpu.memref_squeeze %dma_start3A_64 : memref<1x40x128xi32, #tpu.memory_space<hbm>> -> memref<40x128xi32, #tpu.memory_space<hbm>>
      %dma_start3A_66 = arith.constant 0 : i32
      %dma_start3A_67 = arith.constant 0 : i32
      %dma_start3A_68 = tpu.memref_slice %arg3[%add3A, %dma_start3A_66, %dma_start3A_67] : memref<32x80x128xi32, #tpu.memory_space<hbm>> -> memref<1x40x128xi32, #tpu.memory_space<hbm>>
      %dma_start3A_69 = tpu.memref_squeeze %dma_start3A_68 : memref<1x40x128xi32, #tpu.memory_space<hbm>> -> memref<40x128xi32, #tpu.memory_space<hbm>>
      tpu.enqueue_dma source(%dma_start3A_69 : memref<40x128xi32, #tpu.memory_space<hbm>>) target(%arg8 : memref<40x128xi32, #tpu.memory_space<vmem>>) target_semaphore(%run_scoped3A : memref<!tpu.dma_semaphore, #tpu.memory_space<semaphore_mem>>)
      %dma_wait3A = arith.constant 0 : i32
      %dma_wait3A_70 = arith.constant 0 : i32
      %dma_wait3A_71 = tpu.memref_slice %arg3[%add3A, %dma_wait3A, %dma_wait3A_70] : memref<32x80x128xi32, #tpu.memory_space<hbm>> -> memref<1x40x128xi32, #tpu.memory_space<hbm>>
      %dma_wait3A_72 = tpu.memref_squeeze %dma_wait3A_71 : memref<1x40x128xi32, #tpu.memory_space<hbm>> -> memref<40x128xi32, #tpu.memory_space<hbm>>
      %dma_wait3A_73 = arith.constant 0 : i32
      %dma_wait3A_74 = arith.constant 0 : i32
      %dma_wait3A_75 = tpu.memref_slice %arg3[%add3A, %dma_wait3A_73, %dma_wait3A_74] : memref<32x80x128xi32, #tpu.memory_space<hbm>> -> memref<1x40x128xi32, #tpu.memory_space<hbm>>
      %dma_wait3A_76 = tpu.memref_squeeze %dma_wait3A_75 : memref<1x40x128xi32, #tpu.memory_space<hbm>> -> memref<40x128xi32, #tpu.memory_space<hbm>>
      tpu.wait_dma2 semaphore(%run_scoped3A : memref<!tpu.dma_semaphore, #tpu.memory_space<semaphore_mem>>) src(%dma_wait3A_76 : memref<40x128xi32, #tpu.memory_space<hbm>>) dst(%arg8 : memref<40x128xi32, #tpu.memory_space<vmem>>)
      tpu.yield
    }) : () -> ()
    %dma_start3A = arith.constant 0 : i32
    %dma_start3A_3 = arith.constant 0 : i32
    %dma_start3A_4 = arith.constant 0 : i32
    %dma_start3A_5 = arith.constant 0 : i32
    %dma_start3A_6 = tpu.memref_slice %arg9[%dma_start3A_3, %dma_start3A_4, %dma_start3A_5] : memref<2x128x128xf32, #tpu.memory_space<vmem>> -> memref<1x128x128xf32, #tpu.memory_space<vmem>>
    %dma_start3A_7 = tpu.memref_squeeze %dma_start3A_6 : memref<1x128x128xf32, #tpu.memory_space<vmem>> -> memref<128x128xf32, #tpu.memory_space<vmem>>
    %dma_start3A_8 = arith.constant 0 : i32
    %dma_start3A_9 = tpu.memref_slice %arg7[%dma_start3A, %dma_start3A_8] : memref<40x128xi32, #tpu.memory_space<vmem>> -> memref<1x128xi32, #tpu.memory_space<vmem>>
    %dma_start3A_10 = tpu.memref_squeeze %dma_start3A_9 : memref<1x128xi32, #tpu.memory_space<vmem>> -> memref<128xi32, #tpu.memory_space<vmem>>
    %dma_start3A_11 = arith.constant 0 : i32
    %dma_start3A_12 = arith.constant 0 : i32
    %dma_start3A_13 = tpu.memref_slice %arg4[%dma_start3A_11, %dma_start3A_12] : memref<10240x128xf32, #tpu.memory_space<hbm>> -> memref<10240x128xf32, #tpu.memory_space<hbm>>
    tpu.enqueue_indirect_dma source(%dma_start3A_13 : memref<10240x128xf32, #tpu.memory_space<hbm>>) target(%dma_start3A_7 : memref<128x128xf32, #tpu.memory_space<vmem>>) offsets(%dma_start3A_10 : memref<128xi32, #tpu.memory_space<vmem>>) semaphore(%arg11 : memref<!tpu.dma_semaphore, #tpu.memory_space<semaphore_mem>>)
    %dma_start3A_14 = arith.constant 1 : i32
    %dma_start3A_15 = arith.constant 1 : i32
    %dma_start3A_16 = arith.constant 0 : i32
    %dma_start3A_17 = arith.constant 0 : i32
    %dma_start3A_18 = tpu.memref_slice %arg9[%dma_start3A_15, %dma_start3A_16, %dma_start3A_17] : memref<2x128x128xf32, #tpu.memory_space<vmem>> -> memref<1x128x128xf32, #tpu.memory_space<vmem>>
    %dma_start3A_19 = tpu.memref_squeeze %dma_start3A_18 : memref<1x128x128xf32, #tpu.memory_space<vmem>> -> memref<128x128xf32, #tpu.memory_space<vmem>>
    %dma_start3A_20 = arith.constant 0 : i32
    %dma_start3A_21 = tpu.memref_slice %arg7[%dma_start3A_14, %dma_start3A_20] : memref<40x128xi32, #tpu.memory_space<vmem>> -> memref<1x128xi32, #tpu.memory_space<vmem>>
    %dma_start3A_22 = tpu.memref_squeeze %dma_start3A_21 : memref<1x128xi32, #tpu.memory_space<vmem>> -> memref<128xi32, #tpu.memory_space<vmem>>
    %dma_start3A_23 = arith.constant 0 : i32
    %dma_start3A_24 = arith.constant 0 : i32
    %dma_start3A_25 = tpu.memref_slice %arg4[%dma_start3A_23, %dma_start3A_24] : memref<10240x128xf32, #tpu.memory_space<hbm>> -> memref<10240x128xf32, #tpu.memory_space<hbm>>
    tpu.enqueue_indirect_dma source(%dma_start3A_25 : memref<10240x128xf32, #tpu.memory_space<hbm>>) target(%dma_start3A_19 : memref<128x128xf32, #tpu.memory_space<vmem>>) offsets(%dma_start3A_22 : memref<128xi32, #tpu.memory_space<vmem>>) semaphore(%arg12 : memref<!tpu.dma_semaphore, #tpu.memory_space<semaphore_mem>>)
    %scan3A = arith.constant 0 : i32
    %scan3A_26 = arith.constant 0 : i32
    %scan3A_27 = arith.constant 20 : i32
    %scan3A_28 = arith.addi %scan3A_26, %scan3A_27 : i32
    %scan3A_29 = arith.constant 1 : i32
    scf.for %scan3A_62 = %scan3A_26 to %scan3A_28 step %scan3A_29  : i32 {
      %mul3A_63 = arith.constant 2 : i32
      %mul3A_64 = arith.muli %scan3A_62, %mul3A_63 : i32
      %add3A_65 = arith.constant 0 : i32
      %add3A_66 = arith.addi %mul3A_64, %add3A_65 : i32
      %dma_wait3A = arith.constant 0 : i32
      %dma_wait3A_67 = arith.constant 0 : i32
      %dma_wait3A_68 = arith.constant 0 : i32
      %dma_wait3A_69 = tpu.memref_slice %arg9[%dma_wait3A, %dma_wait3A_67, %dma_wait3A_68] : memref<2x128x128xf32, #tpu.memory_space<vmem>> -> memref<1x128x128xf32, #tpu.memory_space<vmem>>
      %dma_wait3A_70 = tpu.memref_squeeze %dma_wait3A_69 : memref<1x128x128xf32, #tpu.memory_space<vmem>> -> memref<128x128xf32, #tpu.memory_space<vmem>>
      %dma_wait3A_71 = arith.constant 0 : i32
      %dma_wait3A_72 = arith.constant 0 : i32
      %dma_wait3A_73 = tpu.memref_slice %arg4[%dma_wait3A_71, %dma_wait3A_72] : memref<10240x128xf32, #tpu.memory_space<hbm>> -> memref<128x128xf32, #tpu.memory_space<hbm>>
      %dma_wait3A_74 = arith.constant 0 : i32
      %dma_wait3A_75 = arith.constant 0 : i32
      %dma_wait3A_76 = tpu.memref_slice %arg9[%dma_wait3A, %dma_wait3A_74, %dma_wait3A_75] : memref<2x128x128xf32, #tpu.memory_space<vmem>> -> memref<1x128x128xf32, #tpu.memory_space<vmem>>
      %dma_wait3A_77 = tpu.memref_squeeze %dma_wait3A_76 : memref<1x128x128xf32, #tpu.memory_space<vmem>> -> memref<128x128xf32, #tpu.memory_space<vmem>>
      %dma_wait3A_78 = arith.constant 0 : i32
      %dma_wait3A_79 = arith.constant 0 : i32
      %dma_wait3A_80 = tpu.memref_slice %arg4[%dma_wait3A_78, %dma_wait3A_79] : memref<10240x128xf32, #tpu.memory_space<hbm>> -> memref<128x128xf32, #tpu.memory_space<hbm>>
      tpu.wait_dma2 semaphore(%arg11 : memref<!tpu.dma_semaphore, #tpu.memory_space<semaphore_mem>>) src(%dma_wait3A_80 : memref<128x128xf32, #tpu.memory_space<hbm>>) dst(%dma_wait3A_77 : memref<128x128xf32, #tpu.memory_space<vmem>>)
      %dma_start3A_81 = arith.constant 0 : i32
      %dma_start3A_82 = arith.constant 0 : i32
      %dma_start3A_83 = arith.constant 0 : i32
      %dma_start3A_84 = tpu.memref_slice %arg9[%dma_start3A_81, %dma_start3A_82, %dma_start3A_83] : memref<2x128x128xf32, #tpu.memory_space<vmem>> -> memref<1x128x128xf32, #tpu.memory_space<vmem>>
      %dma_start3A_85 = tpu.memref_squeeze %dma_start3A_84 : memref<1x128x128xf32, #tpu.memory_space<vmem>> -> memref<128x128xf32, #tpu.memory_space<vmem>>
      %dma_start3A_86 = arith.constant 0 : i32
      %dma_start3A_87 = tpu.memref_slice %arg8[%add3A_66, %dma_start3A_86] : memref<40x128xi32, #tpu.memory_space<vmem>> -> memref<1x128xi32, #tpu.memory_space<vmem>>
      %dma_start3A_88 = tpu.memref_squeeze %dma_start3A_87 : memref<1x128xi32, #tpu.memory_space<vmem>> -> memref<128xi32, #tpu.memory_space<vmem>>
      %dma_start3A_89 = arith.constant 0 : i32
      %dma_start3A_90 = arith.constant 0 : i32
      %dma_start3A_91 = tpu.memref_slice %arg10[%dma_start3A_89, %dma_start3A_90] : memref<10240x128xf32, #tpu.memory_space<vmem_shared>> -> memref<10240x128xf32, #tpu.memory_space<vmem_shared>>
      tpu.enqueue_indirect_dma source(%dma_start3A_85 : memref<128x128xf32, #tpu.memory_space<vmem>>) target(%dma_start3A_91 : memref<10240x128xf32, #tpu.memory_space<vmem_shared>>) offsets(%dma_start3A_88 : memref<128xi32, #tpu.memory_space<vmem>>) semaphore(%arg13 : memref<!tpu.dma_semaphore, #tpu.memory_space<semaphore_mem>>) {add = true}
      %mul3A_92 = arith.constant 2 : i32
      %mul3A_93 = arith.muli %scan3A_62, %mul3A_92 : i32
      %add3A_94 = arith.constant 1 : i32
      %add3A_95 = arith.addi %mul3A_93, %add3A_94 : i32
      %dma_wait3A_96 = arith.constant 1 : i32
      %dma_wait3A_97 = arith.constant 0 : i32
      %dma_wait3A_98 = arith.constant 0 : i32
      %dma_wait3A_99 = tpu.memref_slice %arg9[%dma_wait3A_96, %dma_wait3A_97, %dma_wait3A_98] : memref<2x128x128xf32, #tpu.memory_space<vmem>> -> memref<1x128x128xf32, #tpu.memory_space<vmem>>
      %dma_wait3A_100 = tpu.memref_squeeze %dma_wait3A_99 : memref<1x128x128xf32, #tpu.memory_space<vmem>> -> memref<128x128xf32, #tpu.memory_space<vmem>>
      %dma_wait3A_101 = arith.constant 0 : i32
      %dma_wait3A_102 = arith.constant 0 : i32
      %dma_wait3A_103 = tpu.memref_slice %arg4[%dma_wait3A_101, %dma_wait3A_102] : memref<10240x128xf32, #tpu.memory_space<hbm>> -> memref<128x128xf32, #tpu.memory_space<hbm>>
      %dma_wait3A_104 = arith.constant 0 : i32
      %dma_wait3A_105 = arith.constant 0 : i32
      %dma_wait3A_106 = tpu.memref_slice %arg9[%dma_wait3A_96, %dma_wait3A_104, %dma_wait3A_105] : memref<2x128x128xf32, #tpu.memory_space<vmem>> -> memref<1x128x128xf32, #tpu.memory_space<vmem>>
      %dma_wait3A_107 = tpu.memref_squeeze %dma_wait3A_106 : memref<1x128x128xf32, #tpu.memory_space<vmem>> -> memref<128x128xf32, #tpu.memory_space<vmem>>
      %dma_wait3A_108 = arith.constant 0 : i32
      %dma_wait3A_109 = arith.constant 0 : i32
      %dma_wait3A_110 = tpu.memref_slice %arg4[%dma_wait3A_108, %dma_wait3A_109] : memref<10240x128xf32, #tpu.memory_space<hbm>> -> memref<128x128xf32, #tpu.memory_space<hbm>>
      tpu.wait_dma2 semaphore(%arg12 : memref<!tpu.dma_semaphore, #tpu.memory_space<semaphore_mem>>) src(%dma_wait3A_110 : memref<128x128xf32, #tpu.memory_space<hbm>>) dst(%dma_wait3A_107 : memref<128x128xf32, #tpu.memory_space<vmem>>)
      %dma_start3A_111 = arith.constant 1 : i32
      %dma_start3A_112 = arith.constant 0 : i32
      %dma_start3A_113 = arith.constant 0 : i32
      %dma_start3A_114 = tpu.memref_slice %arg9[%dma_start3A_111, %dma_start3A_112, %dma_start3A_113] : memref<2x128x128xf32, #tpu.memory_space<vmem>> -> memref<1x128x128xf32, #tpu.memory_space<vmem>>
      %dma_start3A_115 = tpu.memref_squeeze %dma_start3A_114 : memref<1x128x128xf32, #tpu.memory_space<vmem>> -> memref<128x128xf32, #tpu.memory_space<vmem>>
      %dma_start3A_116 = arith.constant 0 : i32
      %dma_start3A_117 = tpu.memref_slice %arg8[%add3A_95, %dma_start3A_116] : memref<40x128xi32, #tpu.memory_space<vmem>> -> memref<1x128xi32, #tpu.memory_space<vmem>>
      %dma_start3A_118 = tpu.memref_squeeze %dma_start3A_117 : memref<1x128xi32, #tpu.memory_space<vmem>> -> memref<128xi32, #tpu.memory_space<vmem>>
      %dma_start3A_119 = arith.constant 0 : i32
      %dma_start3A_120 = arith.constant 0 : i32
      %dma_start3A_121 = tpu.memref_slice %arg10[%dma_start3A_119, %dma_start3A_120] : memref<10240x128xf32, #tpu.memory_space<vmem_shared>> -> memref<10240x128xf32, #tpu.memory_space<vmem_shared>>
      tpu.enqueue_indirect_dma source(%dma_start3A_115 : memref<128x128xf32, #tpu.memory_space<vmem>>) target(%dma_start3A_121 : memref<10240x128xf32, #tpu.memory_space<vmem_shared>>) offsets(%dma_start3A_118 : memref<128xi32, #tpu.memory_space<vmem>>) semaphore(%arg14 : memref<!tpu.dma_semaphore, #tpu.memory_space<semaphore_mem>>) {add = true}
      %dma_wait3A_122 = arith.constant 0 : i32
      %dma_wait3A_123 = arith.constant 0 : i32
      %dma_wait3A_124 = arith.constant 0 : i32
      %dma_wait3A_125 = tpu.memref_slice %arg9[%dma_wait3A_122, %dma_wait3A_123, %dma_wait3A_124] : memref<2x128x128xf32, #tpu.memory_space<vmem>> -> memref<1x128x128xf32, #tpu.memory_space<vmem>>
      %dma_wait3A_126 = tpu.memref_squeeze %dma_wait3A_125 : memref<1x128x128xf32, #tpu.memory_space<vmem>> -> memref<128x128xf32, #tpu.memory_space<vmem>>
      %dma_wait3A_127 = arith.constant 0 : i32
      %dma_wait3A_128 = tpu.memref_slice %arg8[%add3A_66, %dma_wait3A_127] : memref<40x128xi32, #tpu.memory_space<vmem>> -> memref<1x128xi32, #tpu.memory_space<vmem>>
      %dma_wait3A_129 = tpu.memref_squeeze %dma_wait3A_128 : memref<1x128xi32, #tpu.memory_space<vmem>> -> memref<128xi32, #tpu.memory_space<vmem>>
      %dma_wait3A_130 = arith.constant 0 : i32
      %dma_wait3A_131 = arith.constant 0 : i32
      %dma_wait3A_132 = tpu.memref_slice %arg10[%dma_wait3A_130, %dma_wait3A_131] : memref<10240x128xf32, #tpu.memory_space<vmem_shared>> -> memref<10240x128xf32, #tpu.memory_space<vmem_shared>>
      tpu.wait_indirect_dma semaphore(%arg13 : memref<!tpu.dma_semaphore, #tpu.memory_space<semaphore_mem>>) src(%dma_wait3A_126 : memref<128x128xf32, #tpu.memory_space<vmem>>) dst(%dma_wait3A_132 : memref<10240x128xf32, #tpu.memory_space<vmem_shared>>)
      %add3A_133 = arith.constant 1 : i32
      %add3A_134 = arith.addi %scan3A_62, %add3A_133 : i32
      %mul3A_135 = arith.constant 2 : i32
      %mul3A_136 = arith.muli %add3A_134, %mul3A_135 : i32
      %add3A_137 = arith.constant 0 : i32
      %add3A_138 = arith.addi %mul3A_136, %add3A_137 : i32
      %lt3A = arith.constant 40 : i32
      %lt3A_139 = arith.cmpi slt, %add3A_138, %lt3A : i32
      %convert_element_type3A = arith.extui %lt3A_139 : i1 to i32
      %cond3A = arith.constant 0 : i32
      %cond3A_140 = arith.cmpi ne, %convert_element_type3A, %cond3A : i32
      scf.if %cond3A_140 {
        %dma_start3A_163 = arith.constant 0 : i32
        %dma_start3A_164 = arith.constant 0 : i32
        %dma_start3A_165 = arith.constant 0 : i32
        %dma_start3A_166 = tpu.memref_slice %arg9[%dma_start3A_163, %dma_start3A_164, %dma_start3A_165] : memref<2x128x128xf32, #tpu.memory_space<vmem>> -> memref<1x128x128xf32, #tpu.memory_space<vmem>>
        %dma_start3A_167 = tpu.memref_squeeze %dma_start3A_166 : memref<1x128x128xf32, #tpu.memory_space<vmem>> -> memref<128x128xf32, #tpu.memory_space<vmem>>
        %dma_start3A_168 = arith.constant 0 : i32
        %dma_start3A_169 = tpu.memref_slice %arg7[%add3A_138, %dma_start3A_168] : memref<40x128xi32, #tpu.memory_space<vmem>> -> memref<1x128xi32, #tpu.memory_space<vmem>>
        %dma_start3A_170 = tpu.memref_squeeze %dma_start3A_169 : memref<1x128xi32, #tpu.memory_space<vmem>> -> memref<128xi32, #tpu.memory_space<vmem>>
        %dma_start3A_171 = arith.constant 0 : i32
        %dma_start3A_172 = arith.constant 0 : i32
        %dma_start3A_173 = tpu.memref_slice %arg4[%dma_start3A_171, %dma_start3A_172] : memref<10240x128xf32, #tpu.memory_space<hbm>> -> memref<10240x128xf32, #tpu.memory_space<hbm>>
        tpu.enqueue_indirect_dma source(%dma_start3A_173 : memref<10240x128xf32, #tpu.memory_space<hbm>>) target(%dma_start3A_167 : memref<128x128xf32, #tpu.memory_space<vmem>>) offsets(%dma_start3A_170 : memref<128xi32, #tpu.memory_space<vmem>>) semaphore(%arg11 : memref<!tpu.dma_semaphore, #tpu.memory_space<semaphore_mem>>)
      } else {
      }
      %dma_wait3A_141 = arith.constant 1 : i32
      %dma_wait3A_142 = arith.constant 0 : i32
      %dma_wait3A_143 = arith.constant 0 : i32
      %dma_wait3A_144 = tpu.memref_slice %arg9[%dma_wait3A_141, %dma_wait3A_142, %dma_wait3A_143] : memref<2x128x128xf32, #tpu.memory_space<vmem>> -> memref<1x128x128xf32, #tpu.memory_space<vmem>>
      %dma_wait3A_145 = tpu.memref_squeeze %dma_wait3A_144 : memref<1x128x128xf32, #tpu.memory_space<vmem>> -> memref<128x128xf32, #tpu.memory_space<vmem>>
      %dma_wait3A_146 = arith.constant 0 : i32
      %dma_wait3A_147 = tpu.memref_slice %arg8[%add3A_95, %dma_wait3A_146] : memref<40x128xi32, #tpu.memory_space<vmem>> -> memref<1x128xi32, #tpu.memory_space<vmem>>
      %dma_wait3A_148 = tpu.memref_squeeze %dma_wait3A_147 : memref<1x128xi32, #tpu.memory_space<vmem>> -> memref<128xi32, #tpu.memory_space<vmem>>
      %dma_wait3A_149 = arith.constant 0 : i32
      %dma_wait3A_150 = arith.constant 0 : i32
      %dma_wait3A_151 = tpu.memref_slice %arg10[%dma_wait3A_149, %dma_wait3A_150] : memref<10240x128xf32, #tpu.memory_space<vmem_shared>> -> memref<10240x128xf32, #tpu.memory_space<vmem_shared>>
      tpu.wait_indirect_dma semaphore(%arg14 : memref<!tpu.dma_semaphore, #tpu.memory_space<semaphore_mem>>) src(%dma_wait3A_145 : memref<128x128xf32, #tpu.memory_space<vmem>>) dst(%dma_wait3A_151 : memref<10240x128xf32, #tpu.memory_space<vmem_shared>>)
      %add3A_152 = arith.constant 1 : i32
      %add3A_153 = arith.addi %scan3A_62, %add3A_152 : i32
      %mul3A_154 = arith.constant 2 : i32
      %mul3A_155 = arith.muli %add3A_153, %mul3A_154 : i32
      %add3A_156 = arith.constant 1 : i32
      %add3A_157 = arith.addi %mul3A_155, %add3A_156 : i32
      %lt3A_158 = arith.constant 40 : i32
      %lt3A_159 = arith.cmpi slt, %add3A_157, %lt3A_158 : i32
      %convert_element_type3A_160 = arith.extui %lt3A_159 : i1 to i32
      %cond3A_161 = arith.constant 0 : i32
      %cond3A_162 = arith.cmpi ne, %convert_element_type3A_160, %cond3A_161 : i32
      scf.if %cond3A_162 {
        %dma_start3A_163 = arith.constant 1 : i32
        %dma_start3A_164 = arith.constant 0 : i32
        %dma_start3A_165 = arith.constant 0 : i32
        %dma_start3A_166 = tpu.memref_slice %arg9[%dma_start3A_163, %dma_start3A_164, %dma_start3A_165] : memref<2x128x128xf32, #tpu.memory_space<vmem>> -> memref<1x128x128xf32, #tpu.memory_space<vmem>>
        %dma_start3A_167 = tpu.memref_squeeze %dma_start3A_166 : memref<1x128x128xf32, #tpu.memory_space<vmem>> -> memref<128x128xf32, #tpu.memory_space<vmem>>
        %dma_start3A_168 = arith.constant 0 : i32
        %dma_start3A_169 = tpu.memref_slice %arg7[%add3A_157, %dma_start3A_168] : memref<40x128xi32, #tpu.memory_space<vmem>> -> memref<1x128xi32, #tpu.memory_space<vmem>>
        %dma_start3A_170 = tpu.memref_squeeze %dma_start3A_169 : memref<1x128xi32, #tpu.memory_space<vmem>> -> memref<128xi32, #tpu.memory_space<vmem>>
        %dma_start3A_171 = arith.constant 0 : i32
        %dma_start3A_172 = arith.constant 0 : i32
        %dma_start3A_173 = tpu.memref_slice %arg4[%dma_start3A_171, %dma_start3A_172] : memref<10240x128xf32, #tpu.memory_space<hbm>> -> memref<10240x128xf32, #tpu.memory_space<hbm>>
        tpu.enqueue_indirect_dma source(%dma_start3A_173 : memref<10240x128xf32, #tpu.memory_space<hbm>>) target(%dma_start3A_167 : memref<128x128xf32, #tpu.memory_space<vmem>>) offsets(%dma_start3A_170 : memref<128xi32, #tpu.memory_space<vmem>>) semaphore(%arg12 : memref<!tpu.dma_semaphore, #tpu.memory_space<semaphore_mem>>)
      } else {
      }
    }
    %scan3A_30 = arith.constant 20 : i32
    "tpu.region"() ({
      %run_scoped3A = tpu.sem_alloc : memref<!tpu.dma_semaphore, #tpu.memory_space<semaphore_mem>>
      %dma_start3A_62 = arith.constant 40 : i32
      %dma_start3A_63 = arith.constant 0 : i32
      %dma_start3A_64 = tpu.memref_slice %arg2[%add3A, %dma_start3A_62, %dma_start3A_63] : memref<32x80x128xi32, #tpu.memory_space<hbm>> -> memref<1x40x128xi32, #tpu.memory_space<hbm>>
      %dma_start3A_65 = tpu.memref_squeeze %dma_start3A_64 : memref<1x40x128xi32, #tpu.memory_space<hbm>> -> memref<40x128xi32, #tpu.memory_space<hbm>>
      %dma_start3A_66 = arith.constant 40 : i32
      %dma_start3A_67 = arith.constant 0 : i32
      %dma_start3A_68 = tpu.memref_slice %arg2[%add3A, %dma_start3A_66, %dma_start3A_67] : memref<32x80x128xi32, #tpu.memory_space<hbm>> -> memref<1x40x128xi32, #tpu.memory_space<hbm>>
      %dma_start3A_69 = tpu.memref_squeeze %dma_start3A_68 : memref<1x40x128xi32, #tpu.memory_space<hbm>> -> memref<40x128xi32, #tpu.memory_space<hbm>>
      tpu.enqueue_dma source(%dma_start3A_69 : memref<40x128xi32, #tpu.memory_space<hbm>>) target(%arg7 : memref<40x128xi32, #tpu.memory_space<vmem>>) target_semaphore(%run_scoped3A : memref<!tpu.dma_semaphore, #tpu.memory_space<semaphore_mem>>)
      %dma_wait3A = arith.constant 40 : i32
      %dma_wait3A_70 = arith.constant 0 : i32
      %dma_wait3A_71 = tpu.memref_slice %arg2[%add3A, %dma_wait3A, %dma_wait3A_70] : memref<32x80x128xi32, #tpu.memory_space<hbm>> -> memref<1x40x128xi32, #tpu.memory_space<hbm>>
      %dma_wait3A_72 = tpu.memref_squeeze %dma_wait3A_71 : memref<1x40x128xi32, #tpu.memory_space<hbm>> -> memref<40x128xi32, #tpu.memory_space<hbm>>
      %dma_wait3A_73 = arith.constant 40 : i32
      %dma_wait3A_74 = arith.constant 0 : i32
      %dma_wait3A_75 = tpu.memref_slice %arg2[%add3A, %dma_wait3A_73, %dma_wait3A_74] : memref<32x80x128xi32, #tpu.memory_space<hbm>> -> memref<1x40x128xi32, #tpu.memory_space<hbm>>
      %dma_wait3A_76 = tpu.memref_squeeze %dma_wait3A_75 : memref<1x40x128xi32, #tpu.memory_space<hbm>> -> memref<40x128xi32, #tpu.memory_space<hbm>>
      tpu.wait_dma2 semaphore(%run_scoped3A : memref<!tpu.dma_semaphore, #tpu.memory_space<semaphore_mem>>) src(%dma_wait3A_76 : memref<40x128xi32, #tpu.memory_space<hbm>>) dst(%arg7 : memref<40x128xi32, #tpu.memory_space<vmem>>)
      tpu.yield
    }) : () -> ()
    "tpu.region"() ({
      %run_scoped3A = tpu.sem_alloc : memref<!tpu.dma_semaphore, #tpu.memory_space<semaphore_mem>>
      %dma_start3A_62 = arith.constant 40 : i32
      %dma_start3A_63 = arith.constant 0 : i32
      %dma_start3A_64 = tpu.memref_slice %arg3[%add3A, %dma_start3A_62, %dma_start3A_63] : memref<32x80x128xi32, #tpu.memory_space<hbm>> -> memref<1x40x128xi32, #tpu.memory_space<hbm>>
      %dma_start3A_65 = tpu.memref_squeeze %dma_start3A_64 : memref<1x40x128xi32, #tpu.memory_space<hbm>> -> memref<40x128xi32, #tpu.memory_space<hbm>>
      %dma_start3A_66 = arith.constant 40 : i32
      %dma_start3A_67 = arith.constant 0 : i32
      %dma_start3A_68 = tpu.memref_slice %arg3[%add3A, %dma_start3A_66, %dma_start3A_67] : memref<32x80x128xi32, #tpu.memory_space<hbm>> -> memref<1x40x128xi32, #tpu.memory_space<hbm>>
      %dma_start3A_69 = tpu.memref_squeeze %dma_start3A_68 : memref<1x40x128xi32, #tpu.memory_space<hbm>> -> memref<40x128xi32, #tpu.memory_space<hbm>>
      tpu.enqueue_dma source(%dma_start3A_69 : memref<40x128xi32, #tpu.memory_space<hbm>>) target(%arg8 : memref<40x128xi32, #tpu.memory_space<vmem>>) target_semaphore(%run_scoped3A : memref<!tpu.dma_semaphore, #tpu.memory_space<semaphore_mem>>)
      %dma_wait3A = arith.constant 40 : i32
      %dma_wait3A_70 = arith.constant 0 : i32
      %dma_wait3A_71 = tpu.memref_slice %arg3[%add3A, %dma_wait3A, %dma_wait3A_70] : memref<32x80x128xi32, #tpu.memory_space<hbm>> -> memref<1x40x128xi32, #tpu.memory_space<hbm>>
      %dma_wait3A_72 = tpu.memref_squeeze %dma_wait3A_71 : memref<1x40x128xi32, #tpu.memory_space<hbm>> -> memref<40x128xi32, #tpu.memory_space<hbm>>
      %dma_wait3A_73 = arith.constant 40 : i32
      %dma_wait3A_74 = arith.constant 0 : i32
      %dma_wait3A_75 = tpu.memref_slice %arg3[%add3A, %dma_wait3A_73, %dma_wait3A_74] : memref<32x80x128xi32, #tpu.memory_space<hbm>> -> memref<1x40x128xi32, #tpu.memory_space<hbm>>
      %dma_wait3A_76 = tpu.memref_squeeze %dma_wait3A_75 : memref<1x40x128xi32, #tpu.memory_space<hbm>> -> memref<40x128xi32, #tpu.memory_space<hbm>>
      tpu.wait_dma2 semaphore(%run_scoped3A : memref<!tpu.dma_semaphore, #tpu.memory_space<semaphore_mem>>) src(%dma_wait3A_76 : memref<40x128xi32, #tpu.memory_space<hbm>>) dst(%arg8 : memref<40x128xi32, #tpu.memory_space<vmem>>)
      tpu.yield
    }) : () -> ()
    %dma_start3A_31 = arith.constant 0 : i32
    %dma_start3A_32 = arith.constant 0 : i32
    %dma_start3A_33 = arith.constant 0 : i32
    %dma_start3A_34 = arith.constant 0 : i32
    %dma_start3A_35 = tpu.memref_slice %arg9[%dma_start3A_32, %dma_start3A_33, %dma_start3A_34] : memref<2x128x128xf32, #tpu.memory_space<vmem>> -> memref<1x128x128xf32, #tpu.memory_space<vmem>>
    %dma_start3A_36 = tpu.memref_squeeze %dma_start3A_35 : memref<1x128x128xf32, #tpu.memory_space<vmem>> -> memref<128x128xf32, #tpu.memory_space<vmem>>
    %dma_start3A_37 = arith.constant 0 : i32
    %dma_start3A_38 = tpu.memref_slice %arg7[%dma_start3A_31, %dma_start3A_37] : memref<40x128xi32, #tpu.memory_space<vmem>> -> memref<1x128xi32, #tpu.memory_space<vmem>>
    %dma_start3A_39 = tpu.memref_squeeze %dma_start3A_38 : memref<1x128xi32, #tpu.memory_space<vmem>> -> memref<128xi32, #tpu.memory_space<vmem>>
    %dma_start3A_40 = arith.constant 0 : i32
    %dma_start3A_41 = arith.constant 0 : i32
    %dma_start3A_42 = tpu.memref_slice %arg4[%dma_start3A_40, %dma_start3A_41] : memref<10240x128xf32, #tpu.memory_space<hbm>> -> memref<10240x128xf32, #tpu.memory_space<hbm>>
    tpu.enqueue_indirect_dma source(%dma_start3A_42 : memref<10240x128xf32, #tpu.memory_space<hbm>>) target(%dma_start3A_36 : memref<128x128xf32, #tpu.memory_space<vmem>>) offsets(%dma_start3A_39 : memref<128xi32, #tpu.memory_space<vmem>>) semaphore(%arg11 : memref<!tpu.dma_semaphore, #tpu.memory_space<semaphore_mem>>)
    %dma_start3A_43 = arith.constant 1 : i32
    %dma_start3A_44 = arith.constant 1 : i32
    %dma_start3A_45 = arith.constant 0 : i32
    %dma_start3A_46 = arith.constant 0 : i32
    %dma_start3A_47 = tpu.memref_slice %arg9[%dma_start3A_44, %dma_start3A_45, %dma_start3A_46] : memref<2x128x128xf32, #tpu.memory_space<vmem>> -> memref<1x128x128xf32, #tpu.memory_space<vmem>>
    %dma_start3A_48 = tpu.memref_squeeze %dma_start3A_47 : memref<1x128x128xf32, #tpu.memory_space<vmem>> -> memref<128x128xf32, #tpu.memory_space<vmem>>
    %dma_start3A_49 = arith.constant 0 : i32
    %dma_start3A_50 = tpu.memref_slice %arg7[%dma_start3A_43, %dma_start3A_49] : memref<40x128xi32, #tpu.memory_space<vmem>> -> memref<1x128xi32, #tpu.memory_space<vmem>>
    %dma_start3A_51 = tpu.memref_squeeze %dma_start3A_50 : memref<1x128xi32, #tpu.memory_space<vmem>> -> memref<128xi32, #tpu.memory_space<vmem>>
    %dma_start3A_52 = arith.constant 0 : i32
    %dma_start3A_53 = arith.constant 0 : i32
    %dma_start3A_54 = tpu.memref_slice %arg4[%dma_start3A_52, %dma_start3A_53] : memref<10240x128xf32, #tpu.memory_space<hbm>> -> memref<10240x128xf32, #tpu.memory_space<hbm>>
    tpu.enqueue_indirect_dma source(%dma_start3A_54 : memref<10240x128xf32, #tpu.memory_space<hbm>>) target(%dma_start3A_48 : memref<128x128xf32, #tpu.memory_space<vmem>>) offsets(%dma_start3A_51 : memref<128xi32, #tpu.memory_space<vmem>>) semaphore(%arg12 : memref<!tpu.dma_semaphore, #tpu.memory_space<semaphore_mem>>)
    %scan3A_55 = arith.constant 0 : i32
    %scan3A_56 = arith.constant 0 : i32
    %scan3A_57 = arith.constant 20 : i32
    %scan3A_58 = arith.addi %scan3A_56, %scan3A_57 : i32
    %scan3A_59 = arith.constant 1 : i32
    scf.for %scan3A_62 = %scan3A_56 to %scan3A_58 step %scan3A_59  : i32 {
      %mul3A_63 = arith.constant 2 : i32
      %mul3A_64 = arith.muli %scan3A_62, %mul3A_63 : i32
      %add3A_65 = arith.constant 0 : i32
      %add3A_66 = arith.addi %mul3A_64, %add3A_65 : i32
      %dma_wait3A = arith.constant 0 : i32
      %dma_wait3A_67 = arith.constant 0 : i32
      %dma_wait3A_68 = arith.constant 0 : i32
      %dma_wait3A_69 = tpu.memref_slice %arg9[%dma_wait3A, %dma_wait3A_67, %dma_wait3A_68] : memref<2x128x128xf32, #tpu.memory_space<vmem>> -> memref<1x128x128xf32, #tpu.memory_space<vmem>>
      %dma_wait3A_70 = tpu.memref_squeeze %dma_wait3A_69 : memref<1x128x128xf32, #tpu.memory_space<vmem>> -> memref<128x128xf32, #tpu.memory_space<vmem>>
      %dma_wait3A_71 = arith.constant 0 : i32
      %dma_wait3A_72 = arith.constant 0 : i32
      %dma_wait3A_73 = tpu.memref_slice %arg4[%dma_wait3A_71, %dma_wait3A_72] : memref<10240x128xf32, #tpu.memory_space<hbm>> -> memref<128x128xf32, #tpu.memory_space<hbm>>
      %dma_wait3A_74 = arith.constant 0 : i32
      %dma_wait3A_75 = arith.constant 0 : i32
      %dma_wait3A_76 = tpu.memref_slice %arg9[%dma_wait3A, %dma_wait3A_74, %dma_wait3A_75] : memref<2x128x128xf32, #tpu.memory_space<vmem>> -> memref<1x128x128xf32, #tpu.memory_space<vmem>>
      %dma_wait3A_77 = tpu.memref_squeeze %dma_wait3A_76 : memref<1x128x128xf32, #tpu.memory_space<vmem>> -> memref<128x128xf32, #tpu.memory_space<vmem>>
      %dma_wait3A_78 = arith.constant 0 : i32
      %dma_wait3A_79 = arith.constant 0 : i32
      %dma_wait3A_80 = tpu.memref_slice %arg4[%dma_wait3A_78, %dma_wait3A_79] : memref<10240x128xf32, #tpu.memory_space<hbm>> -> memref<128x128xf32, #tpu.memory_space<hbm>>
      tpu.wait_dma2 semaphore(%arg11 : memref<!tpu.dma_semaphore, #tpu.memory_space<semaphore_mem>>) src(%dma_wait3A_80 : memref<128x128xf32, #tpu.memory_space<hbm>>) dst(%dma_wait3A_77 : memref<128x128xf32, #tpu.memory_space<vmem>>)
      %dma_start3A_81 = arith.constant 0 : i32
      %dma_start3A_82 = arith.constant 0 : i32
      %dma_start3A_83 = arith.constant 0 : i32
      %dma_start3A_84 = tpu.memref_slice %arg9[%dma_start3A_81, %dma_start3A_82, %dma_start3A_83] : memref<2x128x128xf32, #tpu.memory_space<vmem>> -> memref<1x128x128xf32, #tpu.memory_space<vmem>>
      %dma_start3A_85 = tpu.memref_squeeze %dma_start3A_84 : memref<1x128x128xf32, #tpu.memory_space<vmem>> -> memref<128x128xf32, #tpu.memory_space<vmem>>
      %dma_start3A_86 = arith.constant 0 : i32
      %dma_start3A_87 = tpu.memref_slice %arg8[%add3A_66, %dma_start3A_86] : memref<40x128xi32, #tpu.memory_space<vmem>> -> memref<1x128xi32, #tpu.memory_space<vmem>>
      %dma_start3A_88 = tpu.memref_squeeze %dma_start3A_87 : memref<1x128xi32, #tpu.memory_space<vmem>> -> memref<128xi32, #tpu.memory_space<vmem>>
      %dma_start3A_89 = arith.constant 0 : i32
      %dma_start3A_90 = arith.constant 0 : i32
      %dma_start3A_91 = tpu.memref_slice %arg10[%dma_start3A_89, %dma_start3A_90] : memref<10240x128xf32, #tpu.memory_space<vmem_shared>> -> memref<10240x128xf32, #tpu.memory_space<vmem_shared>>
      tpu.enqueue_indirect_dma source(%dma_start3A_85 : memref<128x128xf32, #tpu.memory_space<vmem>>) target(%dma_start3A_91 : memref<10240x128xf32, #tpu.memory_space<vmem_shared>>) offsets(%dma_start3A_88 : memref<128xi32, #tpu.memory_space<vmem>>) semaphore(%arg13 : memref<!tpu.dma_semaphore, #tpu.memory_space<semaphore_mem>>) {add = true}
      %mul3A_92 = arith.constant 2 : i32
      %mul3A_93 = arith.muli %scan3A_62, %mul3A_92 : i32
      %add3A_94 = arith.constant 1 : i32
      %add3A_95 = arith.addi %mul3A_93, %add3A_94 : i32
      %dma_wait3A_96 = arith.constant 1 : i32
      %dma_wait3A_97 = arith.constant 0 : i32
      %dma_wait3A_98 = arith.constant 0 : i32
      %dma_wait3A_99 = tpu.memref_slice %arg9[%dma_wait3A_96, %dma_wait3A_97, %dma_wait3A_98] : memref<2x128x128xf32, #tpu.memory_space<vmem>> -> memref<1x128x128xf32, #tpu.memory_space<vmem>>
      %dma_wait3A_100 = tpu.memref_squeeze %dma_wait3A_99 : memref<1x128x128xf32, #tpu.memory_space<vmem>> -> memref<128x128xf32, #tpu.memory_space<vmem>>
      %dma_wait3A_101 = arith.constant 0 : i32
      %dma_wait3A_102 = arith.constant 0 : i32
      %dma_wait3A_103 = tpu.memref_slice %arg4[%dma_wait3A_101, %dma_wait3A_102] : memref<10240x128xf32, #tpu.memory_space<hbm>> -> memref<128x128xf32, #tpu.memory_space<hbm>>
      %dma_wait3A_104 = arith.constant 0 : i32
      %dma_wait3A_105 = arith.constant 0 : i32
      %dma_wait3A_106 = tpu.memref_slice %arg9[%dma_wait3A_96, %dma_wait3A_104, %dma_wait3A_105] : memref<2x128x128xf32, #tpu.memory_space<vmem>> -> memref<1x128x128xf32, #tpu.memory_space<vmem>>
      %dma_wait3A_107 = tpu.memref_squeeze %dma_wait3A_106 : memref<1x128x128xf32, #tpu.memory_space<vmem>> -> memref<128x128xf32, #tpu.memory_space<vmem>>
      %dma_wait3A_108 = arith.constant 0 : i32
      %dma_wait3A_109 = arith.constant 0 : i32
      %dma_wait3A_110 = tpu.memref_slice %arg4[%dma_wait3A_108, %dma_wait3A_109] : memref<10240x128xf32, #tpu.memory_space<hbm>> -> memref<128x128xf32, #tpu.memory_space<hbm>>
      tpu.wait_dma2 semaphore(%arg12 : memref<!tpu.dma_semaphore, #tpu.memory_space<semaphore_mem>>) src(%dma_wait3A_110 : memref<128x128xf32, #tpu.memory_space<hbm>>) dst(%dma_wait3A_107 : memref<128x128xf32, #tpu.memory_space<vmem>>)
      %dma_start3A_111 = arith.constant 1 : i32
      %dma_start3A_112 = arith.constant 0 : i32
      %dma_start3A_113 = arith.constant 0 : i32
      %dma_start3A_114 = tpu.memref_slice %arg9[%dma_start3A_111, %dma_start3A_112, %dma_start3A_113] : memref<2x128x128xf32, #tpu.memory_space<vmem>> -> memref<1x128x128xf32, #tpu.memory_space<vmem>>
      %dma_start3A_115 = tpu.memref_squeeze %dma_start3A_114 : memref<1x128x128xf32, #tpu.memory_space<vmem>> -> memref<128x128xf32, #tpu.memory_space<vmem>>
      %dma_start3A_116 = arith.constant 0 : i32
      %dma_start3A_117 = tpu.memref_slice %arg8[%add3A_95, %dma_start3A_116] : memref<40x128xi32, #tpu.memory_space<vmem>> -> memref<1x128xi32, #tpu.memory_space<vmem>>
      %dma_start3A_118 = tpu.memref_squeeze %dma_start3A_117 : memref<1x128xi32, #tpu.memory_space<vmem>> -> memref<128xi32, #tpu.memory_space<vmem>>
      %dma_start3A_119 = arith.constant 0 : i32
      %dma_start3A_120 = arith.constant 0 : i32
      %dma_start3A_121 = tpu.memref_slice %arg10[%dma_start3A_119, %dma_start3A_120] : memref<10240x128xf32, #tpu.memory_space<vmem_shared>> -> memref<10240x128xf32, #tpu.memory_space<vmem_shared>>
      tpu.enqueue_indirect_dma source(%dma_start3A_115 : memref<128x128xf32, #tpu.memory_space<vmem>>) target(%dma_start3A_121 : memref<10240x128xf32, #tpu.memory_space<vmem_shared>>) offsets(%dma_start3A_118 : memref<128xi32, #tpu.memory_space<vmem>>) semaphore(%arg14 : memref<!tpu.dma_semaphore, #tpu.memory_space<semaphore_mem>>) {add = true}
      %dma_wait3A_122 = arith.constant 0 : i32
      %dma_wait3A_123 = arith.constant 0 : i32
      %dma_wait3A_124 = arith.constant 0 : i32
      %dma_wait3A_125 = tpu.memref_slice %arg9[%dma_wait3A_122, %dma_wait3A_123, %dma_wait3A_124] : memref<2x128x128xf32, #tpu.memory_space<vmem>> -> memref<1x128x128xf32, #tpu.memory_space<vmem>>
      %dma_wait3A_126 = tpu.memref_squeeze %dma_wait3A_125 : memref<1x128x128xf32, #tpu.memory_space<vmem>> -> memref<128x128xf32, #tpu.memory_space<vmem>>
      %dma_wait3A_127 = arith.constant 0 : i32
      %dma_wait3A_128 = tpu.memref_slice %arg8[%add3A_66, %dma_wait3A_127] : memref<40x128xi32, #tpu.memory_space<vmem>> -> memref<1x128xi32, #tpu.memory_space<vmem>>
      %dma_wait3A_129 = tpu.memref_squeeze %dma_wait3A_128 : memref<1x128xi32, #tpu.memory_space<vmem>> -> memref<128xi32, #tpu.memory_space<vmem>>
      %dma_wait3A_130 = arith.constant 0 : i32
      %dma_wait3A_131 = arith.constant 0 : i32
      %dma_wait3A_132 = tpu.memref_slice %arg10[%dma_wait3A_130, %dma_wait3A_131] : memref<10240x128xf32, #tpu.memory_space<vmem_shared>> -> memref<10240x128xf32, #tpu.memory_space<vmem_shared>>
      tpu.wait_indirect_dma semaphore(%arg13 : memref<!tpu.dma_semaphore, #tpu.memory_space<semaphore_mem>>) src(%dma_wait3A_126 : memref<128x128xf32, #tpu.memory_space<vmem>>) dst(%dma_wait3A_132 : memref<10240x128xf32, #tpu.memory_space<vmem_shared>>)
      %add3A_133 = arith.constant 1 : i32
      %add3A_134 = arith.addi %scan3A_62, %add3A_133 : i32
      %mul3A_135 = arith.constant 2 : i32
      %mul3A_136 = arith.muli %add3A_134, %mul3A_135 : i32
      %add3A_137 = arith.constant 0 : i32
      %add3A_138 = arith.addi %mul3A_136, %add3A_137 : i32
      %lt3A = arith.constant 40 : i32
      %lt3A_139 = arith.cmpi slt, %add3A_138, %lt3A : i32
      %convert_element_type3A = arith.extui %lt3A_139 : i1 to i32
      %cond3A = arith.constant 0 : i32
      %cond3A_140 = arith.cmpi ne, %convert_element_type3A, %cond3A : i32
      scf.if %cond3A_140 {
        %dma_start3A_163 = arith.constant 0 : i32
        %dma_start3A_164 = arith.constant 0 : i32
        %dma_start3A_165 = arith.constant 0 : i32
        %dma_start3A_166 = tpu.memref_slice %arg9[%dma_start3A_163, %dma_start3A_164, %dma_start3A_165] : memref<2x128x128xf32, #tpu.memory_space<vmem>> -> memref<1x128x128xf32, #tpu.memory_space<vmem>>
        %dma_start3A_167 = tpu.memref_squeeze %dma_start3A_166 : memref<1x128x128xf32, #tpu.memory_space<vmem>> -> memref<128x128xf32, #tpu.memory_space<vmem>>
        %dma_start3A_168 = arith.constant 0 : i32
        %dma_start3A_169 = tpu.memref_slice %arg7[%add3A_138, %dma_start3A_168] : memref<40x128xi32, #tpu.memory_space<vmem>> -> memref<1x128xi32, #tpu.memory_space<vmem>>
        %dma_start3A_170 = tpu.memref_squeeze %dma_start3A_169 : memref<1x128xi32, #tpu.memory_space<vmem>> -> memref<128xi32, #tpu.memory_space<vmem>>
        %dma_start3A_171 = arith.constant 0 : i32
        %dma_start3A_172 = arith.constant 0 : i32
        %dma_start3A_173 = tpu.memref_slice %arg4[%dma_start3A_171, %dma_start3A_172] : memref<10240x128xf32, #tpu.memory_space<hbm>> -> memref<10240x128xf32, #tpu.memory_space<hbm>>
        tpu.enqueue_indirect_dma source(%dma_start3A_173 : memref<10240x128xf32, #tpu.memory_space<hbm>>) target(%dma_start3A_167 : memref<128x128xf32, #tpu.memory_space<vmem>>) offsets(%dma_start3A_170 : memref<128xi32, #tpu.memory_space<vmem>>) semaphore(%arg11 : memref<!tpu.dma_semaphore, #tpu.memory_space<semaphore_mem>>)
      } else {
      }
      %dma_wait3A_141 = arith.constant 1 : i32
      %dma_wait3A_142 = arith.constant 0 : i32
      %dma_wait3A_143 = arith.constant 0 : i32
      %dma_wait3A_144 = tpu.memref_slice %arg9[%dma_wait3A_141, %dma_wait3A_142, %dma_wait3A_143] : memref<2x128x128xf32, #tpu.memory_space<vmem>> -> memref<1x128x128xf32, #tpu.memory_space<vmem>>
      %dma_wait3A_145 = tpu.memref_squeeze %dma_wait3A_144 : memref<1x128x128xf32, #tpu.memory_space<vmem>> -> memref<128x128xf32, #tpu.memory_space<vmem>>
      %dma_wait3A_146 = arith.constant 0 : i32
      %dma_wait3A_147 = tpu.memref_slice %arg8[%add3A_95, %dma_wait3A_146] : memref<40x128xi32, #tpu.memory_space<vmem>> -> memref<1x128xi32, #tpu.memory_space<vmem>>
      %dma_wait3A_148 = tpu.memref_squeeze %dma_wait3A_147 : memref<1x128xi32, #tpu.memory_space<vmem>> -> memref<128xi32, #tpu.memory_space<vmem>>
      %dma_wait3A_149 = arith.constant 0 : i32
      %dma_wait3A_150 = arith.constant 0 : i32
      %dma_wait3A_151 = tpu.memref_slice %arg10[%dma_wait3A_149, %dma_wait3A_150] : memref<10240x128xf32, #tpu.memory_space<vmem_shared>> -> memref<10240x128xf32, #tpu.memory_space<vmem_shared>>
      tpu.wait_indirect_dma semaphore(%arg14 : memref<!tpu.dma_semaphore, #tpu.memory_space<semaphore_mem>>) src(%dma_wait3A_145 : memref<128x128xf32, #tpu.memory_space<vmem>>) dst(%dma_wait3A_151 : memref<10240x128xf32, #tpu.memory_space<vmem_shared>>)
      %add3A_152 = arith.constant 1 : i32
      %add3A_153 = arith.addi %scan3A_62, %add3A_152 : i32
      %mul3A_154 = arith.constant 2 : i32
      %mul3A_155 = arith.muli %add3A_153, %mul3A_154 : i32
      %add3A_156 = arith.constant 1 : i32
      %add3A_157 = arith.addi %mul3A_155, %add3A_156 : i32
      %lt3A_158 = arith.constant 40 : i32
      %lt3A_159 = arith.cmpi slt, %add3A_157, %lt3A_158 : i32
      %convert_element_type3A_160 = arith.extui %lt3A_159 : i1 to i32
      %cond3A_161 = arith.constant 0 : i32
      %cond3A_162 = arith.cmpi ne, %convert_element_type3A_160, %cond3A_161 : i32
      scf.if %cond3A_162 {
        %dma_start3A_163 = arith.constant 1 : i32
        %dma_start3A_164 = arith.constant 0 : i32
        %dma_start3A_165 = arith.constant 0 : i32
        %dma_start3A_166 = tpu.memref_slice %arg9[%dma_start3A_163, %dma_start3A_164, %dma_start3A_165] : memref<2x128x128xf32, #tpu.memory_space<vmem>> -> memref<1x128x128xf32, #tpu.memory_space<vmem>>
        %dma_start3A_167 = tpu.memref_squeeze %dma_start3A_166 : memref<1x128x128xf32, #tpu.memory_space<vmem>> -> memref<128x128xf32, #tpu.memory_space<vmem>>
        %dma_start3A_168 = arith.constant 0 : i32
        %dma_start3A_169 = tpu.memref_slice %arg7[%add3A_157, %dma_start3A_168] : memref<40x128xi32, #tpu.memory_space<vmem>> -> memref<1x128xi32, #tpu.memory_space<vmem>>
        %dma_start3A_170 = tpu.memref_squeeze %dma_start3A_169 : memref<1x128xi32, #tpu.memory_space<vmem>> -> memref<128xi32, #tpu.memory_space<vmem>>
        %dma_start3A_171 = arith.constant 0 : i32
        %dma_start3A_172 = arith.constant 0 : i32
        %dma_start3A_173 = tpu.memref_slice %arg4[%dma_start3A_171, %dma_start3A_172] : memref<10240x128xf32, #tpu.memory_space<hbm>> -> memref<10240x128xf32, #tpu.memory_space<hbm>>
        tpu.enqueue_indirect_dma source(%dma_start3A_173 : memref<10240x128xf32, #tpu.memory_space<hbm>>) target(%dma_start3A_167 : memref<128x128xf32, #tpu.memory_space<vmem>>) offsets(%dma_start3A_170 : memref<128xi32, #tpu.memory_space<vmem>>) semaphore(%arg12 : memref<!tpu.dma_semaphore, #tpu.memory_space<semaphore_mem>>)
      } else {
      }
    }
    %scan3A_60 = arith.constant 20 : i32
    %barrier3A_61 = arith.constant 0 : index
    tpu.barrier barrier_id(%barrier3A_61)
    "tpu.region"() ({
      %run_scoped3A = tpu.sem_alloc : memref<!tpu.dma_semaphore, #tpu.memory_space<semaphore_mem>>
      %dma_start3A_62 = arith.constant 0 : i32
      %dma_start3A_63 = tpu.memref_slice %arg6[%arg0, %mul3A_2, %dma_start3A_62] : memref<2x10240x128xf32, #tpu.memory_space<hbm>> -> memref<1x640x128xf32, #tpu.memory_space<hbm>>
      %dma_start3A_64 = tpu.memref_squeeze %dma_start3A_63 : memref<1x640x128xf32, #tpu.memory_space<hbm>> -> memref<640x128xf32, #tpu.memory_space<hbm>>
      %dma_start3A_65 = arith.constant 0 : i32
      %dma_start3A_66 = tpu.memref_slice %arg10[%mul3A_2, %dma_start3A_65] : memref<10240x128xf32, #tpu.memory_space<vmem_shared>> -> memref<640x128xf32, #tpu.memory_space<vmem_shared>>
      tpu.enqueue_dma source(%dma_start3A_66 : memref<640x128xf32, #tpu.memory_space<vmem_shared>>) target(%dma_start3A_64 : memref<640x128xf32, #tpu.memory_space<hbm>>) target_semaphore(%run_scoped3A : memref<!tpu.dma_semaphore, #tpu.memory_space<semaphore_mem>>)
      %dma_wait3A = arith.constant 0 : i32
      %dma_wait3A_67 = tpu.memref_slice %arg6[%arg0, %mul3A_2, %dma_wait3A] : memref<2x10240x128xf32, #tpu.memory_space<hbm>> -> memref<1x640x128xf32, #tpu.memory_space<hbm>>
      %dma_wait3A_68 = tpu.memref_squeeze %dma_wait3A_67 : memref<1x640x128xf32, #tpu.memory_space<hbm>> -> memref<640x128xf32, #tpu.memory_space<hbm>>
      %dma_wait3A_69 = arith.constant 0 : i32
      %dma_wait3A_70 = tpu.memref_slice %arg10[%mul3A_2, %dma_wait3A_69] : memref<10240x128xf32, #tpu.memory_space<vmem_shared>> -> memref<640x128xf32, #tpu.memory_space<vmem_shared>>
      tpu.wait_dma2 semaphore(%run_scoped3A : memref<!tpu.dma_semaphore, #tpu.memory_space<semaphore_mem>>) src(%dma_wait3A_70 : memref<640x128xf32, #tpu.memory_space<vmem_shared>>) dst(%dma_wait3A_68 : memref<640x128xf32, #tpu.memory_space<hbm>>)
      tpu.yield
    }) : () -> ()
    return
  }
}

#map = affine_map<(d0, d1) -> (0, 0, 0)>
#map1 = affine_map<(d0, d1) -> (0, 0)>
module attributes {stable_mosaic.version = 14 : i64} {
  func.func @agg_k(%arg0: i32, %arg1: i32, %arg2: memref<32x80x128xi32, #tpu.memory_space<hbm>>, %arg3: memref<32x80x128xi32, #tpu.memory_space<hbm>>, %arg4: memref<10240x128xf32, #tpu.memory_space<hbm>>, %arg5: memref<10240x128xf32, #tpu.memory_space<hbm>>, %arg6: memref<2x10240x128xf32, #tpu.memory_space<hbm>>, %arg7: memref<40x128xi32, #tpu.memory_space<vmem>>, %arg8: memref<40x128xi32, #tpu.memory_space<vmem>>, %arg9: memref<2x128x128xf32, #tpu.memory_space<vmem>>, %arg10: memref<10240x128xf32, #tpu.memory_space<vmem_shared>>, %arg11: memref<!tpu.dma_semaphore, #tpu.memory_space<semaphore_mem>>, %arg12: memref<!tpu.dma_semaphore, #tpu.memory_space<semaphore_mem>>, %arg13: memref<!tpu.dma_semaphore, #tpu.memory_space<semaphore_mem>>, %arg14: memref<!tpu.dma_semaphore, #tpu.memory_space<semaphore_mem>>) attributes {dimension_semantics = [#tpu.dimension_semantics<core_parallel>, #tpu.dimension_semantics<subcore_parallel>], iteration_bounds = array<i64: 2, 16>, scalar_prefetch = 0 : i64, scratch_operands = 8 : i64, tpu.core_type = #tpu.core_type<sc_vector_subcore>, window_params = [{transform_indices = #map}, {transform_indices = #map}, {transform_indices = #map1}, {transform_indices = #map1}, {transform_indices = #map}]} {
    %mul3A = arith.constant 16 : i32
    %mul3A_0 = arith.muli %arg0, %mul3A : i32
    %add3A = arith.addi %mul3A_0, %arg1 : i32
    %mul3A_1 = arith.constant 640 : i32
    %mul3A_2 = arith.muli %arg1, %mul3A_1 : i32
    "tpu.region"() ({
      %run_scoped3A = tpu.sem_alloc : memref<!tpu.dma_semaphore, #tpu.memory_space<semaphore_mem>>
      %dma_start3A_62 = arith.constant 0 : i32
      %dma_start3A_63 = tpu.memref_slice %arg10[%mul3A_2, %dma_start3A_62] : memref<10240x128xf32, #tpu.memory_space<vmem_shared>> -> memref<640x128xf32, #tpu.memory_space<vmem_shared>>
      %dma_start3A_64 = arith.constant 0 : i32
      %dma_start3A_65 = tpu.memref_slice %arg5[%mul3A_2, %dma_start3A_64] : memref<10240x128xf32, #tpu.memory_space<hbm>> -> memref<640x128xf32, #tpu.memory_space<hbm>>
      tpu.enqueue_dma source(%dma_start3A_65 : memref<640x128xf32, #tpu.memory_space<hbm>>) target(%dma_start3A_63 : memref<640x128xf32, #tpu.memory_space<vmem_shared>>) target_semaphore(%run_scoped3A : memref<!tpu.dma_semaphore, #tpu.memory_space<semaphore_mem>>)
      %dma_wait3A = arith.constant 0 : i32
      %dma_wait3A_66 = tpu.memref_slice %arg10[%mul3A_2, %dma_wait3A] : memref<10240x128xf32, #tpu.memory_space<vmem_shared>> -> memref<640x128xf32, #tpu.memory_space<vmem_shared>>
      %dma_wait3A_67 = arith.constant 0 : i32
      %dma_wait3A_68 = tpu.memref_slice %arg5[%mul3A_2, %dma_wait3A_67] : memref<10240x128xf32, #tpu.memory_space<hbm>> -> memref<640x128xf32, #tpu.memory_space<hbm>>
      tpu.wait_dma2 semaphore(%run_scoped3A : memref<!tpu.dma_semaphore, #tpu.memory_space<semaphore_mem>>) src(%dma_wait3A_68 : memref<640x128xf32, #tpu.memory_space<hbm>>) dst(%dma_wait3A_66 : memref<640x128xf32, #tpu.memory_space<vmem_shared>>)
      tpu.yield
    }) : () -> ()
    %barrier3A = arith.constant 0 : index
    tpu.barrier barrier_id(%barrier3A)
    "tpu.region"() ({
      %run_scoped3A = tpu.sem_alloc : memref<!tpu.dma_semaphore, #tpu.memory_space<semaphore_mem>>
      %dma_start3A_62 = arith.constant 0 : i32
      %dma_start3A_63 = arith.constant 0 : i32
      %dma_start3A_64 = tpu.memref_slice %arg2[%add3A, %dma_start3A_62, %dma_start3A_63] : memref<32x80x128xi32, #tpu.memory_space<hbm>> -> memref<1x40x128xi32, #tpu.memory_space<hbm>>
      %dma_start3A_65 = tpu.memref_squeeze %dma_start3A_64 : memref<1x40x128xi32, #tpu.memory_space<hbm>> -> memref<40x128xi32, #tpu.memory_space<hbm>>
      %dma_start3A_66 = arith.constant 0 : i32
      %dma_start3A_67 = arith.constant 0 : i32
      %dma_start3A_68 = tpu.memref_slice %arg2[%add3A, %dma_start3A_66, %dma_start3A_67] : memref<32x80x128xi32, #tpu.memory_space<hbm>> -> memref<1x40x128xi32, #tpu.memory_space<hbm>>
      %dma_start3A_69 = tpu.memref_squeeze %dma_start3A_68 : memref<1x40x128xi32, #tpu.memory_space<hbm>> -> memref<40x128xi32, #tpu.memory_space<hbm>>
      tpu.enqueue_dma source(%dma_start3A_69 : memref<40x128xi32, #tpu.memory_space<hbm>>) target(%arg7 : memref<40x128xi32, #tpu.memory_space<vmem>>) target_semaphore(%run_scoped3A : memref<!tpu.dma_semaphore, #tpu.memory_space<semaphore_mem>>)
      %dma_wait3A = arith.constant 0 : i32
      %dma_wait3A_70 = arith.constant 0 : i32
      %dma_wait3A_71 = tpu.memref_slice %arg2[%add3A, %dma_wait3A, %dma_wait3A_70] : memref<32x80x128xi32, #tpu.memory_space<hbm>> -> memref<1x40x128xi32, #tpu.memory_space<hbm>>
      %dma_wait3A_72 = tpu.memref_squeeze %dma_wait3A_71 : memref<1x40x128xi32, #tpu.memory_space<hbm>> -> memref<40x128xi32, #tpu.memory_space<hbm>>
      %dma_wait3A_73 = arith.constant 0 : i32
      %dma_wait3A_74 = arith.constant 0 : i32
      %dma_wait3A_75 = tpu.memref_slice %arg2[%add3A, %dma_wait3A_73, %dma_wait3A_74] : memref<32x80x128xi32, #tpu.memory_space<hbm>> -> memref<1x40x128xi32, #tpu.memory_space<hbm>>
      %dma_wait3A_76 = tpu.memref_squeeze %dma_wait3A_75 : memref<1x40x128xi32, #tpu.memory_space<hbm>> -> memref<40x128xi32, #tpu.memory_space<hbm>>
      tpu.wait_dma2 semaphore(%run_scoped3A : memref<!tpu.dma_semaphore, #tpu.memory_space<semaphore_mem>>) src(%dma_wait3A_76 : memref<40x128xi32, #tpu.memory_space<hbm>>) dst(%arg7 : memref<40x128xi32, #tpu.memory_space<vmem>>)
      tpu.yield
    }) : () -> ()
    "tpu.region"() ({
      %run_scoped3A = tpu.sem_alloc : memref<!tpu.dma_semaphore, #tpu.memory_space<semaphore_mem>>
      %dma_start3A_62 = arith.constant 0 : i32
      %dma_start3A_63 = arith.constant 0 : i32
      %dma_start3A_64 = tpu.memref_slice %arg3[%add3A, %dma_start3A_62, %dma_start3A_63] : memref<32x80x128xi32, #tpu.memory_space<hbm>> -> memref<1x40x128xi32, #tpu.memory_space<hbm>>
      %dma_start3A_65 = tpu.memref_squeeze %dma_start3A_64 : memref<1x40x128xi32, #tpu.memory_space<hbm>> -> memref<40x128xi32, #tpu.memory_space<hbm>>
      %dma_start3A_66 = arith.constant 0 : i32
      %dma_start3A_67 = arith.constant 0 : i32
      %dma_start3A_68 = tpu.memref_slice %arg3[%add3A, %dma_start3A_66, %dma_start3A_67] : memref<32x80x128xi32, #tpu.memory_space<hbm>> -> memref<1x40x128xi32, #tpu.memory_space<hbm>>
      %dma_start3A_69 = tpu.memref_squeeze %dma_start3A_68 : memref<1x40x128xi32, #tpu.memory_space<hbm>> -> memref<40x128xi32, #tpu.memory_space<hbm>>
      tpu.enqueue_dma source(%dma_start3A_69 : memref<40x128xi32, #tpu.memory_space<hbm>>) target(%arg8 : memref<40x128xi32, #tpu.memory_space<vmem>>) target_semaphore(%run_scoped3A : memref<!tpu.dma_semaphore, #tpu.memory_space<semaphore_mem>>)
      %dma_wait3A = arith.constant 0 : i32
      %dma_wait3A_70 = arith.constant 0 : i32
      %dma_wait3A_71 = tpu.memref_slice %arg3[%add3A, %dma_wait3A, %dma_wait3A_70] : memref<32x80x128xi32, #tpu.memory_space<hbm>> -> memref<1x40x128xi32, #tpu.memory_space<hbm>>
      %dma_wait3A_72 = tpu.memref_squeeze %dma_wait3A_71 : memref<1x40x128xi32, #tpu.memory_space<hbm>> -> memref<40x128xi32, #tpu.memory_space<hbm>>
      %dma_wait3A_73 = arith.constant 0 : i32
      %dma_wait3A_74 = arith.constant 0 : i32
      %dma_wait3A_75 = tpu.memref_slice %arg3[%add3A, %dma_wait3A_73, %dma_wait3A_74] : memref<32x80x128xi32, #tpu.memory_space<hbm>> -> memref<1x40x128xi32, #tpu.memory_space<hbm>>
      %dma_wait3A_76 = tpu.memref_squeeze %dma_wait3A_75 : memref<1x40x128xi32, #tpu.memory_space<hbm>> -> memref<40x128xi32, #tpu.memory_space<hbm>>
      tpu.wait_dma2 semaphore(%run_scoped3A : memref<!tpu.dma_semaphore, #tpu.memory_space<semaphore_mem>>) src(%dma_wait3A_76 : memref<40x128xi32, #tpu.memory_space<hbm>>) dst(%arg8 : memref<40x128xi32, #tpu.memory_space<vmem>>)
      tpu.yield
    }) : () -> ()
    %dma_start3A = arith.constant 0 : i32
    %dma_start3A_3 = arith.constant 0 : i32
    %dma_start3A_4 = arith.constant 0 : i32
    %dma_start3A_5 = arith.constant 0 : i32
    %dma_start3A_6 = tpu.memref_slice %arg9[%dma_start3A_3, %dma_start3A_4, %dma_start3A_5] : memref<2x128x128xf32, #tpu.memory_space<vmem>> -> memref<1x128x128xf32, #tpu.memory_space<vmem>>
    %dma_start3A_7 = tpu.memref_squeeze %dma_start3A_6 : memref<1x128x128xf32, #tpu.memory_space<vmem>> -> memref<128x128xf32, #tpu.memory_space<vmem>>
    %dma_start3A_8 = arith.constant 0 : i32
    %dma_start3A_9 = tpu.memref_slice %arg7[%dma_start3A, %dma_start3A_8] : memref<40x128xi32, #tpu.memory_space<vmem>> -> memref<1x128xi32, #tpu.memory_space<vmem>>
    %dma_start3A_10 = tpu.memref_squeeze %dma_start3A_9 : memref<1x128xi32, #tpu.memory_space<vmem>> -> memref<128xi32, #tpu.memory_space<vmem>>
    %dma_start3A_11 = arith.constant 0 : i32
    %dma_start3A_12 = arith.constant 0 : i32
    %dma_start3A_13 = tpu.memref_slice %arg4[%dma_start3A_11, %dma_start3A_12] : memref<10240x128xf32, #tpu.memory_space<hbm>> -> memref<10240x128xf32, #tpu.memory_space<hbm>>
    tpu.enqueue_indirect_dma source(%dma_start3A_13 : memref<10240x128xf32, #tpu.memory_space<hbm>>) target(%dma_start3A_7 : memref<128x128xf32, #tpu.memory_space<vmem>>) offsets(%dma_start3A_10 : memref<128xi32, #tpu.memory_space<vmem>>) semaphore(%arg11 : memref<!tpu.dma_semaphore, #tpu.memory_space<semaphore_mem>>)
    %dma_start3A_14 = arith.constant 1 : i32
    %dma_start3A_15 = arith.constant 1 : i32
    %dma_start3A_16 = arith.constant 0 : i32
    %dma_start3A_17 = arith.constant 0 : i32
    %dma_start3A_18 = tpu.memref_slice %arg9[%dma_start3A_15, %dma_start3A_16, %dma_start3A_17] : memref<2x128x128xf32, #tpu.memory_space<vmem>> -> memref<1x128x128xf32, #tpu.memory_space<vmem>>
    %dma_start3A_19 = tpu.memref_squeeze %dma_start3A_18 : memref<1x128x128xf32, #tpu.memory_space<vmem>> -> memref<128x128xf32, #tpu.memory_space<vmem>>
    %dma_start3A_20 = arith.constant 0 : i32
    %dma_start3A_21 = tpu.memref_slice %arg7[%dma_start3A_14, %dma_start3A_20] : memref<40x128xi32, #tpu.memory_space<vmem>> -> memref<1x128xi32, #tpu.memory_space<vmem>>
    %dma_start3A_22 = tpu.memref_squeeze %dma_start3A_21 : memref<1x128xi32, #tpu.memory_space<vmem>> -> memref<128xi32, #tpu.memory_space<vmem>>
    %dma_start3A_23 = arith.constant 0 : i32
    %dma_start3A_24 = arith.constant 0 : i32
    %dma_start3A_25 = tpu.memref_slice %arg4[%dma_start3A_23, %dma_start3A_24] : memref<10240x128xf32, #tpu.memory_space<hbm>> -> memref<10240x128xf32, #tpu.memory_space<hbm>>
    tpu.enqueue_indirect_dma source(%dma_start3A_25 : memref<10240x128xf32, #tpu.memory_space<hbm>>) target(%dma_start3A_19 : memref<128x128xf32, #tpu.memory_space<vmem>>) offsets(%dma_start3A_22 : memref<128xi32, #tpu.memory_space<vmem>>) semaphore(%arg12 : memref<!tpu.dma_semaphore, #tpu.memory_space<semaphore_mem>>)
    %scan3A = arith.constant 0 : i32
    %scan3A_26 = arith.constant 0 : i32
    %scan3A_27 = arith.constant 20 : i32
    %scan3A_28 = arith.addi %scan3A_26, %scan3A_27 : i32
    %scan3A_29 = arith.constant 1 : i32
    scf.for %scan3A_62 = %scan3A_26 to %scan3A_28 step %scan3A_29  : i32 {
      %mul3A_63 = arith.constant 2 : i32
      %mul3A_64 = arith.muli %scan3A_62, %mul3A_63 : i32
      %add3A_65 = arith.constant 0 : i32
      %add3A_66 = arith.addi %mul3A_64, %add3A_65 : i32
      %dma_wait3A = arith.constant 0 : i32
      %dma_wait3A_67 = arith.constant 0 : i32
      %dma_wait3A_68 = arith.constant 0 : i32
      %dma_wait3A_69 = tpu.memref_slice %arg9[%dma_wait3A, %dma_wait3A_67, %dma_wait3A_68] : memref<2x128x128xf32, #tpu.memory_space<vmem>> -> memref<1x128x128xf32, #tpu.memory_space<vmem>>
      %dma_wait3A_70 = tpu.memref_squeeze %dma_wait3A_69 : memref<1x128x128xf32, #tpu.memory_space<vmem>> -> memref<128x128xf32, #tpu.memory_space<vmem>>
      %dma_wait3A_71 = arith.constant 0 : i32
      %dma_wait3A_72 = arith.constant 0 : i32
      %dma_wait3A_73 = tpu.memref_slice %arg4[%dma_wait3A_71, %dma_wait3A_72] : memref<10240x128xf32, #tpu.memory_space<hbm>> -> memref<128x128xf32, #tpu.memory_space<hbm>>
      %dma_wait3A_74 = arith.constant 0 : i32
      %dma_wait3A_75 = arith.constant 0 : i32
      %dma_wait3A_76 = tpu.memref_slice %arg9[%dma_wait3A, %dma_wait3A_74, %dma_wait3A_75] : memref<2x128x128xf32, #tpu.memory_space<vmem>> -> memref<1x128x128xf32, #tpu.memory_space<vmem>>
      %dma_wait3A_77 = tpu.memref_squeeze %dma_wait3A_76 : memref<1x128x128xf32, #tpu.memory_space<vmem>> -> memref<128x128xf32, #tpu.memory_space<vmem>>
      %dma_wait3A_78 = arith.constant 0 : i32
      %dma_wait3A_79 = arith.constant 0 : i32
      %dma_wait3A_80 = tpu.memref_slice %arg4[%dma_wait3A_78, %dma_wait3A_79] : memref<10240x128xf32, #tpu.memory_space<hbm>> -> memref<128x128xf32, #tpu.memory_space<hbm>>
      tpu.wait_dma2 semaphore(%arg11 : memref<!tpu.dma_semaphore, #tpu.memory_space<semaphore_mem>>) src(%dma_wait3A_80 : memref<128x128xf32, #tpu.memory_space<hbm>>) dst(%dma_wait3A_77 : memref<128x128xf32, #tpu.memory_space<vmem>>)
      %dma_start3A_81 = arith.constant 0 : i32
      %dma_start3A_82 = arith.constant 0 : i32
      %dma_start3A_83 = arith.constant 0 : i32
      %dma_start3A_84 = tpu.memref_slice %arg9[%dma_start3A_81, %dma_start3A_82, %dma_start3A_83] : memref<2x128x128xf32, #tpu.memory_space<vmem>> -> memref<1x128x128xf32, #tpu.memory_space<vmem>>
      %dma_start3A_85 = tpu.memref_squeeze %dma_start3A_84 : memref<1x128x128xf32, #tpu.memory_space<vmem>> -> memref<128x128xf32, #tpu.memory_space<vmem>>
      %dma_start3A_86 = arith.constant 0 : i32
      %dma_start3A_87 = tpu.memref_slice %arg8[%add3A_66, %dma_start3A_86] : memref<40x128xi32, #tpu.memory_space<vmem>> -> memref<1x128xi32, #tpu.memory_space<vmem>>
      %dma_start3A_88 = tpu.memref_squeeze %dma_start3A_87 : memref<1x128xi32, #tpu.memory_space<vmem>> -> memref<128xi32, #tpu.memory_space<vmem>>
      %dma_start3A_89 = arith.constant 0 : i32
      %dma_start3A_90 = arith.constant 0 : i32
      %dma_start3A_91 = tpu.memref_slice %arg10[%dma_start3A_89, %dma_start3A_90] : memref<10240x128xf32, #tpu.memory_space<vmem_shared>> -> memref<10240x128xf32, #tpu.memory_space<vmem_shared>>
      tpu.enqueue_indirect_dma source(%dma_start3A_85 : memref<128x128xf32, #tpu.memory_space<vmem>>) target(%dma_start3A_91 : memref<10240x128xf32, #tpu.memory_space<vmem_shared>>) offsets(%dma_start3A_88 : memref<128xi32, #tpu.memory_space<vmem>>) semaphore(%arg13 : memref<!tpu.dma_semaphore, #tpu.memory_space<semaphore_mem>>) {add = true}
      %mul3A_92 = arith.constant 2 : i32
      %mul3A_93 = arith.muli %scan3A_62, %mul3A_92 : i32
      %add3A_94 = arith.constant 1 : i32
      %add3A_95 = arith.addi %mul3A_93, %add3A_94 : i32
      %dma_wait3A_96 = arith.constant 1 : i32
      %dma_wait3A_97 = arith.constant 0 : i32
      %dma_wait3A_98 = arith.constant 0 : i32
      %dma_wait3A_99 = tpu.memref_slice %arg9[%dma_wait3A_96, %dma_wait3A_97, %dma_wait3A_98] : memref<2x128x128xf32, #tpu.memory_space<vmem>> -> memref<1x128x128xf32, #tpu.memory_space<vmem>>
      %dma_wait3A_100 = tpu.memref_squeeze %dma_wait3A_99 : memref<1x128x128xf32, #tpu.memory_space<vmem>> -> memref<128x128xf32, #tpu.memory_space<vmem>>
      %dma_wait3A_101 = arith.constant 0 : i32
      %dma_wait3A_102 = arith.constant 0 : i32
      %dma_wait3A_103 = tpu.memref_slice %arg4[%dma_wait3A_101, %dma_wait3A_102] : memref<10240x128xf32, #tpu.memory_space<hbm>> -> memref<128x128xf32, #tpu.memory_space<hbm>>
      %dma_wait3A_104 = arith.constant 0 : i32
      %dma_wait3A_105 = arith.constant 0 : i32
      %dma_wait3A_106 = tpu.memref_slice %arg9[%dma_wait3A_96, %dma_wait3A_104, %dma_wait3A_105] : memref<2x128x128xf32, #tpu.memory_space<vmem>> -> memref<1x128x128xf32, #tpu.memory_space<vmem>>
      %dma_wait3A_107 = tpu.memref_squeeze %dma_wait3A_106 : memref<1x128x128xf32, #tpu.memory_space<vmem>> -> memref<128x128xf32, #tpu.memory_space<vmem>>
      %dma_wait3A_108 = arith.constant 0 : i32
      %dma_wait3A_109 = arith.constant 0 : i32
      %dma_wait3A_110 = tpu.memref_slice %arg4[%dma_wait3A_108, %dma_wait3A_109] : memref<10240x128xf32, #tpu.memory_space<hbm>> -> memref<128x128xf32, #tpu.memory_space<hbm>>
      tpu.wait_dma2 semaphore(%arg12 : memref<!tpu.dma_semaphore, #tpu.memory_space<semaphore_mem>>) src(%dma_wait3A_110 : memref<128x128xf32, #tpu.memory_space<hbm>>) dst(%dma_wait3A_107 : memref<128x128xf32, #tpu.memory_space<vmem>>)
      %dma_start3A_111 = arith.constant 1 : i32
      %dma_start3A_112 = arith.constant 0 : i32
      %dma_start3A_113 = arith.constant 0 : i32
      %dma_start3A_114 = tpu.memref_slice %arg9[%dma_start3A_111, %dma_start3A_112, %dma_start3A_113] : memref<2x128x128xf32, #tpu.memory_space<vmem>> -> memref<1x128x128xf32, #tpu.memory_space<vmem>>
      %dma_start3A_115 = tpu.memref_squeeze %dma_start3A_114 : memref<1x128x128xf32, #tpu.memory_space<vmem>> -> memref<128x128xf32, #tpu.memory_space<vmem>>
      %dma_start3A_116 = arith.constant 0 : i32
      %dma_start3A_117 = tpu.memref_slice %arg8[%add3A_95, %dma_start3A_116] : memref<40x128xi32, #tpu.memory_space<vmem>> -> memref<1x128xi32, #tpu.memory_space<vmem>>
      %dma_start3A_118 = tpu.memref_squeeze %dma_start3A_117 : memref<1x128xi32, #tpu.memory_space<vmem>> -> memref<128xi32, #tpu.memory_space<vmem>>
      %dma_start3A_119 = arith.constant 0 : i32
      %dma_start3A_120 = arith.constant 0 : i32
      %dma_start3A_121 = tpu.memref_slice %arg10[%dma_start3A_119, %dma_start3A_120] : memref<10240x128xf32, #tpu.memory_space<vmem_shared>> -> memref<10240x128xf32, #tpu.memory_space<vmem_shared>>
      tpu.enqueue_indirect_dma source(%dma_start3A_115 : memref<128x128xf32, #tpu.memory_space<vmem>>) target(%dma_start3A_121 : memref<10240x128xf32, #tpu.memory_space<vmem_shared>>) offsets(%dma_start3A_118 : memref<128xi32, #tpu.memory_space<vmem>>) semaphore(%arg14 : memref<!tpu.dma_semaphore, #tpu.memory_space<semaphore_mem>>) {add = true}
      %dma_wait3A_122 = arith.constant 0 : i32
      %dma_wait3A_123 = arith.constant 0 : i32
      %dma_wait3A_124 = arith.constant 0 : i32
      %dma_wait3A_125 = tpu.memref_slice %arg9[%dma_wait3A_122, %dma_wait3A_123, %dma_wait3A_124] : memref<2x128x128xf32, #tpu.memory_space<vmem>> -> memref<1x128x128xf32, #tpu.memory_space<vmem>>
      %dma_wait3A_126 = tpu.memref_squeeze %dma_wait3A_125 : memref<1x128x128xf32, #tpu.memory_space<vmem>> -> memref<128x128xf32, #tpu.memory_space<vmem>>
      %dma_wait3A_127 = arith.constant 0 : i32
      %dma_wait3A_128 = tpu.memref_slice %arg8[%add3A_66, %dma_wait3A_127] : memref<40x128xi32, #tpu.memory_space<vmem>> -> memref<1x128xi32, #tpu.memory_space<vmem>>
      %dma_wait3A_129 = tpu.memref_squeeze %dma_wait3A_128 : memref<1x128xi32, #tpu.memory_space<vmem>> -> memref<128xi32, #tpu.memory_space<vmem>>
      %dma_wait3A_130 = arith.constant 0 : i32
      %dma_wait3A_131 = arith.constant 0 : i32
      %dma_wait3A_132 = tpu.memref_slice %arg10[%dma_wait3A_130, %dma_wait3A_131] : memref<10240x128xf32, #tpu.memory_space<vmem_shared>> -> memref<10240x128xf32, #tpu.memory_space<vmem_shared>>
      tpu.wait_indirect_dma semaphore(%arg13 : memref<!tpu.dma_semaphore, #tpu.memory_space<semaphore_mem>>) src(%dma_wait3A_126 : memref<128x128xf32, #tpu.memory_space<vmem>>) dst(%dma_wait3A_132 : memref<10240x128xf32, #tpu.memory_space<vmem_shared>>)
      %add3A_133 = arith.constant 1 : i32
      %add3A_134 = arith.addi %scan3A_62, %add3A_133 : i32
      %mul3A_135 = arith.constant 2 : i32
      %mul3A_136 = arith.muli %add3A_134, %mul3A_135 : i32
      %add3A_137 = arith.constant 0 : i32
      %add3A_138 = arith.addi %mul3A_136, %add3A_137 : i32
      %lt3A = arith.constant 40 : i32
      %lt3A_139 = arith.cmpi slt, %add3A_138, %lt3A : i32
      %convert_element_type3A = arith.extui %lt3A_139 : i1 to i32
      %cond3A = arith.constant 0 : i32
      %cond3A_140 = arith.cmpi ne, %convert_element_type3A, %cond3A : i32
      scf.if %cond3A_140 {
        %dma_start3A_163 = arith.constant 0 : i32
        %dma_start3A_164 = arith.constant 0 : i32
        %dma_start3A_165 = arith.constant 0 : i32
        %dma_start3A_166 = tpu.memref_slice %arg9[%dma_start3A_163, %dma_start3A_164, %dma_start3A_165] : memref<2x128x128xf32, #tpu.memory_space<vmem>> -> memref<1x128x128xf32, #tpu.memory_space<vmem>>
        %dma_start3A_167 = tpu.memref_squeeze %dma_start3A_166 : memref<1x128x128xf32, #tpu.memory_space<vmem>> -> memref<128x128xf32, #tpu.memory_space<vmem>>
        %dma_start3A_168 = arith.constant 0 : i32
        %dma_start3A_169 = tpu.memref_slice %arg7[%add3A_138, %dma_start3A_168] : memref<40x128xi32, #tpu.memory_space<vmem>> -> memref<1x128xi32, #tpu.memory_space<vmem>>
        %dma_start3A_170 = tpu.memref_squeeze %dma_start3A_169 : memref<1x128xi32, #tpu.memory_space<vmem>> -> memref<128xi32, #tpu.memory_space<vmem>>
        %dma_start3A_171 = arith.constant 0 : i32
        %dma_start3A_172 = arith.constant 0 : i32
        %dma_start3A_173 = tpu.memref_slice %arg4[%dma_start3A_171, %dma_start3A_172] : memref<10240x128xf32, #tpu.memory_space<hbm>> -> memref<10240x128xf32, #tpu.memory_space<hbm>>
        tpu.enqueue_indirect_dma source(%dma_start3A_173 : memref<10240x128xf32, #tpu.memory_space<hbm>>) target(%dma_start3A_167 : memref<128x128xf32, #tpu.memory_space<vmem>>) offsets(%dma_start3A_170 : memref<128xi32, #tpu.memory_space<vmem>>) semaphore(%arg11 : memref<!tpu.dma_semaphore, #tpu.memory_space<semaphore_mem>>)
      } else {
      }
      %dma_wait3A_141 = arith.constant 1 : i32
      %dma_wait3A_142 = arith.constant 0 : i32
      %dma_wait3A_143 = arith.constant 0 : i32
      %dma_wait3A_144 = tpu.memref_slice %arg9[%dma_wait3A_141, %dma_wait3A_142, %dma_wait3A_143] : memref<2x128x128xf32, #tpu.memory_space<vmem>> -> memref<1x128x128xf32, #tpu.memory_space<vmem>>
      %dma_wait3A_145 = tpu.memref_squeeze %dma_wait3A_144 : memref<1x128x128xf32, #tpu.memory_space<vmem>> -> memref<128x128xf32, #tpu.memory_space<vmem>>
      %dma_wait3A_146 = arith.constant 0 : i32
      %dma_wait3A_147 = tpu.memref_slice %arg8[%add3A_95, %dma_wait3A_146] : memref<40x128xi32, #tpu.memory_space<vmem>> -> memref<1x128xi32, #tpu.memory_space<vmem>>
      %dma_wait3A_148 = tpu.memref_squeeze %dma_wait3A_147 : memref<1x128xi32, #tpu.memory_space<vmem>> -> memref<128xi32, #tpu.memory_space<vmem>>
      %dma_wait3A_149 = arith.constant 0 : i32
      %dma_wait3A_150 = arith.constant 0 : i32
      %dma_wait3A_151 = tpu.memref_slice %arg10[%dma_wait3A_149, %dma_wait3A_150] : memref<10240x128xf32, #tpu.memory_space<vmem_shared>> -> memref<10240x128xf32, #tpu.memory_space<vmem_shared>>
      tpu.wait_indirect_dma semaphore(%arg14 : memref<!tpu.dma_semaphore, #tpu.memory_space<semaphore_mem>>) src(%dma_wait3A_145 : memref<128x128xf32, #tpu.memory_space<vmem>>) dst(%dma_wait3A_151 : memref<10240x128xf32, #tpu.memory_space<vmem_shared>>)
      %add3A_152 = arith.constant 1 : i32
      %add3A_153 = arith.addi %scan3A_62, %add3A_152 : i32
      %mul3A_154 = arith.constant 2 : i32
      %mul3A_155 = arith.muli %add3A_153, %mul3A_154 : i32
      %add3A_156 = arith.constant 1 : i32
      %add3A_157 = arith.addi %mul3A_155, %add3A_156 : i32
      %lt3A_158 = arith.constant 40 : i32
      %lt3A_159 = arith.cmpi slt, %add3A_157, %lt3A_158 : i32
      %convert_element_type3A_160 = arith.extui %lt3A_159 : i1 to i32
      %cond3A_161 = arith.constant 0 : i32
      %cond3A_162 = arith.cmpi ne, %convert_element_type3A_160, %cond3A_161 : i32
      scf.if %cond3A_162 {
        %dma_start3A_163 = arith.constant 1 : i32
        %dma_start3A_164 = arith.constant 0 : i32
        %dma_start3A_165 = arith.constant 0 : i32
        %dma_start3A_166 = tpu.memref_slice %arg9[%dma_start3A_163, %dma_start3A_164, %dma_start3A_165] : memref<2x128x128xf32, #tpu.memory_space<vmem>> -> memref<1x128x128xf32, #tpu.memory_space<vmem>>
        %dma_start3A_167 = tpu.memref_squeeze %dma_start3A_166 : memref<1x128x128xf32, #tpu.memory_space<vmem>> -> memref<128x128xf32, #tpu.memory_space<vmem>>
        %dma_start3A_168 = arith.constant 0 : i32
        %dma_start3A_169 = tpu.memref_slice %arg7[%add3A_157, %dma_start3A_168] : memref<40x128xi32, #tpu.memory_space<vmem>> -> memref<1x128xi32, #tpu.memory_space<vmem>>
        %dma_start3A_170 = tpu.memref_squeeze %dma_start3A_169 : memref<1x128xi32, #tpu.memory_space<vmem>> -> memref<128xi32, #tpu.memory_space<vmem>>
        %dma_start3A_171 = arith.constant 0 : i32
        %dma_start3A_172 = arith.constant 0 : i32
        %dma_start3A_173 = tpu.memref_slice %arg4[%dma_start3A_171, %dma_start3A_172] : memref<10240x128xf32, #tpu.memory_space<hbm>> -> memref<10240x128xf32, #tpu.memory_space<hbm>>
        tpu.enqueue_indirect_dma source(%dma_start3A_173 : memref<10240x128xf32, #tpu.memory_space<hbm>>) target(%dma_start3A_167 : memref<128x128xf32, #tpu.memory_space<vmem>>) offsets(%dma_start3A_170 : memref<128xi32, #tpu.memory_space<vmem>>) semaphore(%arg12 : memref<!tpu.dma_semaphore, #tpu.memory_space<semaphore_mem>>)
      } else {
      }
    }
    %scan3A_30 = arith.constant 20 : i32
    "tpu.region"() ({
      %run_scoped3A = tpu.sem_alloc : memref<!tpu.dma_semaphore, #tpu.memory_space<semaphore_mem>>
      %dma_start3A_62 = arith.constant 40 : i32
      %dma_start3A_63 = arith.constant 0 : i32
      %dma_start3A_64 = tpu.memref_slice %arg2[%add3A, %dma_start3A_62, %dma_start3A_63] : memref<32x80x128xi32, #tpu.memory_space<hbm>> -> memref<1x40x128xi32, #tpu.memory_space<hbm>>
      %dma_start3A_65 = tpu.memref_squeeze %dma_start3A_64 : memref<1x40x128xi32, #tpu.memory_space<hbm>> -> memref<40x128xi32, #tpu.memory_space<hbm>>
      %dma_start3A_66 = arith.constant 40 : i32
      %dma_start3A_67 = arith.constant 0 : i32
      %dma_start3A_68 = tpu.memref_slice %arg2[%add3A, %dma_start3A_66, %dma_start3A_67] : memref<32x80x128xi32, #tpu.memory_space<hbm>> -> memref<1x40x128xi32, #tpu.memory_space<hbm>>
      %dma_start3A_69 = tpu.memref_squeeze %dma_start3A_68 : memref<1x40x128xi32, #tpu.memory_space<hbm>> -> memref<40x128xi32, #tpu.memory_space<hbm>>
      tpu.enqueue_dma source(%dma_start3A_69 : memref<40x128xi32, #tpu.memory_space<hbm>>) target(%arg7 : memref<40x128xi32, #tpu.memory_space<vmem>>) target_semaphore(%run_scoped3A : memref<!tpu.dma_semaphore, #tpu.memory_space<semaphore_mem>>)
      %dma_wait3A = arith.constant 40 : i32
      %dma_wait3A_70 = arith.constant 0 : i32
      %dma_wait3A_71 = tpu.memref_slice %arg2[%add3A, %dma_wait3A, %dma_wait3A_70] : memref<32x80x128xi32, #tpu.memory_space<hbm>> -> memref<1x40x128xi32, #tpu.memory_space<hbm>>
      %dma_wait3A_72 = tpu.memref_squeeze %dma_wait3A_71 : memref<1x40x128xi32, #tpu.memory_space<hbm>> -> memref<40x128xi32, #tpu.memory_space<hbm>>
      %dma_wait3A_73 = arith.constant 40 : i32
      %dma_wait3A_74 = arith.constant 0 : i32
      %dma_wait3A_75 = tpu.memref_slice %arg2[%add3A, %dma_wait3A_73, %dma_wait3A_74] : memref<32x80x128xi32, #tpu.memory_space<hbm>> -> memref<1x40x128xi32, #tpu.memory_space<hbm>>
      %dma_wait3A_76 = tpu.memref_squeeze %dma_wait3A_75 : memref<1x40x128xi32, #tpu.memory_space<hbm>> -> memref<40x128xi32, #tpu.memory_space<hbm>>
      tpu.wait_dma2 semaphore(%run_scoped3A : memref<!tpu.dma_semaphore, #tpu.memory_space<semaphore_mem>>) src(%dma_wait3A_76 : memref<40x128xi32, #tpu.memory_space<hbm>>) dst(%arg7 : memref<40x128xi32, #tpu.memory_space<vmem>>)
      tpu.yield
    }) : () -> ()
    "tpu.region"() ({
      %run_scoped3A = tpu.sem_alloc : memref<!tpu.dma_semaphore, #tpu.memory_space<semaphore_mem>>
      %dma_start3A_62 = arith.constant 40 : i32
      %dma_start3A_63 = arith.constant 0 : i32
      %dma_start3A_64 = tpu.memref_slice %arg3[%add3A, %dma_start3A_62, %dma_start3A_63] : memref<32x80x128xi32, #tpu.memory_space<hbm>> -> memref<1x40x128xi32, #tpu.memory_space<hbm>>
      %dma_start3A_65 = tpu.memref_squeeze %dma_start3A_64 : memref<1x40x128xi32, #tpu.memory_space<hbm>> -> memref<40x128xi32, #tpu.memory_space<hbm>>
      %dma_start3A_66 = arith.constant 40 : i32
      %dma_start3A_67 = arith.constant 0 : i32
      %dma_start3A_68 = tpu.memref_slice %arg3[%add3A, %dma_start3A_66, %dma_start3A_67] : memref<32x80x128xi32, #tpu.memory_space<hbm>> -> memref<1x40x128xi32, #tpu.memory_space<hbm>>
      %dma_start3A_69 = tpu.memref_squeeze %dma_start3A_68 : memref<1x40x128xi32, #tpu.memory_space<hbm>> -> memref<40x128xi32, #tpu.memory_space<hbm>>
      tpu.enqueue_dma source(%dma_start3A_69 : memref<40x128xi32, #tpu.memory_space<hbm>>) target(%arg8 : memref<40x128xi32, #tpu.memory_space<vmem>>) target_semaphore(%run_scoped3A : memref<!tpu.dma_semaphore, #tpu.memory_space<semaphore_mem>>)
      %dma_wait3A = arith.constant 40 : i32
      %dma_wait3A_70 = arith.constant 0 : i32
      %dma_wait3A_71 = tpu.memref_slice %arg3[%add3A, %dma_wait3A, %dma_wait3A_70] : memref<32x80x128xi32, #tpu.memory_space<hbm>> -> memref<1x40x128xi32, #tpu.memory_space<hbm>>
      %dma_wait3A_72 = tpu.memref_squeeze %dma_wait3A_71 : memref<1x40x128xi32, #tpu.memory_space<hbm>> -> memref<40x128xi32, #tpu.memory_space<hbm>>
      %dma_wait3A_73 = arith.constant 40 : i32
      %dma_wait3A_74 = arith.constant 0 : i32
      %dma_wait3A_75 = tpu.memref_slice %arg3[%add3A, %dma_wait3A_73, %dma_wait3A_74] : memref<32x80x128xi32, #tpu.memory_space<hbm>> -> memref<1x40x128xi32, #tpu.memory_space<hbm>>
      %dma_wait3A_76 = tpu.memref_squeeze %dma_wait3A_75 : memref<1x40x128xi32, #tpu.memory_space<hbm>> -> memref<40x128xi32, #tpu.memory_space<hbm>>
      tpu.wait_dma2 semaphore(%run_scoped3A : memref<!tpu.dma_semaphore, #tpu.memory_space<semaphore_mem>>) src(%dma_wait3A_76 : memref<40x128xi32, #tpu.memory_space<hbm>>) dst(%arg8 : memref<40x128xi32, #tpu.memory_space<vmem>>)
      tpu.yield
    }) : () -> ()
    %dma_start3A_31 = arith.constant 0 : i32
    %dma_start3A_32 = arith.constant 0 : i32
    %dma_start3A_33 = arith.constant 0 : i32
    %dma_start3A_34 = arith.constant 0 : i32
    %dma_start3A_35 = tpu.memref_slice %arg9[%dma_start3A_32, %dma_start3A_33, %dma_start3A_34] : memref<2x128x128xf32, #tpu.memory_space<vmem>> -> memref<1x128x128xf32, #tpu.memory_space<vmem>>
    %dma_start3A_36 = tpu.memref_squeeze %dma_start3A_35 : memref<1x128x128xf32, #tpu.memory_space<vmem>> -> memref<128x128xf32, #tpu.memory_space<vmem>>
    %dma_start3A_37 = arith.constant 0 : i32
    %dma_start3A_38 = tpu.memref_slice %arg7[%dma_start3A_31, %dma_start3A_37] : memref<40x128xi32, #tpu.memory_space<vmem>> -> memref<1x128xi32, #tpu.memory_space<vmem>>
    %dma_start3A_39 = tpu.memref_squeeze %dma_start3A_38 : memref<1x128xi32, #tpu.memory_space<vmem>> -> memref<128xi32, #tpu.memory_space<vmem>>
    %dma_start3A_40 = arith.constant 0 : i32
    %dma_start3A_41 = arith.constant 0 : i32
    %dma_start3A_42 = tpu.memref_slice %arg4[%dma_start3A_40, %dma_start3A_41] : memref<10240x128xf32, #tpu.memory_space<hbm>> -> memref<10240x128xf32, #tpu.memory_space<hbm>>
    tpu.enqueue_indirect_dma source(%dma_start3A_42 : memref<10240x128xf32, #tpu.memory_space<hbm>>) target(%dma_start3A_36 : memref<128x128xf32, #tpu.memory_space<vmem>>) offsets(%dma_start3A_39 : memref<128xi32, #tpu.memory_space<vmem>>) semaphore(%arg11 : memref<!tpu.dma_semaphore, #tpu.memory_space<semaphore_mem>>)
    %dma_start3A_43 = arith.constant 1 : i32
    %dma_start3A_44 = arith.constant 1 : i32
    %dma_start3A_45 = arith.constant 0 : i32
    %dma_start3A_46 = arith.constant 0 : i32
    %dma_start3A_47 = tpu.memref_slice %arg9[%dma_start3A_44, %dma_start3A_45, %dma_start3A_46] : memref<2x128x128xf32, #tpu.memory_space<vmem>> -> memref<1x128x128xf32, #tpu.memory_space<vmem>>
    %dma_start3A_48 = tpu.memref_squeeze %dma_start3A_47 : memref<1x128x128xf32, #tpu.memory_space<vmem>> -> memref<128x128xf32, #tpu.memory_space<vmem>>
    %dma_start3A_49 = arith.constant 0 : i32
    %dma_start3A_50 = tpu.memref_slice %arg7[%dma_start3A_43, %dma_start3A_49] : memref<40x128xi32, #tpu.memory_space<vmem>> -> memref<1x128xi32, #tpu.memory_space<vmem>>
    %dma_start3A_51 = tpu.memref_squeeze %dma_start3A_50 : memref<1x128xi32, #tpu.memory_space<vmem>> -> memref<128xi32, #tpu.memory_space<vmem>>
    %dma_start3A_52 = arith.constant 0 : i32
    %dma_start3A_53 = arith.constant 0 : i32
    %dma_start3A_54 = tpu.memref_slice %arg4[%dma_start3A_52, %dma_start3A_53] : memref<10240x128xf32, #tpu.memory_space<hbm>> -> memref<10240x128xf32, #tpu.memory_space<hbm>>
    tpu.enqueue_indirect_dma source(%dma_start3A_54 : memref<10240x128xf32, #tpu.memory_space<hbm>>) target(%dma_start3A_48 : memref<128x128xf32, #tpu.memory_space<vmem>>) offsets(%dma_start3A_51 : memref<128xi32, #tpu.memory_space<vmem>>) semaphore(%arg12 : memref<!tpu.dma_semaphore, #tpu.memory_space<semaphore_mem>>)
    %scan3A_55 = arith.constant 0 : i32
    %scan3A_56 = arith.constant 0 : i32
    %scan3A_57 = arith.constant 20 : i32
    %scan3A_58 = arith.addi %scan3A_56, %scan3A_57 : i32
    %scan3A_59 = arith.constant 1 : i32
    scf.for %scan3A_62 = %scan3A_56 to %scan3A_58 step %scan3A_59  : i32 {
      %mul3A_63 = arith.constant 2 : i32
      %mul3A_64 = arith.muli %scan3A_62, %mul3A_63 : i32
      %add3A_65 = arith.constant 0 : i32
      %add3A_66 = arith.addi %mul3A_64, %add3A_65 : i32
      %dma_wait3A = arith.constant 0 : i32
      %dma_wait3A_67 = arith.constant 0 : i32
      %dma_wait3A_68 = arith.constant 0 : i32
      %dma_wait3A_69 = tpu.memref_slice %arg9[%dma_wait3A, %dma_wait3A_67, %dma_wait3A_68] : memref<2x128x128xf32, #tpu.memory_space<vmem>> -> memref<1x128x128xf32, #tpu.memory_space<vmem>>
      %dma_wait3A_70 = tpu.memref_squeeze %dma_wait3A_69 : memref<1x128x128xf32, #tpu.memory_space<vmem>> -> memref<128x128xf32, #tpu.memory_space<vmem>>
      %dma_wait3A_71 = arith.constant 0 : i32
      %dma_wait3A_72 = arith.constant 0 : i32
      %dma_wait3A_73 = tpu.memref_slice %arg4[%dma_wait3A_71, %dma_wait3A_72] : memref<10240x128xf32, #tpu.memory_space<hbm>> -> memref<128x128xf32, #tpu.memory_space<hbm>>
      %dma_wait3A_74 = arith.constant 0 : i32
      %dma_wait3A_75 = arith.constant 0 : i32
      %dma_wait3A_76 = tpu.memref_slice %arg9[%dma_wait3A, %dma_wait3A_74, %dma_wait3A_75] : memref<2x128x128xf32, #tpu.memory_space<vmem>> -> memref<1x128x128xf32, #tpu.memory_space<vmem>>
      %dma_wait3A_77 = tpu.memref_squeeze %dma_wait3A_76 : memref<1x128x128xf32, #tpu.memory_space<vmem>> -> memref<128x128xf32, #tpu.memory_space<vmem>>
      %dma_wait3A_78 = arith.constant 0 : i32
      %dma_wait3A_79 = arith.constant 0 : i32
      %dma_wait3A_80 = tpu.memref_slice %arg4[%dma_wait3A_78, %dma_wait3A_79] : memref<10240x128xf32, #tpu.memory_space<hbm>> -> memref<128x128xf32, #tpu.memory_space<hbm>>
      tpu.wait_dma2 semaphore(%arg11 : memref<!tpu.dma_semaphore, #tpu.memory_space<semaphore_mem>>) src(%dma_wait3A_80 : memref<128x128xf32, #tpu.memory_space<hbm>>) dst(%dma_wait3A_77 : memref<128x128xf32, #tpu.memory_space<vmem>>)
      %dma_start3A_81 = arith.constant 0 : i32
      %dma_start3A_82 = arith.constant 0 : i32
      %dma_start3A_83 = arith.constant 0 : i32
      %dma_start3A_84 = tpu.memref_slice %arg9[%dma_start3A_81, %dma_start3A_82, %dma_start3A_83] : memref<2x128x128xf32, #tpu.memory_space<vmem>> -> memref<1x128x128xf32, #tpu.memory_space<vmem>>
      %dma_start3A_85 = tpu.memref_squeeze %dma_start3A_84 : memref<1x128x128xf32, #tpu.memory_space<vmem>> -> memref<128x128xf32, #tpu.memory_space<vmem>>
      %dma_start3A_86 = arith.constant 0 : i32
      %dma_start3A_87 = tpu.memref_slice %arg8[%add3A_66, %dma_start3A_86] : memref<40x128xi32, #tpu.memory_space<vmem>> -> memref<1x128xi32, #tpu.memory_space<vmem>>
      %dma_start3A_88 = tpu.memref_squeeze %dma_start3A_87 : memref<1x128xi32, #tpu.memory_space<vmem>> -> memref<128xi32, #tpu.memory_space<vmem>>
      %dma_start3A_89 = arith.constant 0 : i32
      %dma_start3A_90 = arith.constant 0 : i32
      %dma_start3A_91 = tpu.memref_slice %arg10[%dma_start3A_89, %dma_start3A_90] : memref<10240x128xf32, #tpu.memory_space<vmem_shared>> -> memref<10240x128xf32, #tpu.memory_space<vmem_shared>>
      tpu.enqueue_indirect_dma source(%dma_start3A_85 : memref<128x128xf32, #tpu.memory_space<vmem>>) target(%dma_start3A_91 : memref<10240x128xf32, #tpu.memory_space<vmem_shared>>) offsets(%dma_start3A_88 : memref<128xi32, #tpu.memory_space<vmem>>) semaphore(%arg13 : memref<!tpu.dma_semaphore, #tpu.memory_space<semaphore_mem>>) {add = true}
      %mul3A_92 = arith.constant 2 : i32
      %mul3A_93 = arith.muli %scan3A_62, %mul3A_92 : i32
      %add3A_94 = arith.constant 1 : i32
      %add3A_95 = arith.addi %mul3A_93, %add3A_94 : i32
      %dma_wait3A_96 = arith.constant 1 : i32
      %dma_wait3A_97 = arith.constant 0 : i32
      %dma_wait3A_98 = arith.constant 0 : i32
      %dma_wait3A_99 = tpu.memref_slice %arg9[%dma_wait3A_96, %dma_wait3A_97, %dma_wait3A_98] : memref<2x128x128xf32, #tpu.memory_space<vmem>> -> memref<1x128x128xf32, #tpu.memory_space<vmem>>
      %dma_wait3A_100 = tpu.memref_squeeze %dma_wait3A_99 : memref<1x128x128xf32, #tpu.memory_space<vmem>> -> memref<128x128xf32, #tpu.memory_space<vmem>>
      %dma_wait3A_101 = arith.constant 0 : i32
      %dma_wait3A_102 = arith.constant 0 : i32
      %dma_wait3A_103 = tpu.memref_slice %arg4[%dma_wait3A_101, %dma_wait3A_102] : memref<10240x128xf32, #tpu.memory_space<hbm>> -> memref<128x128xf32, #tpu.memory_space<hbm>>
      %dma_wait3A_104 = arith.constant 0 : i32
      %dma_wait3A_105 = arith.constant 0 : i32
      %dma_wait3A_106 = tpu.memref_slice %arg9[%dma_wait3A_96, %dma_wait3A_104, %dma_wait3A_105] : memref<2x128x128xf32, #tpu.memory_space<vmem>> -> memref<1x128x128xf32, #tpu.memory_space<vmem>>
      %dma_wait3A_107 = tpu.memref_squeeze %dma_wait3A_106 : memref<1x128x128xf32, #tpu.memory_space<vmem>> -> memref<128x128xf32, #tpu.memory_space<vmem>>
      %dma_wait3A_108 = arith.constant 0 : i32
      %dma_wait3A_109 = arith.constant 0 : i32
      %dma_wait3A_110 = tpu.memref_slice %arg4[%dma_wait3A_108, %dma_wait3A_109] : memref<10240x128xf32, #tpu.memory_space<hbm>> -> memref<128x128xf32, #tpu.memory_space<hbm>>
      tpu.wait_dma2 semaphore(%arg12 : memref<!tpu.dma_semaphore, #tpu.memory_space<semaphore_mem>>) src(%dma_wait3A_110 : memref<128x128xf32, #tpu.memory_space<hbm>>) dst(%dma_wait3A_107 : memref<128x128xf32, #tpu.memory_space<vmem>>)
      %dma_start3A_111 = arith.constant 1 : i32
      %dma_start3A_112 = arith.constant 0 : i32
      %dma_start3A_113 = arith.constant 0 : i32
      %dma_start3A_114 = tpu.memref_slice %arg9[%dma_start3A_111, %dma_start3A_112, %dma_start3A_113] : memref<2x128x128xf32, #tpu.memory_space<vmem>> -> memref<1x128x128xf32, #tpu.memory_space<vmem>>
      %dma_start3A_115 = tpu.memref_squeeze %dma_start3A_114 : memref<1x128x128xf32, #tpu.memory_space<vmem>> -> memref<128x128xf32, #tpu.memory_space<vmem>>
      %dma_start3A_116 = arith.constant 0 : i32
      %dma_start3A_117 = tpu.memref_slice %arg8[%add3A_95, %dma_start3A_116] : memref<40x128xi32, #tpu.memory_space<vmem>> -> memref<1x128xi32, #tpu.memory_space<vmem>>
      %dma_start3A_118 = tpu.memref_squeeze %dma_start3A_117 : memref<1x128xi32, #tpu.memory_space<vmem>> -> memref<128xi32, #tpu.memory_space<vmem>>
      %dma_start3A_119 = arith.constant 0 : i32
      %dma_start3A_120 = arith.constant 0 : i32
      %dma_start3A_121 = tpu.memref_slice %arg10[%dma_start3A_119, %dma_start3A_120] : memref<10240x128xf32, #tpu.memory_space<vmem_shared>> -> memref<10240x128xf32, #tpu.memory_space<vmem_shared>>
      tpu.enqueue_indirect_dma source(%dma_start3A_115 : memref<128x128xf32, #tpu.memory_space<vmem>>) target(%dma_start3A_121 : memref<10240x128xf32, #tpu.memory_space<vmem_shared>>) offsets(%dma_start3A_118 : memref<128xi32, #tpu.memory_space<vmem>>) semaphore(%arg14 : memref<!tpu.dma_semaphore, #tpu.memory_space<semaphore_mem>>) {add = true}
      %dma_wait3A_122 = arith.constant 0 : i32
      %dma_wait3A_123 = arith.constant 0 : i32
      %dma_wait3A_124 = arith.constant 0 : i32
      %dma_wait3A_125 = tpu.memref_slice %arg9[%dma_wait3A_122, %dma_wait3A_123, %dma_wait3A_124] : memref<2x128x128xf32, #tpu.memory_space<vmem>> -> memref<1x128x128xf32, #tpu.memory_space<vmem>>
      %dma_wait3A_126 = tpu.memref_squeeze %dma_wait3A_125 : memref<1x128x128xf32, #tpu.memory_space<vmem>> -> memref<128x128xf32, #tpu.memory_space<vmem>>
      %dma_wait3A_127 = arith.constant 0 : i32
      %dma_wait3A_128 = tpu.memref_slice %arg8[%add3A_66, %dma_wait3A_127] : memref<40x128xi32, #tpu.memory_space<vmem>> -> memref<1x128xi32, #tpu.memory_space<vmem>>
      %dma_wait3A_129 = tpu.memref_squeeze %dma_wait3A_128 : memref<1x128xi32, #tpu.memory_space<vmem>> -> memref<128xi32, #tpu.memory_space<vmem>>
      %dma_wait3A_130 = arith.constant 0 : i32
      %dma_wait3A_131 = arith.constant 0 : i32
      %dma_wait3A_132 = tpu.memref_slice %arg10[%dma_wait3A_130, %dma_wait3A_131] : memref<10240x128xf32, #tpu.memory_space<vmem_shared>> -> memref<10240x128xf32, #tpu.memory_space<vmem_shared>>
      tpu.wait_indirect_dma semaphore(%arg13 : memref<!tpu.dma_semaphore, #tpu.memory_space<semaphore_mem>>) src(%dma_wait3A_126 : memref<128x128xf32, #tpu.memory_space<vmem>>) dst(%dma_wait3A_132 : memref<10240x128xf32, #tpu.memory_space<vmem_shared>>)
      %add3A_133 = arith.constant 1 : i32
      %add3A_134 = arith.addi %scan3A_62, %add3A_133 : i32
      %mul3A_135 = arith.constant 2 : i32
      %mul3A_136 = arith.muli %add3A_134, %mul3A_135 : i32
      %add3A_137 = arith.constant 0 : i32
      %add3A_138 = arith.addi %mul3A_136, %add3A_137 : i32
      %lt3A = arith.constant 40 : i32
      %lt3A_139 = arith.cmpi slt, %add3A_138, %lt3A : i32
      %convert_element_type3A = arith.extui %lt3A_139 : i1 to i32
      %cond3A = arith.constant 0 : i32
      %cond3A_140 = arith.cmpi ne, %convert_element_type3A, %cond3A : i32
      scf.if %cond3A_140 {
        %dma_start3A_163 = arith.constant 0 : i32
        %dma_start3A_164 = arith.constant 0 : i32
        %dma_start3A_165 = arith.constant 0 : i32
        %dma_start3A_166 = tpu.memref_slice %arg9[%dma_start3A_163, %dma_start3A_164, %dma_start3A_165] : memref<2x128x128xf32, #tpu.memory_space<vmem>> -> memref<1x128x128xf32, #tpu.memory_space<vmem>>
        %dma_start3A_167 = tpu.memref_squeeze %dma_start3A_166 : memref<1x128x128xf32, #tpu.memory_space<vmem>> -> memref<128x128xf32, #tpu.memory_space<vmem>>
        %dma_start3A_168 = arith.constant 0 : i32
        %dma_start3A_169 = tpu.memref_slice %arg7[%add3A_138, %dma_start3A_168] : memref<40x128xi32, #tpu.memory_space<vmem>> -> memref<1x128xi32, #tpu.memory_space<vmem>>
        %dma_start3A_170 = tpu.memref_squeeze %dma_start3A_169 : memref<1x128xi32, #tpu.memory_space<vmem>> -> memref<128xi32, #tpu.memory_space<vmem>>
        %dma_start3A_171 = arith.constant 0 : i32
        %dma_start3A_172 = arith.constant 0 : i32
        %dma_start3A_173 = tpu.memref_slice %arg4[%dma_start3A_171, %dma_start3A_172] : memref<10240x128xf32, #tpu.memory_space<hbm>> -> memref<10240x128xf32, #tpu.memory_space<hbm>>
        tpu.enqueue_indirect_dma source(%dma_start3A_173 : memref<10240x128xf32, #tpu.memory_space<hbm>>) target(%dma_start3A_167 : memref<128x128xf32, #tpu.memory_space<vmem>>) offsets(%dma_start3A_170 : memref<128xi32, #tpu.memory_space<vmem>>) semaphore(%arg11 : memref<!tpu.dma_semaphore, #tpu.memory_space<semaphore_mem>>)
      } else {
      }
      %dma_wait3A_141 = arith.constant 1 : i32
      %dma_wait3A_142 = arith.constant 0 : i32
      %dma_wait3A_143 = arith.constant 0 : i32
      %dma_wait3A_144 = tpu.memref_slice %arg9[%dma_wait3A_141, %dma_wait3A_142, %dma_wait3A_143] : memref<2x128x128xf32, #tpu.memory_space<vmem>> -> memref<1x128x128xf32, #tpu.memory_space<vmem>>
      %dma_wait3A_145 = tpu.memref_squeeze %dma_wait3A_144 : memref<1x128x128xf32, #tpu.memory_space<vmem>> -> memref<128x128xf32, #tpu.memory_space<vmem>>
      %dma_wait3A_146 = arith.constant 0 : i32
      %dma_wait3A_147 = tpu.memref_slice %arg8[%add3A_95, %dma_wait3A_146] : memref<40x128xi32, #tpu.memory_space<vmem>> -> memref<1x128xi32, #tpu.memory_space<vmem>>
      %dma_wait3A_148 = tpu.memref_squeeze %dma_wait3A_147 : memref<1x128xi32, #tpu.memory_space<vmem>> -> memref<128xi32, #tpu.memory_space<vmem>>
      %dma_wait3A_149 = arith.constant 0 : i32
      %dma_wait3A_150 = arith.constant 0 : i32
      %dma_wait3A_151 = tpu.memref_slice %arg10[%dma_wait3A_149, %dma_wait3A_150] : memref<10240x128xf32, #tpu.memory_space<vmem_shared>> -> memref<10240x128xf32, #tpu.memory_space<vmem_shared>>
      tpu.wait_indirect_dma semaphore(%arg14 : memref<!tpu.dma_semaphore, #tpu.memory_space<semaphore_mem>>) src(%dma_wait3A_145 : memref<128x128xf32, #tpu.memory_space<vmem>>) dst(%dma_wait3A_151 : memref<10240x128xf32, #tpu.memory_space<vmem_shared>>)
      %add3A_152 = arith.constant 1 : i32
      %add3A_153 = arith.addi %scan3A_62, %add3A_152 : i32
      %mul3A_154 = arith.constant 2 : i32
      %mul3A_155 = arith.muli %add3A_153, %mul3A_154 : i32
      %add3A_156 = arith.constant 1 : i32
      %add3A_157 = arith.addi %mul3A_155, %add3A_156 : i32
      %lt3A_158 = arith.constant 40 : i32
      %lt3A_159 = arith.cmpi slt, %add3A_157, %lt3A_158 : i32
      %convert_element_type3A_160 = arith.extui %lt3A_159 : i1 to i32
      %cond3A_161 = arith.constant 0 : i32
      %cond3A_162 = arith.cmpi ne, %convert_element_type3A_160, %cond3A_161 : i32
      scf.if %cond3A_162 {
        %dma_start3A_163 = arith.constant 1 : i32
        %dma_start3A_164 = arith.constant 0 : i32
        %dma_start3A_165 = arith.constant 0 : i32
        %dma_start3A_166 = tpu.memref_slice %arg9[%dma_start3A_163, %dma_start3A_164, %dma_start3A_165] : memref<2x128x128xf32, #tpu.memory_space<vmem>> -> memref<1x128x128xf32, #tpu.memory_space<vmem>>
        %dma_start3A_167 = tpu.memref_squeeze %dma_start3A_166 : memref<1x128x128xf32, #tpu.memory_space<vmem>> -> memref<128x128xf32, #tpu.memory_space<vmem>>
        %dma_start3A_168 = arith.constant 0 : i32
        %dma_start3A_169 = tpu.memref_slice %arg7[%add3A_157, %dma_start3A_168] : memref<40x128xi32, #tpu.memory_space<vmem>> -> memref<1x128xi32, #tpu.memory_space<vmem>>
        %dma_start3A_170 = tpu.memref_squeeze %dma_start3A_169 : memref<1x128xi32, #tpu.memory_space<vmem>> -> memref<128xi32, #tpu.memory_space<vmem>>
        %dma_start3A_171 = arith.constant 0 : i32
        %dma_start3A_172 = arith.constant 0 : i32
        %dma_start3A_173 = tpu.memref_slice %arg4[%dma_start3A_171, %dma_start3A_172] : memref<10240x128xf32, #tpu.memory_space<hbm>> -> memref<10240x128xf32, #tpu.memory_space<hbm>>
        tpu.enqueue_indirect_dma source(%dma_start3A_173 : memref<10240x128xf32, #tpu.memory_space<hbm>>) target(%dma_start3A_167 : memref<128x128xf32, #tpu.memory_space<vmem>>) offsets(%dma_start3A_170 : memref<128xi32, #tpu.memory_space<vmem>>) semaphore(%arg12 : memref<!tpu.dma_semaphore, #tpu.memory_space<semaphore_mem>>)
      } else {
      }
    }
    %scan3A_60 = arith.constant 20 : i32
    %barrier3A_61 = arith.constant 0 : index
    tpu.barrier barrier_id(%barrier3A_61)
    "tpu.region"() ({
      %run_scoped3A = tpu.sem_alloc : memref<!tpu.dma_semaphore, #tpu.memory_space<semaphore_mem>>
      %dma_start3A_62 = arith.constant 0 : i32
      %dma_start3A_63 = tpu.memref_slice %arg6[%arg0, %mul3A_2, %dma_start3A_62] : memref<2x10240x128xf32, #tpu.memory_space<hbm>> -> memref<1x640x128xf32, #tpu.memory_space<hbm>>
      %dma_start3A_64 = tpu.memref_squeeze %dma_start3A_63 : memref<1x640x128xf32, #tpu.memory_space<hbm>> -> memref<640x128xf32, #tpu.memory_space<hbm>>
      %dma_start3A_65 = arith.constant 0 : i32
      %dma_start3A_66 = tpu.memref_slice %arg10[%mul3A_2, %dma_start3A_65] : memref<10240x128xf32, #tpu.memory_space<vmem_shared>> -> memref<640x128xf32, #tpu.memory_space<vmem_shared>>
      tpu.enqueue_dma source(%dma_start3A_66 : memref<640x128xf32, #tpu.memory_space<vmem_shared>>) target(%dma_start3A_64 : memref<640x128xf32, #tpu.memory_space<hbm>>) target_semaphore(%run_scoped3A : memref<!tpu.dma_semaphore, #tpu.memory_space<semaphore_mem>>)
      %dma_wait3A = arith.constant 0 : i32
      %dma_wait3A_67 = tpu.memref_slice %arg6[%arg0, %mul3A_2, %dma_wait3A] : memref<2x10240x128xf32, #tpu.memory_space<hbm>> -> memref<1x640x128xf32, #tpu.memory_space<hbm>>
      %dma_wait3A_68 = tpu.memref_squeeze %dma_wait3A_67 : memref<1x640x128xf32, #tpu.memory_space<hbm>> -> memref<640x128xf32, #tpu.memory_space<hbm>>
      %dma_wait3A_69 = arith.constant 0 : i32
      %dma_wait3A_70 = tpu.memref_slice %arg10[%mul3A_2, %dma_wait3A_69] : memref<10240x128xf32, #tpu.memory_space<vmem_shared>> -> memref<640x128xf32, #tpu.memory_space<vmem_shared>>
      tpu.wait_dma2 semaphore(%run_scoped3A : memref<!tpu.dma_semaphore, #tpu.memory_space<semaphore_mem>>) src(%dma_wait3A_70 : memref<640x128xf32, #tpu.memory_space<vmem_shared>>) dst(%dma_wait3A_68 : memref<640x128xf32, #tpu.memory_space<hbm>>)
      tpu.yield
    }) : () -> ()
    return
  }
}

module attributes {stable_mosaic.version = 14 : i64} {
  func.func @body(%arg0: i32, %arg1: memref<256x128xf32, #tpu.memory_space<vmem>>, %arg2: memref<128x128xf32, #tpu.memory_space<vmem>>, %arg3: memref<2x256x128xf32, #tpu.memory_space<vmem>>, %arg4: memref<256x128xf32, #tpu.memory_space<vmem>>, %arg5: memref<256x1xf32, #tpu.memory_space<vmem>>) attributes {dimension_semantics = [#tpu.dimension_semantics<arbitrary>], iteration_bounds = array<i64: 40>, scalar_prefetch = 0 : i64, scratch_operands = 0 : i64, tpu.core_type = #tpu.core_type<tc>, window_params = [{transform_indices = @transform_0, window_bounds = array<i64: 256, 128>}, {pipeline_mode = #tpu.pipeline_mode<synchronous>, transform_indices = @transform_1, window_bounds = array<i64: 128, 128>}, {transform_indices = @transform_2, window_bounds = array<i64: 2, 256, 128>}, {transform_indices = @transform_3, window_bounds = array<i64: 256, 128>}, {transform_indices = @transform_4, window_bounds = array<i64: 256, 1>}]} {
    %get3A = arith.constant 0 : index
    %get3A_0 = arith.constant 0 : index
    %get3A_1 = arith.constant 0 : index
    %get3A_2 = vector.load %arg3[%get3A, %get3A_0, %get3A_1] : memref<2x256x128xf32, #tpu.memory_space<vmem>>, vector<2x256x128xf32>
    %slice3A = vector.extract_strided_slice %get3A_2 {offsets = [0, 0, 0], sizes = [1, 256, 1], strides = [1, 1, 1]} : vector<2x256x128xf32> to vector<1x256x1xf32>
    %squeeze3A = vector.shape_cast %slice3A : vector<1x256x1xf32> to vector<256x1xf32>
    %add3A = arith.constant 1.000000e+00 : f32
    %add3A_3 = vector.broadcast %add3A : f32 to vector<256x1xf32>
    %add3A_4 = arith.addf %add3A_3, %squeeze3A : vector<256x1xf32>
    %slice3A_5 = vector.extract_strided_slice %get3A_2 {offsets = [1, 0, 0], sizes = [1, 256, 1], strides = [1, 1, 1]} : vector<2x256x128xf32> to vector<1x256x1xf32>
    %squeeze3A_6 = vector.shape_cast %slice3A_5 : vector<1x256x1xf32> to vector<256x1xf32>
    %add3A_7 = arith.addf %add3A_4, %squeeze3A_6 : vector<256x1xf32>
    %rsqrt3A = math.rsqrt %add3A_7 : vector<256x1xf32>
    %get3A_8 = arith.constant 0 : index
    %get3A_9 = arith.constant 0 : index
    %get3A_10 = vector.load %arg1[%get3A_8, %get3A_9] : memref<256x128xf32, #tpu.memory_space<vmem>>, vector<256x128xf32>
    %get3A_11 = arith.constant 0 : index
    %get3A_12 = arith.constant 0 : index
    %get3A_13 = vector.load %arg2[%get3A_11, %get3A_12] : memref<128x128xf32, #tpu.memory_space<vmem>>, vector<128x128xf32>
    %dot_general3A = arith.constant dense<0.000000e+00> : vector<256x128xf32>
    %dot_general3A_14 = tpu.matmul %get3A_10, %get3A_13, %dot_general3A {dimension_numbers = #tpu.dot_dimension_numbers<[1], [0], [0], [1], [0, 0, 1, 1], [], []>, transpose_lhs_hint = false} : vector<256x128xf32>, vector<128x128xf32>, vector<256x128xf32> -> vector<256x128xf32>
    %mul3A = vector.broadcast %rsqrt3A : vector<256x1xf32> to vector<256x128xf32>
    %mul3A_15 = arith.mulf %dot_general3A_14, %mul3A : vector<256x128xf32>
    %mul3A_16 = arith.constant 256 : i32
    %mul3A_17 = arith.muli %arg0, %mul3A_16 : i32
    %iota3A = tpu.iota {dimensions = array<i32: 0>} : vector<256x1xi32>
    %add3A_18 = vector.broadcast %mul3A_17 : i32 to vector<256x1xi32>
    %add3A_19 = arith.addi %add3A_18, %iota3A : vector<256x1xi32>
    %lt3A = arith.constant 10000 : i32
    %lt3A_20 = vector.broadcast %lt3A : i32 to vector<256x1xi32>
    %lt3A_21 = arith.cmpi slt, %add3A_19, %lt3A_20 : vector<256x1xi32>
    %convert_element_type3A = arith.extui %lt3A_21 : vector<256x1xi1> to vector<256x1xi32>
    %convert_element_type3A_22 = arith.sitofp %convert_element_type3A : vector<256x1xi32> to vector<256x1xf32>
    %mul3A_23 = vector.broadcast %convert_element_type3A_22 : vector<256x1xf32> to vector<256x128xf32>
    %mul3A_24 = arith.mulf %mul3A_15, %mul3A_23 : vector<256x128xf32>
    %swap3A = arith.constant 0 : index
    %swap3A_25 = arith.constant 0 : index
    %swap3A_26 = vector.load %arg4[%swap3A, %swap3A_25] : memref<256x128xf32, #tpu.memory_space<vmem>>, vector<256x128xf32>
    tpu.vector_store %arg4[%swap3A, %swap3A_25], %mul3A_24 {strides = array<i32>} : memref<256x128xf32, #tpu.memory_space<vmem>>, vector<256x128xf32>,
    %swap3A_27 = arith.constant 0 : index
    %swap3A_28 = arith.constant 0 : index
    %swap3A_29 = vector.load %arg5[%swap3A_27, %swap3A_28] : memref<256x1xf32, #tpu.memory_space<vmem>>, vector<256x1xf32>
    tpu.vector_store %arg5[%swap3A_27, %swap3A_28], %rsqrt3A {strides = array<i32>} : memref<256x1xf32, #tpu.memory_space<vmem>>, vector<256x1xf32>,
    return
  }
  func.func @transform_0(%arg0: i32) -> (i32, i32) {
    %c0_i32 = arith.constant 0 : i32
    %c0_i32_0 = arith.constant 0 : i32
    return %arg0, %c0_i32 : i32, i32
  }
  func.func @transform_1(%arg0: i32) -> (i32, i32) {
    %c0_i32 = arith.constant 0 : i32
    %c0_i32_0 = arith.constant 0 : i32
    %c0_i32_1 = arith.constant 0 : i32
    return %c0_i32, %c0_i32_0 : i32, i32
  }
  func.func @transform_2(%arg0: i32) -> (i32, i32, i32) {
    %c0_i32 = arith.constant 0 : i32
    %c0_i32_0 = arith.constant 0 : i32
    %c0_i32_1 = arith.constant 0 : i32
    return %c0_i32, %arg0, %c0_i32_0 : i32, i32, i32
  }
  func.func @transform_3(%arg0: i32) -> (i32, i32) {
    %c0_i32 = arith.constant 0 : i32
    %c0_i32_0 = arith.constant 0 : i32
    return %arg0, %c0_i32 : i32, i32
  }
  func.func @transform_4(%arg0: i32) -> (i32, i32) {
    %c0_i32 = arith.constant 0 : i32
    %c0_i32_0 = arith.constant 0 : i32
    return %arg0, %c0_i32 : i32, i32
  }
}

module attributes {stable_mosaic.version = 14 : i64} {
  func.func @body(%arg0: i32, %arg1: memref<2x256x128xf32, #tpu.memory_space<vmem>>, %arg2: memref<256x128xf32, #tpu.memory_space<vmem>>, %arg3: memref<256x1xf32, #tpu.memory_space<vmem>>, %arg4: memref<128xf32, #tpu.memory_space<vmem>>, %arg5: memref<128xf32, #tpu.memory_space<vmem>>, %arg6: memref<128xf32, #tpu.memory_space<vmem>>, %arg7: memref<128x128xf32, #tpu.memory_space<vmem>>, %arg8: memref<256x128xf32, #tpu.memory_space<vmem>>) attributes {dimension_semantics = [#tpu.dimension_semantics<arbitrary>], iteration_bounds = array<i64: 40>, scalar_prefetch = 0 : i64, scratch_operands = 0 : i64, tpu.core_type = #tpu.core_type<tc>, window_params = [{transform_indices = @transform_0, window_bounds = array<i64: 2, 256, 128>}, {transform_indices = @transform_1, window_bounds = array<i64: 256, 128>}, {transform_indices = @transform_2, window_bounds = array<i64: 256, 1>}, {pipeline_mode = #tpu.pipeline_mode<synchronous>, transform_indices = @transform_3, window_bounds = array<i64: 128>}, {pipeline_mode = #tpu.pipeline_mode<synchronous>, transform_indices = @transform_4, window_bounds = array<i64: 128>}, {pipeline_mode = #tpu.pipeline_mode<synchronous>, transform_indices = @transform_5, window_bounds = array<i64: 128>}, {pipeline_mode = #tpu.pipeline_mode<synchronous>, transform_indices = @transform_6, window_bounds = array<i64: 128, 128>}, {transform_indices = @transform_7, window_bounds = array<i64: 256, 128>}]} {
    %get3A = arith.constant 0 : index
    %get3A_0 = arith.constant 0 : index
    %get3A_1 = arith.constant 0 : index
    %get3A_2 = vector.load %arg1[%get3A, %get3A_0, %get3A_1] : memref<2x256x128xf32, #tpu.memory_space<vmem>>, vector<2x256x128xf32>
    %get3A_3 = arith.constant 0 : index
    %get3A_4 = arith.constant 0 : index
    %get3A_5 = vector.load %arg3[%get3A_3, %get3A_4] : memref<256x1xf32, #tpu.memory_space<vmem>>, vector<256x1xf32>
    %slice3A = vector.extract_strided_slice %get3A_2 {offsets = [0, 0, 0], sizes = [1, 256, 128], strides = [1, 1, 1]} : vector<2x256x128xf32> to vector<1x256x128xf32>
    %squeeze3A = vector.shape_cast %slice3A : vector<1x256x128xf32> to vector<256x128xf32>
    %slice3A_6 = vector.extract_strided_slice %get3A_2 {offsets = [1, 0, 0], sizes = [1, 256, 128], strides = [1, 1, 1]} : vector<2x256x128xf32> to vector<1x256x128xf32>
    %squeeze3A_7 = vector.shape_cast %slice3A_6 : vector<1x256x128xf32> to vector<256x128xf32>
    %add3A = arith.addf %squeeze3A, %squeeze3A_7 : vector<256x128xf32>
    %get3A_8 = arith.constant 0 : index
    %get3A_9 = arith.constant 0 : index
    %get3A_10 = vector.load %arg2[%get3A_8, %get3A_9] : memref<256x128xf32, #tpu.memory_space<vmem>>, vector<256x128xf32>
    %add3A_11 = arith.addf %add3A, %get3A_10 : vector<256x128xf32>
    %mul3A = vector.broadcast %get3A_5 : vector<256x1xf32> to vector<256x128xf32>
    %mul3A_12 = arith.mulf %add3A_11, %mul3A : vector<256x128xf32>
    %get3A_13 = arith.constant 0 : index
    %get3A_14 = vector.load %arg4[%get3A_13] : memref<128xf32, #tpu.memory_space<vmem>>, vector<128xf32>
    %broadcast_in_dim3A = vector.shape_cast %get3A_14 : vector<128xf32> to vector<1x128xf32>
    %add3A_15 = vector.broadcast %broadcast_in_dim3A : vector<1x128xf32> to vector<256x128xf32>
    %add3A_16 = arith.addf %mul3A_12, %add3A_15 : vector<256x128xf32>
    %get3A_17 = arith.constant 0 : index
    %get3A_18 = vector.load %arg5[%get3A_17] : memref<128xf32, #tpu.memory_space<vmem>>, vector<128xf32>
    %mul3A_19 = arith.constant 0.999994993 : f32
    %mul3A_20 = vector.broadcast %mul3A_19 : f32 to vector<128xf32>
    %mul3A_21 = arith.mulf %get3A_18, %mul3A_20 : vector<128xf32>
    %broadcast_in_dim3A_22 = vector.shape_cast %mul3A_21 : vector<128xf32> to vector<1x128xf32>
    %mul3A_23 = vector.broadcast %broadcast_in_dim3A_22 : vector<1x128xf32> to vector<256x128xf32>
    %mul3A_24 = arith.mulf %add3A_16, %mul3A_23 : vector<256x128xf32>
    %get3A_25 = arith.constant 0 : index
    %get3A_26 = vector.load %arg6[%get3A_25] : memref<128xf32, #tpu.memory_space<vmem>>, vector<128xf32>
    %broadcast_in_dim3A_27 = vector.shape_cast %get3A_26 : vector<128xf32> to vector<1x128xf32>
    %add3A_28 = vector.broadcast %broadcast_in_dim3A_27 : vector<1x128xf32> to vector<256x128xf32>
    %add3A_29 = arith.addf %mul3A_24, %add3A_28 : vector<256x128xf32>
    %max3A = arith.constant 0.000000e+00 : f32
    %max3A_30 = vector.broadcast %max3A : f32 to vector<256x128xf32>
    %max3A_31 = arith.maximumf %add3A_29, %max3A_30 : vector<256x128xf32>
    %mul3A_32 = arith.constant 256 : i32
    %mul3A_33 = arith.muli %arg0, %mul3A_32 : i32
    %iota3A = tpu.iota {dimensions = array<i32: 0>} : vector<256x1xi32>
    %add3A_34 = vector.broadcast %mul3A_33 : i32 to vector<256x1xi32>
    %add3A_35 = arith.addi %add3A_34, %iota3A : vector<256x1xi32>
    %lt3A = arith.constant 10000 : i32
    %lt3A_36 = vector.broadcast %lt3A : i32 to vector<256x1xi32>
    %lt3A_37 = arith.cmpi slt, %add3A_35, %lt3A_36 : vector<256x1xi32>
    %convert_element_type3A = arith.extui %lt3A_37 : vector<256x1xi1> to vector<256x1xi32>
    %convert_element_type3A_38 = arith.sitofp %convert_element_type3A : vector<256x1xi32> to vector<256x1xf32>
    %mul3A_39 = vector.broadcast %convert_element_type3A_38 : vector<256x1xf32> to vector<256x128xf32>
    %mul3A_40 = arith.mulf %max3A_31, %mul3A_39 : vector<256x128xf32>
    %get3A_41 = arith.constant 0 : index
    %get3A_42 = arith.constant 0 : index
    %get3A_43 = vector.load %arg7[%get3A_41, %get3A_42] : memref<128x128xf32, #tpu.memory_space<vmem>>, vector<128x128xf32>
    %dot_general3A = arith.constant dense<0.000000e+00> : vector<256x128xf32>
    %dot_general3A_44 = tpu.matmul %mul3A_40, %get3A_43, %dot_general3A {dimension_numbers = #tpu.dot_dimension_numbers<[1], [0], [0], [1], [0, 0, 1, 1], [], []>, transpose_lhs_hint = false} : vector<256x128xf32>, vector<128x128xf32>, vector<256x128xf32> -> vector<256x128xf32>
    %mul3A_45 = vector.broadcast %get3A_5 : vector<256x1xf32> to vector<256x128xf32>
    %mul3A_46 = arith.mulf %dot_general3A_44, %mul3A_45 : vector<256x128xf32>
    %swap3A = arith.constant 0 : index
    %swap3A_47 = arith.constant 0 : index
    %swap3A_48 = vector.load %arg8[%swap3A, %swap3A_47] : memref<256x128xf32, #tpu.memory_space<vmem>>, vector<256x128xf32>
    tpu.vector_store %arg8[%swap3A, %swap3A_47], %mul3A_46 {strides = array<i32>} : memref<256x128xf32, #tpu.memory_space<vmem>>, vector<256x128xf32>,
    return
  }
  func.func @transform_0(%arg0: i32) -> (i32, i32, i32) {
    %c0_i32 = arith.constant 0 : i32
    %c0_i32_0 = arith.constant 0 : i32
    %c0_i32_1 = arith.constant 0 : i32
    return %c0_i32, %arg0, %c0_i32_0 : i32, i32, i32
  }
  func.func @transform_1(%arg0: i32) -> (i32, i32) {
    %c0_i32 = arith.constant 0 : i32
    %c0_i32_0 = arith.constant 0 : i32
    return %arg0, %c0_i32 : i32, i32
  }
  func.func @transform_2(%arg0: i32) -> (i32, i32) {
    %c0_i32 = arith.constant 0 : i32
    %c0_i32_0 = arith.constant 0 : i32
    return %arg0, %c0_i32 : i32, i32
  }
  func.func @transform_3(%arg0: i32) -> i32 {
    %c0_i32 = arith.constant 0 : i32
    %c0_i32_0 = arith.constant 0 : i32
    return %c0_i32 : i32
  }
  func.func @transform_4(%arg0: i32) -> i32 {
    %c0_i32 = arith.constant 0 : i32
    %c0_i32_0 = arith.constant 0 : i32
    return %c0_i32 : i32
  }
  func.func @transform_5(%arg0: i32) -> i32 {
    %c0_i32 = arith.constant 0 : i32
    %c0_i32_0 = arith.constant 0 : i32
    return %c0_i32 : i32
  }
  func.func @transform_6(%arg0: i32) -> (i32, i32) {
    %c0_i32 = arith.constant 0 : i32
    %c0_i32_0 = arith.constant 0 : i32
    %c0_i32_1 = arith.constant 0 : i32
    return %c0_i32, %c0_i32_0 : i32, i32
  }
  func.func @transform_7(%arg0: i32) -> (i32, i32) {
    %c0_i32 = arith.constant 0 : i32
    %c0_i32_0 = arith.constant 0 : i32
    return %arg0, %c0_i32 : i32, i32
  }
}

module attributes {stable_mosaic.version = 14 : i64} {
  func.func @body(%arg0: i32, %arg1: memref<2x256x128xf32, #tpu.memory_space<vmem>>, %arg2: memref<256x128xf32, #tpu.memory_space<vmem>>, %arg3: memref<256x1xf32, #tpu.memory_space<vmem>>, %arg4: memref<128xf32, #tpu.memory_space<vmem>>, %arg5: memref<256x128xf32, #tpu.memory_space<vmem>>) attributes {dimension_semantics = [#tpu.dimension_semantics<arbitrary>], iteration_bounds = array<i64: 40>, scalar_prefetch = 0 : i64, scratch_operands = 0 : i64, tpu.core_type = #tpu.core_type<tc>, window_params = [{transform_indices = @transform_0, window_bounds = array<i64: 2, 256, 128>}, {transform_indices = @transform_1, window_bounds = array<i64: 256, 128>}, {transform_indices = @transform_2, window_bounds = array<i64: 256, 1>}, {pipeline_mode = #tpu.pipeline_mode<synchronous>, transform_indices = @transform_3, window_bounds = array<i64: 128>}, {transform_indices = @transform_4, window_bounds = array<i64: 256, 128>}]} {
    %get3A = arith.constant 0 : index
    %get3A_0 = arith.constant 0 : index
    %get3A_1 = arith.constant 0 : index
    %get3A_2 = vector.load %arg1[%get3A, %get3A_0, %get3A_1] : memref<2x256x128xf32, #tpu.memory_space<vmem>>, vector<2x256x128xf32>
    %slice3A = vector.extract_strided_slice %get3A_2 {offsets = [0, 0, 0], sizes = [1, 256, 128], strides = [1, 1, 1]} : vector<2x256x128xf32> to vector<1x256x128xf32>
    %squeeze3A = vector.shape_cast %slice3A : vector<1x256x128xf32> to vector<256x128xf32>
    %slice3A_3 = vector.extract_strided_slice %get3A_2 {offsets = [1, 0, 0], sizes = [1, 256, 128], strides = [1, 1, 1]} : vector<2x256x128xf32> to vector<1x256x128xf32>
    %squeeze3A_4 = vector.shape_cast %slice3A_3 : vector<1x256x128xf32> to vector<256x128xf32>
    %add3A = arith.addf %squeeze3A, %squeeze3A_4 : vector<256x128xf32>
    %get3A_5 = arith.constant 0 : index
    %get3A_6 = arith.constant 0 : index
    %get3A_7 = vector.load %arg2[%get3A_5, %get3A_6] : memref<256x128xf32, #tpu.memory_space<vmem>>, vector<256x128xf32>
    %add3A_8 = arith.addf %add3A, %get3A_7 : vector<256x128xf32>
    %get3A_9 = arith.constant 0 : index
    %get3A_10 = arith.constant 0 : index
    %get3A_11 = vector.load %arg3[%get3A_9, %get3A_10] : memref<256x1xf32, #tpu.memory_space<vmem>>, vector<256x1xf32>
    %mul3A = vector.broadcast %get3A_11 : vector<256x1xf32> to vector<256x128xf32>
    %mul3A_12 = arith.mulf %add3A_8, %mul3A : vector<256x128xf32>
    %get3A_13 = arith.constant 0 : index
    %get3A_14 = vector.load %arg4[%get3A_13] : memref<128xf32, #tpu.memory_space<vmem>>, vector<128xf32>
    %broadcast_in_dim3A = vector.shape_cast %get3A_14 : vector<128xf32> to vector<1x128xf32>
    %add3A_15 = vector.broadcast %broadcast_in_dim3A : vector<1x128xf32> to vector<256x128xf32>
    %add3A_16 = arith.addf %mul3A_12, %add3A_15 : vector<256x128xf32>
    %iota3A = tpu.iota {dimensions = array<i32: 1>} : vector<256x128xi32>
    %lt3A = arith.constant 40 : i32
    %lt3A_17 = vector.broadcast %lt3A : i32 to vector<256x128xi32>
    %lt3A_18 = arith.cmpi slt, %iota3A, %lt3A_17 : vector<256x128xi32>
    %jit3A = arith.constant -3.400000e+38 : f32
    %broadcast_in_dim3A_19 = vector.broadcast %jit3A : f32 to vector<256x128xf32>
    %select_n3A = arith.select %lt3A_18, %add3A_16, %broadcast_in_dim3A_19 : vector<256x128xi1>, vector<256x128xf32>
    %reduce_max3A = arith.constant dense<0xFF800000> : vector<256xf32>
    %reduce_max3A_20 = vector.multi_reduction <maximumf>, %select_n3A, %reduce_max3A [1] : vector<256x128xf32> to vector<256xf32>
    %broadcast_in_dim3A_21 = vector.shape_cast %reduce_max3A_20 : vector<256xf32> to vector<256x1xf32>
    %sub3A = vector.broadcast %broadcast_in_dim3A_21 : vector<256x1xf32> to vector<256x128xf32>
    %sub3A_22 = arith.subf %add3A_16, %sub3A : vector<256x128xf32>
    %exp3A = math.exp %sub3A_22 : vector<256x128xf32>
    %jit3A_23 = arith.constant 0.000000e+00 : f32
    %broadcast_in_dim3A_24 = vector.broadcast %jit3A_23 : f32 to vector<256x128xf32>
    %select_n3A_25 = arith.select %lt3A_18, %exp3A, %broadcast_in_dim3A_24 : vector<256x128xi1>, vector<256x128xf32>
    %reduce_sum3A = arith.constant dense<0.000000e+00> : vector<256xf32>
    %reduce_sum3A_26 = vector.multi_reduction <add>, %select_n3A_25, %reduce_sum3A [1] : vector<256x128xf32> to vector<256xf32>
    %broadcast_in_dim3A_27 = vector.shape_cast %reduce_sum3A_26 : vector<256xf32> to vector<256x1xf32>
    %sub3A_28 = vector.broadcast %broadcast_in_dim3A_21 : vector<256x1xf32> to vector<256x128xf32>
    %sub3A_29 = arith.subf %add3A_16, %sub3A_28 : vector<256x128xf32>
    %log3A = math.log %broadcast_in_dim3A_27 : vector<256x1xf32>
    %sub3A_30 = vector.broadcast %log3A : vector<256x1xf32> to vector<256x128xf32>
    %sub3A_31 = arith.subf %sub3A_29, %sub3A_30 : vector<256x128xf32>
    %swap3A = arith.constant 0 : index
    %swap3A_32 = arith.constant 0 : index
    %swap3A_33 = vector.load %arg5[%swap3A, %swap3A_32] : memref<256x128xf32, #tpu.memory_space<vmem>>, vector<256x128xf32>
    tpu.vector_store %arg5[%swap3A, %swap3A_32], %sub3A_31 {strides = array<i32>} : memref<256x128xf32, #tpu.memory_space<vmem>>, vector<256x128xf32>,
    return
  }
  func.func @transform_0(%arg0: i32) -> (i32, i32, i32) {
    %c0_i32 = arith.constant 0 : i32
    %c0_i32_0 = arith.constant 0 : i32
    %c0_i32_1 = arith.constant 0 : i32
    return %c0_i32, %arg0, %c0_i32_0 : i32, i32, i32
  }
  func.func @transform_1(%arg0: i32) -> (i32, i32) {
    %c0_i32 = arith.constant 0 : i32
    %c0_i32_0 = arith.constant 0 : i32
    return %arg0, %c0_i32 : i32, i32
  }
  func.func @transform_2(%arg0: i32) -> (i32, i32) {
    %c0_i32 = arith.constant 0 : i32
    %c0_i32_0 = arith.constant 0 : i32
    return %arg0, %c0_i32 : i32, i32
  }
  func.func @transform_3(%arg0: i32) -> i32 {
    %c0_i32 = arith.constant 0 : i32
    %c0_i32_0 = arith.constant 0 : i32
    return %c0_i32 : i32
  }
  func.func @transform_4(%arg0: i32) -> (i32, i32) {
    %c0_i32 = arith.constant 0 : i32
    %c0_i32_0 = arith.constant 0 : i32
    return %arg0, %c0_i32 : i32, i32
  }
}

</mosaic_0001>

<sc_bundles>
// kernel: kernel.10.cloned.1.call-start
scs
__scs_entry_jumppad:
0x0: {  	(pc) =	sbr.rel $0x88, $3  }
0x1: {  	(tag) =	ssettag $0x0;
	lr =	simm.s32 $0x1  }
0x2: {  	[smem:$0x3F95] =	sst lr;
	_ =	strace $0xD0000000  }
0x3: {  	_ = 	snop  }
0x4: {  	_ = 	snop  }
0x5: {  	_ = 	snop  }
0x6: {  	_ = 	snop  }
0x7: {  	_ = 	snop  }
__scs_overlays_trampoline_lowered:
0x8: {  	[smem:$0x3FA4] =	sst s0  }
0x9: {  	[smem:$0x3FA5] =	sst s1  }
0xa: {  	[smem:$0x3FA6] =	sst s2  }
0xb: {  	[smem:$0x3FA7] =	sst s3  }
0xc: {  	[smem:$0x3FA8] =	sst s4  }
0xd: {  	[smem:$0x3FA9] =	sst s5  }
0xe: {  	[smem:$0x3FAA] =	sst s6  }
0xf: {  	[smem:$0x3FAB] =	sst s7  }
0x10: {  	[smem:$0x3FAC] =	sst s8  }
0x11: {  	[smem:$0x3FAD] =	sst s9;
	s0 =	simm.s32 @!p0 $0x0  }
0x12: {  	s1 =	sld [smem:$0x3F93];
	s0 =	simm.s32 @p0 $0x1  }
0x13: {  	[smem:$0x3FAE] =	sst s0;
	s0 =	simm.s32 @!p1 $0x0  }
0x14: {  	s2 =	sld [smem:$0x3F92];
	s0 =	simm.s32 @p1 $0x1  }
0x15: {  	[smem:$0x3FAF] =	sst s0;
	s0 =	simm.s32 @!p2 $0x0  }
0x16: {  	s3 =	sld [smem:$0x3FDB];
	s0 =	simm.s32 @p2 $0x1  }
0x17: {  	s4 =	simm.s32 $0x1BF5;
	[smem:$0x3FB1] =	sst s0  }
0x18: {  	s0 =	sld [smem:$0x3F94];
	_ =	swait.ge [sflag:s4], $0x0  }
0x19: {  	s7 =	sld [smem:$0x3F95]  }
0x1a: {  	s8 =	sadd.s32 $0xFFFFE003, lr  }
0x1b: {  	s9 =	sadd.s32 $0xFFFFFEF7, lr;
	s5 =	simm.s32 $0xFFFFFFFF;
	p2 =	slt.u32 s8, $0xFFFFF086  }
0x1c: {  	p1 =	slt.u32 s9, $0xF7A;
	s5 =	simm.s32 @!p2 $0x0  }
0x1d: {  	s5 =	simm.s32 @p1 $0x1;
	p0 =	seq.s32 s7, s2  }
0x1e: {  	s7 =	smul.u32 @!p0 $0xF7A, s2;
	p2 =	seq.s32 @!p0 s5, $0x0  }
0x1f: {  	s9 =	smul.u32 $0xF7A, s1;
	s8 =	simm.s32 @!p0 $0x1BF5;
	p2 =	por !p2, p0  }
0x20: {  	[sflag:s8] =	ssyncset.s32 @!p0 $0xFFFFF086;
	s6 =	sadd.s32 @!p0 s3, s7;
	s7 =	simm.s32 @!p0 $0x108  }
0x21: {  	s3 =	sadd.s32 s3, s9;
	s6 =	sadd.s32 @!p0 $0x88, s6;
	s7 =	simm.s32 @p2 $0x1082  }
0x22: {  	[simem:s7], [sflag:s8] =	dma.local @!p0 [hbm:s6], $0xF7A  }
0x23: {  	s9 =	sor.u32 $0xD0000000, s2;
	s6 =	simm.s32 $0x108;
	_ =	swait.ge @!p0 [sflag:s8], $0x0  }
0x24: {  	s3 =	sadd.s32 $0x88, s3;
	s6 =	simm.s32 @!p1 $0x1082;
	[sflag:s4] =	ssyncset.s32 $0xFFFFF086  }
0x25: {  	[simem:s6], [sflag:s4] =	dma.local [hbm:s3], $0xF7A  }
0x26: {  	[smem:$0x3F95] =	sst s1;
	(tag) =	ssettag s2;
	_ =	strace s9  }
0x27: {  	s1 =	sld [smem:$0x3FA5]  }
0x28: {  	s2 =	sld [smem:$0x3FA6]  }
0x29: {  	s4 =	sld [smem:$0x3FA8]  }
0x2a: {  	p0 =	seq.s32 s5, $0x0;
	s5 =	sld [smem:$0x3FA9]  }
0x2b: {  	s6 =	sld [smem:$0x3FAA]  }
0x2c: {  	s7 =	sld [smem:$0x3FAB]  }
0x2d: {  	s3 =	simm.s32 $0x108;
	s8 =	sld [smem:$0x3FAC]  }
0x2e: {  	s3 =	simm.s32 @!p0 $0x1082;
	s9 =	sld [smem:$0x3FAD]  }
0x2f: {  	lr =	sadd.s32 s0, s3;
	s0 =	sld [smem:$0x3FA4]  }
0x30: {  	s3 =	sld [smem:$0x3FA7]  }
0x31: {  	[smem:$0x3FB0] =	sst s10  }
0x32: {  	s10 =	sld [smem:$0x3FAE];
	_ =	sdelay $0x3  }
0x33: {  	p0 =	seq.s32 s10, $0x1;
	s10 =	sld [smem:$0x3FB0];
	_ =	sdelay $0x3  }
0x34: {  	[smem:$0x3FB0] =	sst s10  }
0x35: {  	s10 =	sld [smem:$0x3FAF];
	_ =	sdelay $0x3  }
0x36: {  	p1 =	seq.s32 s10, $0x1;
	s10 =	sld [smem:$0x3FB0];
	_ =	sdelay $0x3  }
0x37: {  	[smem:$0x3FB0] =	sst s10  }
0x38: {  	s10 =	sld [smem:$0x3FB1]  }
0x39: {  	_ = 	snop;
	(pc) =	sbr.ind lr, $3  }
0x3a: {  	_ = 	snop  }
0x3b: {  	_ = 	snop  }
0x3c: {  	p2 =	seq.s32 s10, $0x1;
	s10 =	sld [smem:$0x3FB0]  }
0x3d: {  	_ =	shalt  }
0x3e: {  	_ =	shalt  }
0x3f: {  	_ =	shalt  }
0x40: {  	_ =	shalt  }
0x41: {  	_ =	shalt  }
0x42: {  	_ =	shalt  }
0x43: {  	_ =	shalt  }
0x44: {  	_ =	shalt  }
0x45: {  	_ =	shalt  }
0x46: {  	_ =	shalt  }
0x47: {  	_ =	shalt  }
0x48: {  	_ =	shalt  }
0x49: {  	_ =	shalt  }
0x4a: {  	_ =	shalt  }
0x4b: {  	_ =	shalt  }
0x4c: {  	_ =	shalt  }
0x4d: {  	_ =	shalt  }
0x4e: {  	_ =	shalt  }
0x4f: {  	_ =	shalt  }
0x50: {  	_ =	shalt  }
0x51: {  	_ =	shalt  }
0x52: {  	_ =	shalt  }
0x53: {  	_ =	shalt  }
0x54: {  	_ =	shalt  }
0x55: {  	_ =	shalt  }
0x56: {  	_ =	shalt  }
0x57: {  	_ =	shalt  }
0x58: {  	_ =	shalt  }
0x59: {  	_ =	shalt  }
0x5a: {  	_ =	shalt  }
0x5b: {  	_ =	shalt  }
0x5c: {  	_ =	shalt  }
0x5d: {  	_ =	shalt  }
0x5e: {  	_ =	shalt  }
0x5f: {  	_ =	shalt  }
0x60: {  	_ =	shalt  }
0x61: {  	_ =	shalt  }
0x62: {  	_ =	shalt  }
0x63: {  	_ =	shalt  }
0x64: {  	_ =	shalt  }
0x65: {  	_ =	shalt  }
0x66: {  	_ =	shalt  }
0x67: {  	_ =	shalt  }
0x68: {  	_ =	shalt  }
0x69: {  	_ =	shalt  }
0x6a: {  	_ =	shalt  }
0x6b: {  	_ =	shalt  }
0x6c: {  	_ =	shalt  }
0x6d: {  	_ =	shalt  }
0x6e: {  	_ =	shalt  }
0x6f: {  	_ =	shalt  }
0x70: {  	_ =	shalt  }
0x71: {  	_ =	shalt  }
0x72: {  	_ =	shalt  }
0x73: {  	_ =	shalt  }
0x74: {  	_ =	shalt  }
0x75: {  	_ =	shalt  }
0x76: {  	_ =	shalt  }
0x77: {  	_ =	shalt  }
0x78: {  	_ =	shalt  }
0x79: {  	_ =	shalt  }
0x7a: {  	_ =	shalt  }
0x7b: {  	_ =	shalt  }
0x7c: {  	_ =	shalt  }
0x7d: {  	_ =	shalt  }
0x7e: {  	_ =	shalt  }
0x7f: {  	_ =	shalt  }
0x80: {  	_ =	shalt  }
0x81: {  	_ =	shalt  }
0x82: {  	_ =	shalt  }
0x83: {  	_ =	shalt  }
0x84: {  	_ =	shalt  }
0x85: {  	_ =	shalt  }
0x86: {  	_ =	shalt  }
0x87: {  	_ =	shalt  }
.Lfunc_end0:
.L_simem_size_0:
called_computation_lowered:
.L_overlay_start_0:
0x88: {  	s2 =	sld [smem:$0x3FD9]  }
0x89: {  	s3 =	sld [smem:$0x3FFE];
	_ =	sdelay $0x1  }
0x8a: {  	s1 =	srdreg.scid  }
0x8b: {  	s0 =	sand.u32 $0x1, s1  }
0x8c: {  	s16 =	sshll.u32 s0, $0xA;
	s2 =	sadd.s32 s3, s2  }
0x8d: {  	s2 =	sadd.s32 s2, s16  }
0x8e: {  	[smem:$0x3FBC] =	sst s2  }
0x8f: {  	_ = 	snop  }
0x90: {  	(tm) =	ssettm $0x1  }
0x91: {  	s17 =	sld [smem:$0x3FFB];
	_ =	sdelay $0x3  }
0x92: {  	_ =	strace s17  }
0x93: {  	s2 =	sld [smem:$0x3FFC];
	_ =	sdelay $0x3  }
0x94: {  	_ =	strace s2  }
0x95: {  	s2 =	sld [smem:$0x3FFD];
	_ =	sdelay $0x3  }
0x96: {  	_ =	strace s2  }
0x97: {  	_ =	strace $0x8FFFFFFF  }
0x98: {  	s18 =	sld [smem:$0x3FDB];
	_ =	sdelay $0x1  }
0x99: {  	s19 =	simm.s32 $_scs_section_size  }
0x9a: {  	s4 =	simm.s32 $_size__tile_overlayer_lowered;
	s5 =	simm.s32 $_tile_overlayer_lowered  }
0x9b: {  	s22 =	simm.s32 $0x1BFF;
	s21 =	sshll.u32 s5, $0x1;
	s2 =	sadd.s32 s19, s18  }
0x9c: {  	s6 =	simm.s32 $0x0;
	s20 =	sshll.u32 s4, $0x1;
	s4 =	sadd.s32 s21, s2  }
0x9d: {  	[timem:s6], [sflag:s22] =	dma.local [hbm:s4], s20  }
0x9e: {  	_ =	swait.ge [sflag:s22], s20  }
0x9f: {  	s3 =	ssub.s32 $0x0, s20;
	[sflag:s22] =	ssyncset.done $0x0  }
0xa0: {  	[sflag:s22] =	ssyncadd.s32 s3;
	_ =	sdelay $0x1  }
0xa1: {  	s23 =	simm.s32 $0x1B8B  }
0xa2: {  	_ =	swait.ge [sflag:s23], $0x1  }
0xa3: {  	[sflag:s23] =	ssyncset.done $0x0  }
0xa4: {  	s25 =	simm.s32 $0x1B8E;
	s24 =	sld [smem:$0x3FFE];
	[sflag:s23] =	ssyncadd.s32 $0xFFFFFFFF  }
0xa5: {  	s26 =	simm.s32 $execute0_lowered;
	[smem:$0x3FD2] =	sst s25  }
0xa6: {  	s4 =	sshll.u32 s26, $0x1;
	_ =	strace $0x80000046;
	[dreg:$0x1] =	wrdreg $0xFFFFFFFF  }
0xa7: {  	s28 =	simm.s32 $_size_execute0_lowered;
	s2 =	sadd.s32 s2, s4;
	[dreg:$0x0] =	wrdreg $0x0  }
0xa8: {  	s4 =	sshll.u32 s28, $0x1;
	[dreg:$0x2] =	wrdreg s2  }
0xa9: {  	[dreg:$0x3] =	wrdreg s4  }
0xaa: {  	[dreg:$0x4] =	wrdreg $0xC0  }
0xab: {  	_ =	task [dreg:s6], $0x5FFFF  }
0xac: {  	[dreg:$0x1] =	wrdreg $0xFFFFFFFF  }
0xad: {  	[dreg:$0x0] =	wrdreg $0x60  }
0xae: {  	[dreg:$0x2] =	wrdreg s24  }
0xaf: {  	[dreg:$0x3] =	wrdreg $0x68000  }
0xb0: {  	[dreg:$0x4] =	wrdreg $0x9  }
0xb1: {  	_ =	task.clear_ibuf [dreg:s6], $0x5FFFF;
	_ =	strace $0x90000046  }
0xb2: {  	s29 =	simm.s32 $0x9;
	_ =	strace $0x80000048  }
0xb3: {  	_ =	swait.ge [sflag:s29], $0x1  }
0xb4: {  	[sflag:s29] =	ssyncadd.s32 $0xFFFFFFFF  }
0xb5: {  	_ =	strace $0x90000048  }
0xb6: {  	_ =	sfence  }
0xb7: {  	s30 =	sld [smem:$0x0];
	_ =	sdelay $0x2  }
0xb8: {  	s31 =	sshll.u32 s1, $0xD;
	s1 =	sshrl.u32 s1, $0x2  }
0xb9: {  	s3 =	sand.u32 $0x4000, s31;
	s1 =	sadd.s32 s1, s30  }
0xba: {  	s0 =	sor.u32 s3, s0;
	s1 =	sshll.u32 s1, $0x11  }
0xbb: {  	s0 =	sor.u32 s1, s0  }
0xbc: {  	s0 =	sadd.s32 $0x8F2B, s0  }
0xbd: {  	[sflag:s0] =	ssyncadd.remote.s32 $0x1  }
0xbe: {  	_ =	sfence.sel $0xFFFF  }
0xbf: {  	[dreg:$0x0] =	wrdreg $0xFFFFFFFF;
	(pc) =	sbr.abs _section_cstart, $3  }
0xc0: {  	[dreg:$0x1] =	wrdreg $0xFFFFFFFF  }
0xc1: {  	_ =	task.clear_ibuf [dreg:s6], $0x2FFFF;
	_ =	strace $0x9FFFFFFF  }
0xc2: {  	(tm) =	ssettm $0x7FFFFFFF  }
0xc3: {  	_ =	shalt  }
tec
execute0_lowered:
.L_overlay_start_1:
0x0: {  	(tag) =	ssettag $0x1  }
0x1: {  	s5 =	rddreg [dreg:$0x0]  }
0x2: {  	s0 =	srdreg.scid;
	s2 =	rddreg [dreg:$0x1]  }
0x3: {  	s3 =	simm.s32 $0x0;
	s4 =	sand.u32 $0x1, s0;
	s0 =	stileid.u32  }
0x4: {  	s13 =	simm.s32 $0x80;
	s14 =	simm.s32 $0x1;
	s7 =	smul.u32 $0x14000, s0  }
0x5: {  	s15 =	simm.s32 $0x0;
	[smem:$0x7FF] =	sst s3;
	s8 =	smul.u32 $0x140000, s4  }
0x6: {  	s1 =	sshll.u32 s4, $0x4;
	s29 =	ssub.s32 $0x2, s4;
	s10 =	smul.u32 $0x50000, s0  }
0x7: {  	s4 =	sadd.s32 $0x35200, s5;
	s11 =	sshll.u32 s0, $0x6;
	s1 =	sor.u32 s0, s1  }
0x8: {  	s30 =	sshrl.u32 s29, $0x1;
	s11 =	sor.u32 $0x1C02, s11;
	s6 =	smul.u32 $0x500, s1  }
0x9: {  	s1 =	rddreg [dreg:$0x2];
	_ =	strace $0x80000047;
	s9 =	sshrl.u32 s7, $0x3  }
0xa: {  	s7 =	sadd.s32 s7, s8;
	s8 =	ssub.s32 s29, s30;
	s31 =	sshrl.u32 s10, $0x2  }
0xb: {  	s10 =	simm.s32 $0x2;
	s9 =	sadd.s32 s9, s5;
	s7 =	sshrl.u32 s7, $0x3  }
0xc: {  	s12 =	sadd.s32 s31, s2;
	s8 =	smax.u32 s8, $0x1;
	s6 =	sadd.s32 s6, s5  }
0xd: {  	s7 =	sadd.s32 s7, s5;
	s12 =	sshrl.u32 s12, $0x3;
	s5 =	sadd.s32 $0x3200, s6  }
0xe: {  	s6 =	sadd.s32 $0xD200, s9;
	s7 =	sadd.s32 $0x35A00, s7;
	s9 =	simm.s32 $0x2800  }
.LBB2_1:
0xf: {  	[tilespmem:s9], [sflag:$0x2] =	stream.linear.gather [hbm4b:s4+s3], $0x4000, $0x38;
	[tilespmem:$0x1A800] =	vst v63  }
0x10: {  	_ =	swait.ge [sflag:s10], $0x4000  }
0x11: {  	[sflag:s10] =	ssyncset.done $0x0  }
0x12: {  	[sflag:s10] =	ssyncadd.s32 $0xFFFFC000  }
0x13: {  	[tilespmem:s3], [sflag:$0x2] =	stream.linear.gather [hbm4b:s5+s3], $0x2800, $0x38;
	[tilespmem:$0x1A800] =	vst v63  }
0x14: {  	_ =	swait.ge [sflag:s10], $0x2800  }
0x15: {  	[sflag:s10] =	ssyncset.done $0x0  }
0x16: {  	[sflag:s10] =	ssyncadd.s32 $0xFFFFD800  }
0x17: {  	[spmem:s12], [sflag:s11] =	dma.local [hbm:s6], $0x2800  }
0x18: {  	_ =	swait.ge [sflag:s10], $0x2800  }
0x19: {  	[sflag:s10] =	ssyncset.done $0x0  }
0x1a: {  	[sflag:s10] =	ssyncadd.s32 $0xFFFFD800  }
0x1b: {  	s16 =	simm.s32 $0x0;
	[bflag:$0x0] =	sbarrier.arrive $0xFFFF  }
.LBB2_2:
0x1c: {  	p0 =	sne.s32 s16, $0x9E00  }
.Ltmp0:
0x1d: {  	_ = 	snop;
	(pc) =	sbr.rel @p0 .LBB2_2-.Ltmp0, $3  }
0x1e: {  	_ =	sdelay $0x1  }
0x1f: {  	s17 =	sshra.s32 s16, $0x2;
	s16 =	sadd.s32 $0x200, s16  }
0x20: {  	[spmem:s2] =	stream.indirect.scatter.add.f32 [tilespmem:s9], [sflag:$0x1], $0x80, s17, s13, $0xb8;
	[tilespmem:$0x1A800] =	vst v63  }
0x21: {  	_ =	swait.ge [sflag:s14], $0x4000  }
0x22: {  	s16 =	simm.s32 $0x4F;
	[sflag:s14] =	ssyncset.done $0x0  }
.LBB2_4:
0x23: {  	p0 =	sne.s32 s16, $0x1;
	s16 =	sadd.s32 $0xFFFFFFFF, s16;
	[sflag:s14] =	ssyncadd.s32 $0xFFFFC000  }
.Ltmp1:
0x24: {  	(pc) =	sbr.rel @p0 .LBB2_4-.Ltmp1, $3  }
0x25: {  	_ =	sdelay $0x1  }
0x26: {  	_ =	swait.ge [sflag:s14], $0x4000  }
0x27: {  	[sflag:s14] =	ssyncset.done $0x0  }
0x28: {  	s15 =	sadd.s32 $0x1, s15  }
0x29: {  	[sflag:s14] =	ssyncadd.s32 $0xFFFFC000;
	p0 =	sne.s32 s15, s8  }
.Ltmp2:
0x2a: {  	[bflag:$0x0] =	sbarrier.arrive $0xFFFF;
	(pc) =	sbr.rel @p0 .LBB2_1-.Ltmp2, $4  }
0x2b: {  	[hbm:s7], [sflag:s11] =	dma.local [spmem:s12], $0x2800  }
0x2c: {  	_ =	swait.ge [sflag:s10], $0x2800  }
0x2d: {  	[sflag:s10] =	ssyncset.done $0x0  }
0x2e: {  	[sflag:s10] =	ssyncadd.s32 $0xFFFFD800  }
0x2f: {  	_ =	sfence.sel $0x180000  }
0x30: {  	[bflag:$0x0] =	sbarrier.arrive $0xFFFF  }
0x31: {  	p0 =	sne.s32 s0, $0x0;
	_ =	strace $0x90000047  }
0x32: {  	s0 =	sadd.s32 @!p0 $0x100000, s1;
	[bflag:$0x2] =	sbarrier.arrive $0xFFFF  }
0x33: {  	[sflag:s0] =	ssyncadd.tile.s32 @!p0 $0x1;
	_ =	shalt  }
.Lfunc_end2:
_tile_overlayer_lowered:
.L_overlay_start_2:
0x34: {  	(tag) =	ssettag $0x2  }
0x35: {  	s0 =	rddreg [dreg:$0x0];
	s2 =	stileid.u32  }
0x36: {  	s1 =	rddreg [dreg:$0x1];
	p0 =	sne.s32 s2, $0x0  }
0x37: {  	s3 =	rddreg [dreg:$0x2];
	[bflag:$0x3] =	sbarrier.arrive $0xFFFF;
	s2 =	simm.s32 @!p0 $0x1C02  }
0x38: {  	[timem:s3], [sflag:s2] =	dma.local @!p0 [hbm:s0], s1  }
0x39: {  	s0 =	simm.s32 @!p0 $0x2  }
0x3a: {  	_ =	swait.ge @!p0 [sflag:s0], s1  }
0x3b: {  	s1 =	ssub.s32 @!p0 $0x0, s1;
	[sflag:s0] =	ssyncset.done @!p0 $0x0  }
0x3c: {  	[sflag:s0] =	ssyncadd.s32 @!p0 s1  }
0x3d: {  	[bflag:$0x3] =	sbarrier.arrive $0xFFFF  }
0x3e: {  	_ =	shalt  }

// kernel: kernel.13.cloned.1.call-start
scs
__scs_entry_jumppad:
0x0: {  	(pc) =	sbr.rel $0x88, $3  }
0x1: {  	(tag) =	ssettag $0x0;
	lr =	simm.s32 $0x1  }
0x2: {  	[smem:$0x3F95] =	sst lr;
	_ =	strace $0xD0000000  }
0x3: {  	_ = 	snop  }
0x4: {  	_ = 	snop  }
0x5: {  	_ = 	snop  }
0x6: {  	_ = 	snop  }
0x7: {  	_ = 	snop  }
__scs_overlays_trampoline_lowered:
0x8: {  	[smem:$0x3FA4] =	sst s0  }
0x9: {  	[smem:$0x3FA5] =	sst s1  }
0xa: {  	[smem:$0x3FA6] =	sst s2  }
0xb: {  	[smem:$0x3FA7] =	sst s3  }
0xc: {  	[smem:$0x3FA8] =	sst s4  }
0xd: {  	[smem:$0x3FA9] =	sst s5  }
0xe: {  	[smem:$0x3FAA] =	sst s6  }
0xf: {  	[smem:$0x3FAB] =	sst s7  }
0x10: {  	[smem:$0x3FAC] =	sst s8  }
0x11: {  	[smem:$0x3FAD] =	sst s9;
	s0 =	simm.s32 @!p0 $0x0  }
0x12: {  	s1 =	sld [smem:$0x3F93];
	s0 =	simm.s32 @p0 $0x1  }
0x13: {  	[smem:$0x3FAE] =	sst s0;
	s0 =	simm.s32 @!p1 $0x0  }
0x14: {  	s2 =	sld [smem:$0x3F92];
	s0 =	simm.s32 @p1 $0x1  }
0x15: {  	[smem:$0x3FAF] =	sst s0;
	s0 =	simm.s32 @!p2 $0x0  }
0x16: {  	s3 =	sld [smem:$0x3FDB];
	s0 =	simm.s32 @p2 $0x1  }
0x17: {  	s4 =	simm.s32 $0x1BF5;
	[smem:$0x3FB1] =	sst s0  }
0x18: {  	s0 =	sld [smem:$0x3F94];
	_ =	swait.ge [sflag:s4], $0x0  }
0x19: {  	s7 =	sld [smem:$0x3F95]  }
0x1a: {  	s8 =	sadd.s32 $0xFFFFE003, lr  }
0x1b: {  	s9 =	sadd.s32 $0xFFFFFEF7, lr;
	s5 =	simm.s32 $0xFFFFFFFF;
	p2 =	slt.u32 s8, $0xFFFFF086  }
0x1c: {  	p1 =	slt.u32 s9, $0xF7A;
	s5 =	simm.s32 @!p2 $0x0  }
0x1d: {  	s5 =	simm.s32 @p1 $0x1;
	p0 =	seq.s32 s7, s2  }
0x1e: {  	s7 =	smul.u32 @!p0 $0xF7A, s2;
	p2 =	seq.s32 @!p0 s5, $0x0  }
0x1f: {  	s9 =	smul.u32 $0xF7A, s1;
	s8 =	simm.s32 @!p0 $0x1BF5;
	p2 =	por !p2, p0  }
0x20: {  	[sflag:s8] =	ssyncset.s32 @!p0 $0xFFFFF086;
	s6 =	sadd.s32 @!p0 s3, s7;
	s7 =	simm.s32 @!p0 $0x108  }
0x21: {  	s3 =	sadd.s32 s3, s9;
	s6 =	sadd.s32 @!p0 $0x88, s6;
	s7 =	simm.s32 @p2 $0x1082  }
0x22: {  	[simem:s7], [sflag:s8] =	dma.local @!p0 [hbm:s6], $0xF7A  }
0x23: {  	s9 =	sor.u32 $0xD0000000, s2;
	s6 =	simm.s32 $0x108;
	_ =	swait.ge @!p0 [sflag:s8], $0x0  }
0x24: {  	s3 =	sadd.s32 $0x88, s3;
	s6 =	simm.s32 @!p1 $0x1082;
	[sflag:s4] =	ssyncset.s32 $0xFFFFF086  }
0x25: {  	[simem:s6], [sflag:s4] =	dma.local [hbm:s3], $0xF7A  }
0x26: {  	[smem:$0x3F95] =	sst s1;
	(tag) =	ssettag s2;
	_ =	strace s9  }
0x27: {  	s1 =	sld [smem:$0x3FA5]  }
0x28: {  	s2 =	sld [smem:$0x3FA6]  }
0x29: {  	s4 =	sld [smem:$0x3FA8]  }
0x2a: {  	p0 =	seq.s32 s5, $0x0;
	s5 =	sld [smem:$0x3FA9]  }
0x2b: {  	s6 =	sld [smem:$0x3FAA]  }
0x2c: {  	s7 =	sld [smem:$0x3FAB]  }
0x2d: {  	s3 =	simm.s32 $0x108;
	s8 =	sld [smem:$0x3FAC]  }
0x2e: {  	s3 =	simm.s32 @!p0 $0x1082;
	s9 =	sld [smem:$0x3FAD]  }
0x2f: {  	lr =	sadd.s32 s0, s3;
	s0 =	sld [smem:$0x3FA4]  }
0x30: {  	s3 =	sld [smem:$0x3FA7]  }
0x31: {  	[smem:$0x3FB0] =	sst s10  }
0x32: {  	s10 =	sld [smem:$0x3FAE];
	_ =	sdelay $0x3  }
0x33: {  	p0 =	seq.s32 s10, $0x1;
	s10 =	sld [smem:$0x3FB0];
	_ =	sdelay $0x3  }
0x34: {  	[smem:$0x3FB0] =	sst s10  }
0x35: {  	s10 =	sld [smem:$0x3FAF];
	_ =	sdelay $0x3  }
0x36: {  	p1 =	seq.s32 s10, $0x1;
	s10 =	sld [smem:$0x3FB0];
	_ =	sdelay $0x3  }
0x37: {  	[smem:$0x3FB0] =	sst s10  }
0x38: {  	s10 =	sld [smem:$0x3FB1]  }
0x39: {  	_ = 	snop;
	(pc) =	sbr.ind lr, $3  }
0x3a: {  	_ = 	snop  }
0x3b: {  	_ = 	snop  }
0x3c: {  	p2 =	seq.s32 s10, $0x1;
	s10 =	sld [smem:$0x3FB0]  }
0x3d: {  	_ =	shalt  }
0x3e: {  	_ =	shalt  }
0x3f: {  	_ =	shalt  }
0x40: {  	_ =	shalt  }
0x41: {  	_ =	shalt  }
0x42: {  	_ =	shalt  }
0x43: {  	_ =	shalt  }
0x44: {  	_ =	shalt  }
0x45: {  	_ =	shalt  }
0x46: {  	_ =	shalt  }
0x47: {  	_ =	shalt  }
0x48: {  	_ =	shalt  }
0x49: {  	_ =	shalt  }
0x4a: {  	_ =	shalt  }
0x4b: {  	_ =	shalt  }
0x4c: {  	_ =	shalt  }
0x4d: {  	_ =	shalt  }
0x4e: {  	_ =	shalt  }
0x4f: {  	_ =	shalt  }
0x50: {  	_ =	shalt  }
0x51: {  	_ =	shalt  }
0x52: {  	_ =	shalt  }
0x53: {  	_ =	shalt  }
0x54: {  	_ =	shalt  }
0x55: {  	_ =	shalt  }
0x56: {  	_ =	shalt  }
0x57: {  	_ =	shalt  }
0x58: {  	_ =	shalt  }
0x59: {  	_ =	shalt  }
0x5a: {  	_ =	shalt  }
0x5b: {  	_ =	shalt  }
0x5c: {  	_ =	shalt  }
0x5d: {  	_ =	shalt  }
0x5e: {  	_ =	shalt  }
0x5f: {  	_ =	shalt  }
0x60: {  	_ =	shalt  }
0x61: {  	_ =	shalt  }
0x62: {  	_ =	shalt  }
0x63: {  	_ =	shalt  }
0x64: {  	_ =	shalt  }
0x65: {  	_ =	shalt  }
0x66: {  	_ =	shalt  }
0x67: {  	_ =	shalt  }
0x68: {  	_ =	shalt  }
0x69: {  	_ =	shalt  }
0x6a: {  	_ =	shalt  }
0x6b: {  	_ =	shalt  }
0x6c: {  	_ =	shalt  }
0x6d: {  	_ =	shalt  }
0x6e: {  	_ =	shalt  }
0x6f: {  	_ =	shalt  }
0x70: {  	_ =	shalt  }
0x71: {  	_ =	shalt  }
0x72: {  	_ =	shalt  }
0x73: {  	_ =	shalt  }
0x74: {  	_ =	shalt  }
0x75: {  	_ =	shalt  }
0x76: {  	_ =	shalt  }
0x77: {  	_ =	shalt  }
0x78: {  	_ =	shalt  }
0x79: {  	_ =	shalt  }
0x7a: {  	_ =	shalt  }
0x7b: {  	_ =	shalt  }
0x7c: {  	_ =	shalt  }
0x7d: {  	_ =	shalt  }
0x7e: {  	_ =	shalt  }
0x7f: {  	_ =	shalt  }
0x80: {  	_ =	shalt  }
0x81: {  	_ =	shalt  }
0x82: {  	_ =	shalt  }
0x83: {  	_ =	shalt  }
0x84: {  	_ =	shalt  }
0x85: {  	_ =	shalt  }
0x86: {  	_ =	shalt  }
0x87: {  	_ =	shalt  }
.Lfunc_end0:
.L_simem_size_0:
called_computation.1_lowered:
.L_overlay_start_0:
0x88: {  	s2 =	sld [smem:$0x3FD9]  }
0x89: {  	s3 =	sld [smem:$0x3FFE];
	_ =	sdelay $0x1  }
0x8a: {  	s1 =	srdreg.scid  }
0x8b: {  	s0 =	sand.u32 $0x1, s1  }
0x8c: {  	s17 =	sshll.u32 s0, $0xA;
	s2 =	sadd.s32 s3, s2  }
0x8d: {  	s2 =	sadd.s32 s2, s17  }
0x8e: {  	[smem:$0x3FBC] =	sst s2  }
0x8f: {  	_ = 	snop  }
0x90: {  	s2 =	sld [smem:$0x3FD0];
	(tm) =	ssettm $0x1  }
0x91: {  	s18 =	sld [smem:$0x3FFB];
	_ =	sdelay $0x3  }
0x92: {  	_ =	strace s18  }
0x93: {  	s3 =	sld [smem:$0x3FFC];
	_ =	sdelay $0x3  }
0x94: {  	_ =	strace s3  }
0x95: {  	s3 =	sld [smem:$0x3FFD];
	_ =	sdelay $0x3  }
0x96: {  	_ =	strace s3  }
0x97: {  	_ =	strace $0x8FFFFFFF  }
0x98: {  	s19 =	sld [smem:$0x3FDB];
	_ =	sdelay $0x1  }
0x99: {  	s4 =	simm.s32 $_scs_section_size  }
0x9a: {  	s5 =	simm.s32 $_size__tile_overlayer_lowered;
	s6 =	simm.s32 $_tile_overlayer_lowered  }
0x9b: {  	s22 =	simm.s32 $0x1BFF;
	s21 =	sshll.u32 s6, $0x1;
	s3 =	sadd.s32 s4, s19  }
0x9c: {  	s7 =	simm.s32 $0x0;
	s20 =	sshll.u32 s5, $0x1;
	s5 =	sadd.s32 s21, s3  }
0x9d: {  	[timem:s7], [sflag:s22] =	dma.local [hbm:s5], s20  }
0x9e: {  	_ =	swait.ge [sflag:s22], s20  }
0x9f: {  	s4 =	ssub.s32 $0x0, s20;
	[sflag:s22] =	ssyncset.done $0x0  }
0xa0: {  	[sflag:s22] =	ssyncadd.s32 s4;
	_ =	sdelay $0x1  }
0xa1: {  	s23 =	simm.s32 $0x1B8B  }
0xa2: {  	_ =	swait.ge [sflag:s23], $0x1  }
0xa3: {  	[sflag:s23] =	ssyncset.done $0x0  }
0xa4: {  	s25 =	simm.s32 $0x1B8E;
	s24 =	sld [smem:$0x3FFE];
	[sflag:s23] =	ssyncadd.s32 $0xFFFFFFFF  }
0xa5: {  	s26 =	simm.s32 $execute0_lowered;
	[smem:$0x3FD2] =	sst s25  }
0xa6: {  	s5 =	sshll.u32 s26, $0x1;
	_ =	strace $0x80000049;
	[dreg:$0x1] =	wrdreg $0xFFFFFFFF  }
0xa7: {  	s28 =	simm.s32 $_size_execute0_lowered;
	s3 =	sadd.s32 s3, s5;
	[dreg:$0x0] =	wrdreg $0x0  }
0xa8: {  	s5 =	sshll.u32 s28, $0x1;
	[dreg:$0x2] =	wrdreg s3  }
0xa9: {  	[dreg:$0x3] =	wrdreg s5  }
0xaa: {  	[dreg:$0x4] =	wrdreg $0xC0  }
0xab: {  	_ =	task [dreg:s7], $0x5FFFF  }
0xac: {  	[dreg:$0x1] =	wrdreg $0xFFFFFFFF  }
0xad: {  	[dreg:$0x0] =	wrdreg $0x60  }
0xae: {  	[dreg:$0x2] =	wrdreg s2  }
0xaf: {  	[dreg:$0x3] =	wrdreg s24  }
0xb0: {  	[dreg:$0x4] =	wrdreg $0xA8000  }
0xb1: {  	[dreg:$0x5] =	wrdreg $0x9  }
0xb2: {  	_ =	task.clear_ibuf [dreg:s7], $0x6FFFF;
	_ =	strace $0x90000049  }
0xb3: {  	s29 =	simm.s32 $0x9;
	_ =	strace $0x8000004B  }
0xb4: {  	_ =	swait.ge [sflag:s29], $0x1  }
0xb5: {  	[sflag:s29] =	ssyncadd.s32 $0xFFFFFFFF  }
0xb6: {  	_ =	strace $0x9000004B  }
0xb7: {  	_ =	sfence  }
0xb8: {  	s30 =	sld [smem:$0x0];
	_ =	sdelay $0x2  }
0xb9: {  	s31 =	sshll.u32 s1, $0xD;
	s1 =	sshrl.u32 s1, $0x2  }
0xba: {  	s3 =	sand.u32 $0x4000, s31;
	s1 =	sadd.s32 s1, s30  }
0xbb: {  	s0 =	sor.u32 s3, s0;
	s1 =	sshll.u32 s1, $0x11  }
0xbc: {  	s0 =	sor.u32 s1, s0  }
0xbd: {  	s0 =	sadd.s32 $0x8F2B, s0  }
0xbe: {  	[sflag:s0] =	ssyncadd.remote.s32 $0x1  }
0xbf: {  	_ =	sfence.sel $0xFFFF  }
0xc0: {  	[dreg:$0x0] =	wrdreg $0xFFFFFFFF;
	(pc) =	sbr.abs _section_cstart, $3  }
0xc1: {  	[dreg:$0x1] =	wrdreg $0xFFFFFFFF  }
0xc2: {  	_ =	task.clear_ibuf [dreg:s7], $0x2FFFF;
	_ =	strace $0x9FFFFFFF  }
0xc3: {  	(tm) =	ssettm $0x7FFFFFFF  }
tec
execute0_lowered:
.L_overlay_start_1:
0x0: {  	(tag) =	ssettag $0x1  }
0x1: {  	s9 =	rddreg [dreg:$0x0]  }
0x2: {  	s5 =	rddreg [dreg:$0x1]  }
0x3: {  	s2 =	rddreg [dreg:$0x2]  }
0x4: {  	s0 =	rddreg [dreg:$0x3]  }
0x5: {  	s1 =	stileid.u32;
	s3 =	simm.s32 $0x0;
	s4 =	srdreg.scid  }
0x6: {  	s16 =	simm.s32 $0x80;
	s17 =	simm.s32 $0x2800;
	s18 =	simm.s32 $0x6800  }
0x7: {  	s19 =	simm.s32 $0x1;
	s20 =	simm.s32 $0x2;
	s21 =	simm.s32 $0x3  }
0x8: {  	s22 =	simm.s32 $0x4;
	s23 =	simm.s32 $0x2700;
	s24 =	simm.s32 $0x2780  }
0x9: {  	s25 =	simm.s32 $0x0;
	s6 =	smul.u32 $0x14000, s1;
	[smem:$0x7FF] =	sst s3  }
0xa: {  	s7 =	sand.u32 $0x1, s4;
	s11 =	sadd.s32 $0x3200, s5;
	s4 =	sadd.s32 $0x35200, s5  }
0xb: {  	s28 =	smul.u32 $0x50000, s1;
	s29 =	sshll.u32 s1, $0x6;
	_ =	strace $0x8000004A  }
0xc: {  	s10 =	smul.u32 $0x140000, s7;
	s12 =	sshll.u32 s7, $0x4;
	s7 =	ssub.s32 $0x2, s7  }
0xd: {  	s8 =	sshrl.u32 s6, $0x3;
	s12 =	sor.u32 s1, s12;
	s13 =	sshrl.u32 s7, $0x1  }
0xe: {  	s8 =	sadd.s32 s8, s5;
	s6 =	sadd.s32 s6, s10;
	s10 =	sshrl.u32 s28, $0x2  }
0xf: {  	s12 =	smul.u32 $0x2800, s12;
	s13 =	ssub.s32 s7, s13;
	s6 =	sshrl.u32 s6, $0x3  }
0x10: {  	s15 =	sadd.s32 s10, s2;
	s14 =	sadd.s32 s6, s5;
	s5 =	sadd.s32 $0xD200, s8  }
0x11: {  	s30 =	sshrl.u32 s12, $0x3;
	s6 =	sor.u32 $0x1C05, s29;
	s12 =	smax.u32 s13, $0x1  }
0x12: {  	s13 =	sshrl.u32 s15, $0x3;
	s15 =	simm.s32 $0x1400;
	s31 =	sadd.s32 $0x280, s30  }
0x13: {  	s7 =	sadd.s32 s9, s30;
	s8 =	sadd.s32 s11, s30;
	s9 =	sadd.s32 s9, s31  }
0x14: {  	s10 =	sadd.s32 s11, s31;
	s11 =	sadd.s32 $0x5D200, s14;
	s14 =	simm.s32 $0x5  }
.LBB2_1:
0x15: {  	[spmem:s13], [sflag:s6] =	dma.local [hbm:s5], $0x2800  }
0x16: {  	_ =	swait.ge [sflag:s14], $0x2800  }
0x17: {  	[sflag:s14] =	ssyncset.done $0x0  }
0x18: {  	[sflag:s14] =	ssyncadd.s32 $0xFFFFD800  }
0x19: {  	[bflag:$0x0] =	sbarrier.arrive $0xFFFF  }
0x1a: {  	[tilespmem:s3], [sflag:$0x5] =	stream.linear.gather [hbm4b:s7+s3], $0x1400, $0x38;
	[tilespmem:$0x1E800] =	vst v63  }
0x1b: {  	_ =	swait.ge [sflag:s14], $0x1400  }
0x1c: {  	[sflag:s14] =	ssyncset.done $0x0  }
0x1d: {  	[sflag:s14] =	ssyncadd.s32 $0xFFFFEC00  }
0x1e: {  	[tilespmem:s15], [sflag:$0x5] =	stream.linear.gather [hbm4b:s8+s3], $0x1400, $0x38;
	[tilespmem:$0x1E800] =	vst v63  }
0x1f: {  	_ =	swait.ge [sflag:s14], $0x1400  }
0x20: {  	[sflag:s14] =	ssyncset.done $0x0  }
0x21: {  	[sflag:s14] =	ssyncadd.s32 $0xFFFFEC00  }
0x22: {  	[tilespmem:s17], [sflag:$0x1] =	stream.indirect.gather [hbm4b:s4+s16], $0x80, s3, s16, $0xb8;
	[tilespmem:$0x1E800] =	vst v63  }
0x23: {  	_ = 	snop  }
0x24: {  	[tilespmem:s18], [sflag:$0x2] =	stream.indirect.gather [hbm4b:s4+s16], $0x80, s16, s16, $0xb8;
	[tilespmem:$0x1E800] =	vst v63  }
0x25: {  	_ =	swait.ge [sflag:s19], $0x4000  }
0x26: {  	[sflag:s19] =	ssyncset.done $0x0  }
0x27: {  	s26 =	simm.s32 $0x1400;
	[sflag:s19] =	ssyncadd.s32 $0xFFFFC000  }
0x28: {  	[spmem:s2] =	stream.indirect.scatter.add.f32 [tilespmem:s17], [sflag:$0x3], $0x80, s26, s16, $0xb8;
	[tilespmem:$0x1E800] =	vst v63  }
0x29: {  	_ =	swait.ge [sflag:s20], $0x4000  }
0x2a: {  	[sflag:s20] =	ssyncset.done $0x0  }
0x2b: {  	s30 =	simm.s32 $0x1480;
	[sflag:s20] =	ssyncadd.s32 $0xFFFFC000  }
0x2c: {  	[spmem:s2] =	stream.indirect.scatter.add.f32 [tilespmem:s18], [sflag:$0x4], $0x80, s30, s16, $0xb8;
	[tilespmem:$0x1E800] =	vst v63  }
0x2d: {  	_ =	swait.ge [sflag:s21], $0x4000  }
0x2e: {  	[sflag:s21] =	ssyncset.done $0x0  }
0x2f: {  	s31 =	simm.s32 $0x100;
	[sflag:s21] =	ssyncadd.s32 $0xFFFFC000  }
0x30: {  	[tilespmem:s17], [sflag:$0x1] =	stream.indirect.gather [hbm4b:s4+s16], $0x80, s31, s16, $0xb8;
	[tilespmem:$0x1E800] =	vst v63  }
0x31: {  	_ =	swait.ge [sflag:s22], $0x4000  }
0x32: {  	[sflag:s22] =	ssyncset.done $0x0  }
0x33: {  	s28 =	simm.s32 $0x180;
	s26 =	simm.s32 $0x400;
	[sflag:s22] =	ssyncadd.s32 $0xFFFFC000  }
.LBB2_2:
0x34: {  	[tilespmem:s18], [sflag:$0x2] =	stream.indirect.gather [hbm4b:s4+s16], $0x80, s28, s16, $0xb8;
	[tilespmem:$0x1E800] =	vst v63  }
0x35: {  	s28 =	smov.u32 s26  }
0x36: {  	p0 =	sne.s32 s26, $0x4800;
	s26 =	sadd.s32 $0x400, s26;
	_ =	swait.ge [sflag:s19], $0x4000  }
0x37: {  	s28 =	sshra.s32 s28, $0x2;
	[sflag:s19] =	ssyncset.done $0x0  }
0x38: {  	s29 =	sadd.s32 $0x1400, s28;
	[sflag:s19] =	ssyncadd.s32 $0xFFFFC000  }
0x39: {  	[spmem:s2] =	stream.indirect.scatter.add.f32 [tilespmem:s17], [sflag:$0x3], $0x80, s29, s16, $0xb8;
	[tilespmem:$0x1E800] =	vst v63  }
0x3a: {  	_ =	swait.ge [sflag:s20], $0x4000  }
0x3b: {  	[sflag:s20] =	ssyncset.done $0x0  }
0x3c: {  	s29 =	sadd.s32 $0x1480, s28;
	[sflag:s20] =	ssyncadd.s32 $0xFFFFC000  }
0x3d: {  	[spmem:s2] =	stream.indirect.scatter.add.f32 [tilespmem:s18], [sflag:$0x4], $0x80, s29, s16, $0xb8;
	[tilespmem:$0x1E800] =	vst v63  }
0x3e: {  	_ =	swait.ge [sflag:s21], $0x4000  }
0x3f: {  	[sflag:s21] =	ssyncset.done $0x0  }
.Ltmp0:
0x40: {  	s29 =	sadd.s32 $0x100, s28;
	[sflag:s21] =	ssyncadd.s32 $0xFFFFC000;
	(pc) =	sbr.rel @p0 .LBB2_2-.Ltmp0, $4  }
0x41: {  	[tilespmem:s17], [sflag:$0x1] =	stream.indirect.gather [hbm4b:s4+s16], $0x80, s29, s16, $0xb8;
	[tilespmem:$0x1E800] =	vst v63  }
0x42: {  	_ =	swait.ge [sflag:s22], $0x4000  }
0x43: {  	[sflag:s22] =	ssyncset.done $0x0  }
0x44: {  	s28 =	sadd.s32 $0x180, s28;
	[sflag:s22] =	ssyncadd.s32 $0xFFFFC000  }
0x45: {  	[tilespmem:s18], [sflag:$0x2] =	stream.indirect.gather [hbm4b:s4+s16], $0x80, s28, s16, $0xb8;
	[tilespmem:$0x1E800] =	vst v63  }
0x46: {  	_ =	swait.ge [sflag:s19], $0x4000  }
0x47: {  	[sflag:s19] =	ssyncset.done $0x0  }
0x48: {  	[sflag:s19] =	ssyncadd.s32 $0xFFFFC000  }
0x49: {  	[spmem:s2] =	stream.indirect.scatter.add.f32 [tilespmem:s17], [sflag:$0x3], $0x80, s23, s16, $0xb8;
	[tilespmem:$0x1E800] =	vst v63  }
0x4a: {  	_ =	swait.ge [sflag:s20], $0x4000  }
0x4b: {  	[sflag:s20] =	ssyncset.done $0x0  }
0x4c: {  	[sflag:s20] =	ssyncadd.s32 $0xFFFFC000  }
0x4d: {  	[spmem:s2] =	stream.indirect.scatter.add.f32 [tilespmem:s18], [sflag:$0x4], $0x80, s24, s16, $0xb8;
	[tilespmem:$0x1E800] =	vst v63  }
0x4e: {  	_ =	swait.ge [sflag:s21], $0x4000  }
0x4f: {  	[sflag:s21] =	ssyncset.done $0x0  }
0x50: {  	[sflag:s21] =	ssyncadd.s32 $0xFFFFC000  }
0x51: {  	_ =	swait.ge [sflag:s22], $0x4000  }
0x52: {  	[sflag:s22] =	ssyncset.done $0x0  }
0x53: {  	s26 =	simm.s32 $0x0;
	[sflag:s22] =	ssyncadd.s32 $0xFFFFC000  }
0x54: {  	[tilespmem:s26], [sflag:$0x5] =	stream.linear.gather [hbm4b:s9+s26], $0x1400, $0x38;
	[tilespmem:$0x1E800] =	vst v63  }
0x55: {  	_ =	swait.ge [sflag:s14], $0x1400  }
0x56: {  	[sflag:s14] =	ssyncset.done $0x0  }
0x57: {  	[sflag:s14] =	ssyncadd.s32 $0xFFFFEC00  }
0x58: {  	[tilespmem:s15], [sflag:$0x5] =	stream.linear.gather [hbm4b:s10+s26], $0x1400, $0x38;
	[tilespmem:$0x1E800] =	vst v63  }
0x59: {  	_ =	swait.ge [sflag:s14], $0x1400  }
0x5a: {  	[sflag:s14] =	ssyncset.done $0x0  }
0x5b: {  	[sflag:s14] =	ssyncadd.s32 $0xFFFFEC00  }
0x5c: {  	[tilespmem:s17], [sflag:$0x1] =	stream.indirect.gather [hbm4b:s4+s16], $0x80, s26, s16, $0xb8;
	[tilespmem:$0x1E800] =	vst v63  }
0x5d: {  	_ = 	snop  }
0x5e: {  	[tilespmem:s18], [sflag:$0x2] =	stream.indirect.gather [hbm4b:s4+s16], $0x80, s16, s16, $0xb8;
	[tilespmem:$0x1E800] =	vst v63  }
0x5f: {  	_ =	swait.ge [sflag:s19], $0x4000  }
0x60: {  	[sflag:s19] =	ssyncset.done $0x0  }
0x61: {  	s29 =	simm.s32 $0x1400;
	[sflag:s19] =	ssyncadd.s32 $0xFFFFC000  }
0x62: {  	[spmem:s2] =	stream.indirect.scatter.add.f32 [tilespmem:s17], [sflag:$0x3], $0x80, s29, s16, $0xb8;
	[tilespmem:$0x1E800] =	vst v63  }
0x63: {  	_ =	swait.ge [sflag:s20], $0x4000  }
0x64: {  	[sflag:s20] =	ssyncset.done $0x0  }
0x65: {  	s30 =	simm.s32 $0x1480;
	[sflag:s20] =	ssyncadd.s32 $0xFFFFC000  }
0x66: {  	[spmem:s2] =	stream.indirect.scatter.add.f32 [tilespmem:s18], [sflag:$0x4], $0x80, s30, s16, $0xb8;
	[tilespmem:$0x1E800] =	vst v63  }
0x67: {  	_ =	swait.ge [sflag:s21], $0x4000  }
0x68: {  	[sflag:s21] =	ssyncset.done $0x0  }
0x69: {  	s31 =	simm.s32 $0x100;
	[sflag:s21] =	ssyncadd.s32 $0xFFFFC000  }
0x6a: {  	[tilespmem:s17], [sflag:$0x1] =	stream.indirect.gather [hbm4b:s4+s16], $0x80, s31, s16, $0xb8;
	[tilespmem:$0x1E800] =	vst v63  }
0x6b: {  	_ =	swait.ge [sflag:s22], $0x4000  }
0x6c: {  	[sflag:s22] =	ssyncset.done $0x0  }
0x6d: {  	s28 =	simm.s32 $0x180;
	s26 =	simm.s32 $0x400;
	[sflag:s22] =	ssyncadd.s32 $0xFFFFC000  }
.LBB2_4:
0x6e: {  	[tilespmem:s18], [sflag:$0x2] =	stream.indirect.gather [hbm4b:s4+s16], $0x80, s28, s16, $0xb8;
	[tilespmem:$0x1E800] =	vst v63  }
0x6f: {  	s28 =	smov.u32 s26  }
0x70: {  	p0 =	sne.s32 s26, $0x4800;
	s26 =	sadd.s32 $0x400, s26;
	_ =	swait.ge [sflag:s19], $0x4000  }
0x71: {  	s28 =	sshra.s32 s28, $0x2;
	[sflag:s19] =	ssyncset.done $0x0  }
0x72: {  	s29 =	sadd.s32 $0x1400, s28;
	[sflag:s19] =	ssyncadd.s32 $0xFFFFC000  }
0x73: {  	[spmem:s2] =	stream.indirect.scatter.add.f32 [tilespmem:s17], [sflag:$0x3], $0x80, s29, s16, $0xb8;
	[tilespmem:$0x1E800] =	vst v63  }
0x74: {  	_ =	swait.ge [sflag:s20], $0x4000  }
0x75: {  	[sflag:s20] =	ssyncset.done $0x0  }
0x76: {  	s29 =	sadd.s32 $0x1480, s28;
	[sflag:s20] =	ssyncadd.s32 $0xFFFFC000  }
0x77: {  	[spmem:s2] =	stream.indirect.scatter.add.f32 [tilespmem:s18], [sflag:$0x4], $0x80, s29, s16, $0xb8;
	[tilespmem:$0x1E800] =	vst v63  }
0x78: {  	_ =	swait.ge [sflag:s21], $0x4000  }
0x79: {  	[sflag:s21] =	ssyncset.done $0x0  }
.Ltmp1:
0x7a: {  	s29 =	sadd.s32 $0x100, s28;
	[sflag:s21] =	ssyncadd.s32 $0xFFFFC000;
	(pc) =	sbr.rel @p0 .LBB2_4-.Ltmp1, $4  }
0x7b: {  	[tilespmem:s17], [sflag:$0x1] =	stream.indirect.gather [hbm4b:s4+s16], $0x80, s29, s16, $0xb8;
	[tilespmem:$0x1E800] =	vst v63  }
0x7c: {  	_ =	swait.ge [sflag:s22], $0x4000  }
0x7d: {  	[sflag:s22] =	ssyncset.done $0x0  }
0x7e: {  	s28 =	sadd.s32 $0x180, s28;
	[sflag:s22] =	ssyncadd.s32 $0xFFFFC000  }
0x7f: {  	[tilespmem:s18], [sflag:$0x2] =	stream.indirect.gather [hbm4b:s4+s16], $0x80, s28, s16, $0xb8;
	[tilespmem:$0x1E800] =	vst v63  }
0x80: {  	_ =	swait.ge [sflag:s19], $0x4000  }
0x81: {  	[sflag:s19] =	ssyncset.done $0x0  }
0x82: {  	[sflag:s19] =	ssyncadd.s32 $0xFFFFC000  }
0x83: {  	[spmem:s2] =	stream.indirect.scatter.add.f32 [tilespmem:s17], [sflag:$0x3], $0x80, s23, s16, $0xb8;
	[tilespmem:$0x1E800] =	vst v63  }
0x84: {  	_ =	swait.ge [sflag:s20], $0x4000  }
0x85: {  	[sflag:s20] =	ssyncset.done $0x0  }
0x86: {  	[sflag:s20] =	ssyncadd.s32 $0xFFFFC000  }
0x87: {  	[spmem:s2] =	stream.indirect.scatter.add.f32 [tilespmem:s18], [sflag:$0x4], $0x80, s24, s16, $0xb8;
	[tilespmem:$0x1E800] =	vst v63  }
0x88: {  	_ =	swait.ge [sflag:s21], $0x4000  }
0x89: {  	[sflag:s21] =	ssyncset.done $0x0  }
0x8a: {  	[sflag:s21] =	ssyncadd.s32 $0xFFFFC000  }
0x8b: {  	_ =	swait.ge [sflag:s22], $0x4000  }
0x8c: {  	s25 =	sadd.s32 $0x1, s25;
	[sflag:s22] =	ssyncset.done $0x0  }
0x8d: {  	p0 =	sne.s32 s25, s12;
	[sflag:s22] =	ssyncadd.s32 $0xFFFFC000  }
.Ltmp2:
0x8e: {  	[bflag:$0x0] =	sbarrier.arrive $0xFFFF;
	(pc) =	sbr.rel @p0 .LBB2_1-.Ltmp2, $4  }
0x8f: {  	[hbm:s11], [sflag:s6] =	dma.local [spmem:s13], $0x2800  }
0x90: {  	_ =	swait.ge [sflag:s14], $0x2800  }
0x91: {  	[sflag:s14] =	ssyncset.done $0x0  }
0x92: {  	[sflag:s14] =	ssyncadd.s32 $0xFFFFD800  }
0x93: {  	_ =	sfence.sel $0x180000  }
0x94: {  	[bflag:$0x0] =	sbarrier.arrive $0xFFFF  }
0x95: {  	p0 =	sne.s32 s1, $0x0;
	_ =	strace $0x9000004A  }
0x96: {  	s0 =	sadd.s32 @!p0 $0x100000, s0;
	[bflag:$0x2] =	sbarrier.arrive $0xFFFF  }
0x97: {  	[sflag:s0] =	ssyncadd.tile.s32 @!p0 $0x1;
	_ =	shalt  }
.Lfunc_end2:
_tile_overlayer_lowered:
.L_overlay_start_2:
0x98: {  	(tag) =	ssettag $0x2  }
0x99: {  	s0 =	rddreg [dreg:$0x0];
	s2 =	stileid.u32  }
0x9a: {  	s1 =	rddreg [dreg:$0x1];
	p0 =	sne.s32 s2, $0x0  }
0x9b: {  	s3 =	rddreg [dreg:$0x2];
	[bflag:$0x3] =	sbarrier.arrive $0xFFFF;
	s2 =	simm.s32 @!p0 $0x1C05  }
0x9c: {  	[timem:s3], [sflag:s2] =	dma.local @!p0 [hbm:s0], s1  }
0x9d: {  	s0 =	simm.s32 @!p0 $0x5  }
0x9e: {  	_ =	swait.ge @!p0 [sflag:s0], s1  }
0x9f: {  	s1 =	ssub.s32 @!p0 $0x0, s1;
	[sflag:s0] =	ssyncset.done @!p0 $0x0  }
0xa0: {  	[sflag:s0] =	ssyncadd.s32 @!p0 s1  }
0xa1: {  	[bflag:$0x3] =	sbarrier.arrive $0xFFFF  }
0xa2: {  	_ =	shalt  }

// kernel: kernel.16.cloned.1.call-start
scs
__scs_entry_jumppad:
0x0: {  	(pc) =	sbr.rel $0x88, $3  }
0x1: {  	(tag) =	ssettag $0x0;
	lr =	simm.s32 $0x1  }
0x2: {  	[smem:$0x3F95] =	sst lr;
	_ =	strace $0xD0000000  }
0x3: {  	_ = 	snop  }
0x4: {  	_ = 	snop  }
0x5: {  	_ = 	snop  }
0x6: {  	_ = 	snop  }
0x7: {  	_ = 	snop  }
__scs_overlays_trampoline_lowered:
0x8: {  	[smem:$0x3FA4] =	sst s0  }
0x9: {  	[smem:$0x3FA5] =	sst s1  }
0xa: {  	[smem:$0x3FA6] =	sst s2  }
0xb: {  	[smem:$0x3FA7] =	sst s3  }
0xc: {  	[smem:$0x3FA8] =	sst s4  }
0xd: {  	[smem:$0x3FA9] =	sst s5  }
0xe: {  	[smem:$0x3FAA] =	sst s6  }
0xf: {  	[smem:$0x3FAB] =	sst s7  }
0x10: {  	[smem:$0x3FAC] =	sst s8  }
0x11: {  	[smem:$0x3FAD] =	sst s9;
	s0 =	simm.s32 @!p0 $0x0  }
0x12: {  	s1 =	sld [smem:$0x3F93];
	s0 =	simm.s32 @p0 $0x1  }
0x13: {  	[smem:$0x3FAE] =	sst s0;
	s0 =	simm.s32 @!p1 $0x0  }
0x14: {  	s2 =	sld [smem:$0x3F92];
	s0 =	simm.s32 @p1 $0x1  }
0x15: {  	[smem:$0x3FAF] =	sst s0;
	s0 =	simm.s32 @!p2 $0x0  }
0x16: {  	s3 =	sld [smem:$0x3FDB];
	s0 =	simm.s32 @p2 $0x1  }
0x17: {  	s4 =	simm.s32 $0x1BF5;
	[smem:$0x3FB1] =	sst s0  }
0x18: {  	s0 =	sld [smem:$0x3F94];
	_ =	swait.ge [sflag:s4], $0x0  }
0x19: {  	s7 =	sld [smem:$0x3F95]  }
0x1a: {  	s8 =	sadd.s32 $0xFFFFE003, lr  }
0x1b: {  	s9 =	sadd.s32 $0xFFFFFEF7, lr;
	s5 =	simm.s32 $0xFFFFFFFF;
	p2 =	slt.u32 s8, $0xFFFFF086  }
0x1c: {  	p1 =	slt.u32 s9, $0xF7A;
	s5 =	simm.s32 @!p2 $0x0  }
0x1d: {  	s5 =	simm.s32 @p1 $0x1;
	p0 =	seq.s32 s7, s2  }
0x1e: {  	s7 =	smul.u32 @!p0 $0xF7A, s2;
	p2 =	seq.s32 @!p0 s5, $0x0  }
0x1f: {  	s9 =	smul.u32 $0xF7A, s1;
	s8 =	simm.s32 @!p0 $0x1BF5;
	p2 =	por !p2, p0  }
0x20: {  	[sflag:s8] =	ssyncset.s32 @!p0 $0xFFFFF086;
	s6 =	sadd.s32 @!p0 s3, s7;
	s7 =	simm.s32 @!p0 $0x108  }
0x21: {  	s3 =	sadd.s32 s3, s9;
	s6 =	sadd.s32 @!p0 $0x88, s6;
	s7 =	simm.s32 @p2 $0x1082  }
0x22: {  	[simem:s7], [sflag:s8] =	dma.local @!p0 [hbm:s6], $0xF7A  }
0x23: {  	s9 =	sor.u32 $0xD0000000, s2;
	s6 =	simm.s32 $0x108;
	_ =	swait.ge @!p0 [sflag:s8], $0x0  }
0x24: {  	s3 =	sadd.s32 $0x88, s3;
	s6 =	simm.s32 @!p1 $0x1082;
	[sflag:s4] =	ssyncset.s32 $0xFFFFF086  }
0x25: {  	[simem:s6], [sflag:s4] =	dma.local [hbm:s3], $0xF7A  }
0x26: {  	[smem:$0x3F95] =	sst s1;
	(tag) =	ssettag s2;
	_ =	strace s9  }
0x27: {  	s1 =	sld [smem:$0x3FA5]  }
0x28: {  	s2 =	sld [smem:$0x3FA6]  }
0x29: {  	s4 =	sld [smem:$0x3FA8]  }
0x2a: {  	p0 =	seq.s32 s5, $0x0;
	s5 =	sld [smem:$0x3FA9]  }
0x2b: {  	s6 =	sld [smem:$0x3FAA]  }
0x2c: {  	s7 =	sld [smem:$0x3FAB]  }
0x2d: {  	s3 =	simm.s32 $0x108;
	s8 =	sld [smem:$0x3FAC]  }
0x2e: {  	s3 =	simm.s32 @!p0 $0x1082;
	s9 =	sld [smem:$0x3FAD]  }
0x2f: {  	lr =	sadd.s32 s0, s3;
	s0 =	sld [smem:$0x3FA4]  }
0x30: {  	s3 =	sld [smem:$0x3FA7]  }
0x31: {  	[smem:$0x3FB0] =	sst s10  }
0x32: {  	s10 =	sld [smem:$0x3FAE];
	_ =	sdelay $0x3  }
0x33: {  	p0 =	seq.s32 s10, $0x1;
	s10 =	sld [smem:$0x3FB0];
	_ =	sdelay $0x3  }
0x34: {  	[smem:$0x3FB0] =	sst s10  }
0x35: {  	s10 =	sld [smem:$0x3FAF];
	_ =	sdelay $0x3  }
0x36: {  	p1 =	seq.s32 s10, $0x1;
	s10 =	sld [smem:$0x3FB0];
	_ =	sdelay $0x3  }
0x37: {  	[smem:$0x3FB0] =	sst s10  }
0x38: {  	s10 =	sld [smem:$0x3FB1]  }
0x39: {  	_ = 	snop;
	(pc) =	sbr.ind lr, $3  }
0x3a: {  	_ = 	snop  }
0x3b: {  	_ = 	snop  }
0x3c: {  	p2 =	seq.s32 s10, $0x1;
	s10 =	sld [smem:$0x3FB0]  }
0x3d: {  	_ =	shalt  }
0x3e: {  	_ =	shalt  }
0x3f: {  	_ =	shalt  }
0x40: {  	_ =	shalt  }
0x41: {  	_ =	shalt  }
0x42: {  	_ =	shalt  }
0x43: {  	_ =	shalt  }
0x44: {  	_ =	shalt  }
0x45: {  	_ =	shalt  }
0x46: {  	_ =	shalt  }
0x47: {  	_ =	shalt  }
0x48: {  	_ =	shalt  }
0x49: {  	_ =	shalt  }
0x4a: {  	_ =	shalt  }
0x4b: {  	_ =	shalt  }
0x4c: {  	_ =	shalt  }
0x4d: {  	_ =	shalt  }
0x4e: {  	_ =	shalt  }
0x4f: {  	_ =	shalt  }
0x50: {  	_ =	shalt  }
0x51: {  	_ =	shalt  }
0x52: {  	_ =	shalt  }
0x53: {  	_ =	shalt  }
0x54: {  	_ =	shalt  }
0x55: {  	_ =	shalt  }
0x56: {  	_ =	shalt  }
0x57: {  	_ =	shalt  }
0x58: {  	_ =	shalt  }
0x59: {  	_ =	shalt  }
0x5a: {  	_ =	shalt  }
0x5b: {  	_ =	shalt  }
0x5c: {  	_ =	shalt  }
0x5d: {  	_ =	shalt  }
0x5e: {  	_ =	shalt  }
0x5f: {  	_ =	shalt  }
0x60: {  	_ =	shalt  }
0x61: {  	_ =	shalt  }
0x62: {  	_ =	shalt  }
0x63: {  	_ =	shalt  }
0x64: {  	_ =	shalt  }
0x65: {  	_ =	shalt  }
0x66: {  	_ =	shalt  }
0x67: {  	_ =	shalt  }
0x68: {  	_ =	shalt  }
0x69: {  	_ =	shalt  }
0x6a: {  	_ =	shalt  }
0x6b: {  	_ =	shalt  }
0x6c: {  	_ =	shalt  }
0x6d: {  	_ =	shalt  }
0x6e: {  	_ =	shalt  }
0x6f: {  	_ =	shalt  }
0x70: {  	_ =	shalt  }
0x71: {  	_ =	shalt  }
0x72: {  	_ =	shalt  }
0x73: {  	_ =	shalt  }
0x74: {  	_ =	shalt  }
0x75: {  	_ =	shalt  }
0x76: {  	_ =	shalt  }
0x77: {  	_ =	shalt  }
0x78: {  	_ =	shalt  }
0x79: {  	_ =	shalt  }
0x7a: {  	_ =	shalt  }
0x7b: {  	_ =	shalt  }
0x7c: {  	_ =	shalt  }
0x7d: {  	_ =	shalt  }
0x7e: {  	_ =	shalt  }
0x7f: {  	_ =	shalt  }
0x80: {  	_ =	shalt  }
0x81: {  	_ =	shalt  }
0x82: {  	_ =	shalt  }
0x83: {  	_ =	shalt  }
0x84: {  	_ =	shalt  }
0x85: {  	_ =	shalt  }
0x86: {  	_ =	shalt  }
0x87: {  	_ =	shalt  }
.Lfunc_end0:
.L_simem_size_0:
called_computation.2_lowered:
.L_overlay_start_0:
0x88: {  	s2 =	sld [smem:$0x3FD9]  }
0x89: {  	s3 =	sld [smem:$0x3FFE];
	_ =	sdelay $0x1  }
0x8a: {  	s1 =	srdreg.scid  }
0x8b: {  	s0 =	sand.u32 $0x1, s1  }
0x8c: {  	s17 =	sshll.u32 s0, $0xA;
	s2 =	sadd.s32 s3, s2  }
0x8d: {  	s2 =	sadd.s32 s2, s17  }
0x8e: {  	[smem:$0x3FBC] =	sst s2  }
0x8f: {  	_ = 	snop  }
0x90: {  	s2 =	sld [smem:$0x3FD0];
	(tm) =	ssettm $0x1  }
0x91: {  	s18 =	sld [smem:$0x3FFB];
	_ =	sdelay $0x3  }
0x92: {  	_ =	strace s18  }
0x93: {  	s3 =	sld [smem:$0x3FFC];
	_ =	sdelay $0x3  }
0x94: {  	_ =	strace s3  }
0x95: {  	s3 =	sld [smem:$0x3FFD];
	_ =	sdelay $0x3  }
0x96: {  	_ =	strace s3  }
0x97: {  	_ =	strace $0x8FFFFFFF  }
0x98: {  	s19 =	sld [smem:$0x3FDB];
	_ =	sdelay $0x1  }
0x99: {  	s4 =	simm.s32 $_scs_section_size  }
0x9a: {  	s5 =	simm.s32 $_size__tile_overlayer_lowered;
	s6 =	simm.s32 $_tile_overlayer_lowered  }
0x9b: {  	s22 =	simm.s32 $0x1BFF;
	s21 =	sshll.u32 s6, $0x1;
	s3 =	sadd.s32 s4, s19  }
0x9c: {  	s7 =	simm.s32 $0x0;
	s20 =	sshll.u32 s5, $0x1;
	s5 =	sadd.s32 s21, s3  }
0x9d: {  	[timem:s7], [sflag:s22] =	dma.local [hbm:s5], s20  }
0x9e: {  	_ =	swait.ge [sflag:s22], s20  }
0x9f: {  	s4 =	ssub.s32 $0x0, s20;
	[sflag:s22] =	ssyncset.done $0x0  }
0xa0: {  	[sflag:s22] =	ssyncadd.s32 s4;
	_ =	sdelay $0x1  }
0xa1: {  	s23 =	simm.s32 $0x1B8B  }
0xa2: {  	_ =	swait.ge [sflag:s23], $0x1  }
0xa3: {  	[sflag:s23] =	ssyncset.done $0x0  }
0xa4: {  	s25 =	simm.s32 $0x1B8E;
	s24 =	sld [smem:$0x3FFE];
	[sflag:s23] =	ssyncadd.s32 $0xFFFFFFFF  }
0xa5: {  	s26 =	simm.s32 $execute0_lowered;
	[smem:$0x3FD2] =	sst s25  }
0xa6: {  	s5 =	sshll.u32 s26, $0x1;
	_ =	strace $0x8000004C;
	[dreg:$0x1] =	wrdreg $0xFFFFFFFF  }
0xa7: {  	s28 =	simm.s32 $_size_execute0_lowered;
	s3 =	sadd.s32 s3, s5;
	[dreg:$0x0] =	wrdreg $0x0  }
0xa8: {  	s5 =	sshll.u32 s28, $0x1;
	[dreg:$0x2] =	wrdreg s3  }
0xa9: {  	[dreg:$0x3] =	wrdreg s5  }
0xaa: {  	[dreg:$0x4] =	wrdreg $0xC0  }
0xab: {  	_ =	task [dreg:s7], $0x5FFFF  }
0xac: {  	[dreg:$0x1] =	wrdreg $0xFFFFFFFF  }
0xad: {  	[dreg:$0x0] =	wrdreg $0x60  }
0xae: {  	[dreg:$0x2] =	wrdreg s2  }
0xaf: {  	[dreg:$0x3] =	wrdreg s24  }
0xb0: {  	[dreg:$0x4] =	wrdreg $0xA8000  }
0xb1: {  	[dreg:$0x5] =	wrdreg $0x9  }
0xb2: {  	_ =	task.clear_ibuf [dreg:s7], $0x6FFFF;
	_ =	strace $0x9000004C  }
0xb3: {  	s29 =	simm.s32 $0x9;
	_ =	strace $0x8000004E  }
0xb4: {  	_ =	swait.ge [sflag:s29], $0x1  }
0xb5: {  	[sflag:s29] =	ssyncadd.s32 $0xFFFFFFFF  }
0xb6: {  	_ =	strace $0x9000004E  }
0xb7: {  	_ =	sfence  }
0xb8: {  	s30 =	sld [smem:$0x0];
	_ =	sdelay $0x2  }
0xb9: {  	s31 =	sshll.u32 s1, $0xD;
	s1 =	sshrl.u32 s1, $0x2  }
0xba: {  	s3 =	sand.u32 $0x4000, s31;
	s1 =	sadd.s32 s1, s30  }
0xbb: {  	s0 =	sor.u32 s3, s0;
	s1 =	sshll.u32 s1, $0x11  }
0xbc: {  	s0 =	sor.u32 s1, s0  }
0xbd: {  	s0 =	sadd.s32 $0x8F2B, s0  }
0xbe: {  	[sflag:s0] =	ssyncadd.remote.s32 $0x1  }
0xbf: {  	_ =	sfence.sel $0xFFFF  }
0xc0: {  	[dreg:$0x0] =	wrdreg $0xFFFFFFFF;
	(pc) =	sbr.abs _section_cstart, $3  }
0xc1: {  	[dreg:$0x1] =	wrdreg $0xFFFFFFFF  }
0xc2: {  	_ =	task.clear_ibuf [dreg:s7], $0x2FFFF;
	_ =	strace $0x9FFFFFFF  }
0xc3: {  	(tm) =	ssettm $0x7FFFFFFF  }
tec
execute0_lowered:
.L_overlay_start_1:
0x0: {  	(tag) =	ssettag $0x1  }
0x1: {  	s9 =	rddreg [dreg:$0x0]  }
0x2: {  	s5 =	rddreg [dreg:$0x1]  }
0x3: {  	s2 =	rddreg [dreg:$0x2]  }
0x4: {  	s0 =	rddreg [dreg:$0x3]  }
0x5: {  	s1 =	stileid.u32;
	s3 =	simm.s32 $0x0;
	s4 =	srdreg.scid  }
0x6: {  	s16 =	simm.s32 $0x80;
	s17 =	simm.s32 $0x2800;
	s18 =	simm.s32 $0x6800  }
0x7: {  	s19 =	simm.s32 $0x1;
	s20 =	simm.s32 $0x2;
	s21 =	simm.s32 $0x3  }
0x8: {  	s22 =	simm.s32 $0x4;
	s23 =	simm.s32 $0x2700;
	s24 =	simm.s32 $0x2780  }
0x9: {  	s25 =	simm.s32 $0x0;
	s6 =	smul.u32 $0x14000, s1;
	[smem:$0x7FF] =	sst s3  }
0xa: {  	s7 =	sand.u32 $0x1, s4;
	s11 =	sadd.s32 $0x3200, s5;
	s4 =	sadd.s32 $0x35200, s5  }
0xb: {  	s28 =	smul.u32 $0x50000, s1;
	s29 =	sshll.u32 s1, $0x6;
	_ =	strace $0x8000004D  }
0xc: {  	s10 =	smul.u32 $0x140000, s7;
	s12 =	sshll.u32 s7, $0x4;
	s7 =	ssub.s32 $0x2, s7  }
0xd: {  	s8 =	sshrl.u32 s6, $0x3;
	s12 =	sor.u32 s1, s12;
	s13 =	sshrl.u32 s7, $0x1  }
0xe: {  	s8 =	sadd.s32 s8, s5;
	s6 =	sadd.s32 s6, s10;
	s10 =	sshrl.u32 s28, $0x2  }
0xf: {  	s12 =	smul.u32 $0x2800, s12;
	s13 =	ssub.s32 s7, s13;
	s6 =	sshrl.u32 s6, $0x3  }
0x10: {  	s15 =	sadd.s32 s10, s2;
	s14 =	sadd.s32 s6, s5;
	s5 =	sadd.s32 $0xD200, s8  }
0x11: {  	s30 =	sshrl.u32 s12, $0x3;
	s6 =	sor.u32 $0x1C05, s29;
	s12 =	smax.u32 s13, $0x1  }
0x12: {  	s13 =	sshrl.u32 s15, $0x3;
	s15 =	simm.s32 $0x1400;
	s31 =	sadd.s32 $0x280, s30  }
0x13: {  	s7 =	sadd.s32 s9, s30;
	s8 =	sadd.s32 s11, s30;
	s9 =	sadd.s32 s9, s31  }
0x14: {  	s10 =	sadd.s32 s11, s31;
	s11 =	sadd.s32 $0x5D200, s14;
	s14 =	simm.s32 $0x5  }
.LBB2_1:
0x15: {  	[spmem:s13], [sflag:s6] =	dma.local [hbm:s5], $0x2800  }
0x16: {  	_ =	swait.ge [sflag:s14], $0x2800  }
0x17: {  	[sflag:s14] =	ssyncset.done $0x0  }
0x18: {  	[sflag:s14] =	ssyncadd.s32 $0xFFFFD800  }
0x19: {  	[bflag:$0x0] =	sbarrier.arrive $0xFFFF  }
0x1a: {  	[tilespmem:s3], [sflag:$0x5] =	stream.linear.gather [hbm4b:s7+s3], $0x1400, $0x38;
	[tilespmem:$0x1E800] =	vst v63  }
0x1b: {  	_ =	swait.ge [sflag:s14], $0x1400  }
0x1c: {  	[sflag:s14] =	ssyncset.done $0x0  }
0x1d: {  	[sflag:s14] =	ssyncadd.s32 $0xFFFFEC00  }
0x1e: {  	[tilespmem:s15], [sflag:$0x5] =	stream.linear.gather [hbm4b:s8+s3], $0x1400, $0x38;
	[tilespmem:$0x1E800] =	vst v63  }
0x1f: {  	_ =	swait.ge [sflag:s14], $0x1400  }
0x20: {  	[sflag:s14] =	ssyncset.done $0x0  }
0x21: {  	[sflag:s14] =	ssyncadd.s32 $0xFFFFEC00  }
0x22: {  	[tilespmem:s17], [sflag:$0x1] =	stream.indirect.gather [hbm4b:s4+s16], $0x80, s3, s16, $0xb8;
	[tilespmem:$0x1E800] =	vst v63  }
0x23: {  	_ = 	snop  }
0x24: {  	[tilespmem:s18], [sflag:$0x2] =	stream.indirect.gather [hbm4b:s4+s16], $0x80, s16, s16, $0xb8;
	[tilespmem:$0x1E800] =	vst v63  }
0x25: {  	_ =	swait.ge [sflag:s19], $0x4000  }
0x26: {  	[sflag:s19] =	ssyncset.done $0x0  }
0x27: {  	s26 =	simm.s32 $0x1400;
	[sflag:s19] =	ssyncadd.s32 $0xFFFFC000  }
0x28: {  	[spmem:s2] =	stream.indirect.scatter.add.f32 [tilespmem:s17], [sflag:$0x3], $0x80, s26, s16, $0xb8;
	[tilespmem:$0x1E800] =	vst v63  }
0x29: {  	_ =	swait.ge [sflag:s20], $0x4000  }
0x2a: {  	[sflag:s20] =	ssyncset.done $0x0  }
0x2b: {  	s30 =	simm.s32 $0x1480;
	[sflag:s20] =	ssyncadd.s32 $0xFFFFC000  }
0x2c: {  	[spmem:s2] =	stream.indirect.scatter.add.f32 [tilespmem:s18], [sflag:$0x4], $0x80, s30, s16, $0xb8;
	[tilespmem:$0x1E800] =	vst v63  }
0x2d: {  	_ =	swait.ge [sflag:s21], $0x4000  }
0x2e: {  	[sflag:s21] =	ssyncset.done $0x0  }
0x2f: {  	s31 =	simm.s32 $0x100;
	[sflag:s21] =	ssyncadd.s32 $0xFFFFC000  }
0x30: {  	[tilespmem:s17], [sflag:$0x1] =	stream.indirect.gather [hbm4b:s4+s16], $0x80, s31, s16, $0xb8;
	[tilespmem:$0x1E800] =	vst v63  }
0x31: {  	_ =	swait.ge [sflag:s22], $0x4000  }
0x32: {  	[sflag:s22] =	ssyncset.done $0x0  }
0x33: {  	s28 =	simm.s32 $0x180;
	s26 =	simm.s32 $0x400;
	[sflag:s22] =	ssyncadd.s32 $0xFFFFC000  }
.LBB2_2:
0x34: {  	[tilespmem:s18], [sflag:$0x2] =	stream.indirect.gather [hbm4b:s4+s16], $0x80, s28, s16, $0xb8;
	[tilespmem:$0x1E800] =	vst v63  }
0x35: {  	s28 =	smov.u32 s26  }
0x36: {  	p0 =	sne.s32 s26, $0x4800;
	s26 =	sadd.s32 $0x400, s26;
	_ =	swait.ge [sflag:s19], $0x4000  }
0x37: {  	s28 =	sshra.s32 s28, $0x2;
	[sflag:s19] =	ssyncset.done $0x0  }
0x38: {  	s29 =	sadd.s32 $0x1400, s28;
	[sflag:s19] =	ssyncadd.s32 $0xFFFFC000  }
0x39: {  	[spmem:s2] =	stream.indirect.scatter.add.f32 [tilespmem:s17], [sflag:$0x3], $0x80, s29, s16, $0xb8;
	[tilespmem:$0x1E800] =	vst v63  }
0x3a: {  	_ =	swait.ge [sflag:s20], $0x4000  }
0x3b: {  	[sflag:s20] =	ssyncset.done $0x0  }
0x3c: {  	s29 =	sadd.s32 $0x1480, s28;
	[sflag:s20] =	ssyncadd.s32 $0xFFFFC000  }
0x3d: {  	[spmem:s2] =	stream.indirect.scatter.add.f32 [tilespmem:s18], [sflag:$0x4], $0x80, s29, s16, $0xb8;
	[tilespmem:$0x1E800] =	vst v63  }
0x3e: {  	_ =	swait.ge [sflag:s21], $0x4000  }
0x3f: {  	[sflag:s21] =	ssyncset.done $0x0  }
.Ltmp0:
0x40: {  	s29 =	sadd.s32 $0x100, s28;
	[sflag:s21] =	ssyncadd.s32 $0xFFFFC000;
	(pc) =	sbr.rel @p0 .LBB2_2-.Ltmp0, $4  }
0x41: {  	[tilespmem:s17], [sflag:$0x1] =	stream.indirect.gather [hbm4b:s4+s16], $0x80, s29, s16, $0xb8;
	[tilespmem:$0x1E800] =	vst v63  }
0x42: {  	_ =	swait.ge [sflag:s22], $0x4000  }
0x43: {  	[sflag:s22] =	ssyncset.done $0x0  }
0x44: {  	s28 =	sadd.s32 $0x180, s28;
	[sflag:s22] =	ssyncadd.s32 $0xFFFFC000  }
0x45: {  	[tilespmem:s18], [sflag:$0x2] =	stream.indirect.gather [hbm4b:s4+s16], $0x80, s28, s16, $0xb8;
	[tilespmem:$0x1E800] =	vst v63  }
0x46: {  	_ =	swait.ge [sflag:s19], $0x4000  }
0x47: {  	[sflag:s19] =	ssyncset.done $0x0  }
0x48: {  	[sflag:s19] =	ssyncadd.s32 $0xFFFFC000  }
0x49: {  	[spmem:s2] =	stream.indirect.scatter.add.f32 [tilespmem:s17], [sflag:$0x3], $0x80, s23, s16, $0xb8;
	[tilespmem:$0x1E800] =	vst v63  }
0x4a: {  	_ =	swait.ge [sflag:s20], $0x4000  }
0x4b: {  	[sflag:s20] =	ssyncset.done $0x0  }
0x4c: {  	[sflag:s20] =	ssyncadd.s32 $0xFFFFC000  }
0x4d: {  	[spmem:s2] =	stream.indirect.scatter.add.f32 [tilespmem:s18], [sflag:$0x4], $0x80, s24, s16, $0xb8;
	[tilespmem:$0x1E800] =	vst v63  }
0x4e: {  	_ =	swait.ge [sflag:s21], $0x4000  }
0x4f: {  	[sflag:s21] =	ssyncset.done $0x0  }
0x50: {  	[sflag:s21] =	ssyncadd.s32 $0xFFFFC000  }
0x51: {  	_ =	swait.ge [sflag:s22], $0x4000  }
0x52: {  	[sflag:s22] =	ssyncset.done $0x0  }
0x53: {  	s26 =	simm.s32 $0x0;
	[sflag:s22] =	ssyncadd.s32 $0xFFFFC000  }
0x54: {  	[tilespmem:s26], [sflag:$0x5] =	stream.linear.gather [hbm4b:s9+s26], $0x1400, $0x38;
	[tilespmem:$0x1E800] =	vst v63  }
0x55: {  	_ =	swait.ge [sflag:s14], $0x1400  }
0x56: {  	[sflag:s14] =	ssyncset.done $0x0  }
0x57: {  	[sflag:s14] =	ssyncadd.s32 $0xFFFFEC00  }
0x58: {  	[tilespmem:s15], [sflag:$0x5] =	stream.linear.gather [hbm4b:s10+s26], $0x1400, $0x38;
	[tilespmem:$0x1E800] =	vst v63  }
0x59: {  	_ =	swait.ge [sflag:s14], $0x1400  }
0x5a: {  	[sflag:s14] =	ssyncset.done $0x0  }
0x5b: {  	[sflag:s14] =	ssyncadd.s32 $0xFFFFEC00  }
0x5c: {  	[tilespmem:s17], [sflag:$0x1] =	stream.indirect.gather [hbm4b:s4+s16], $0x80, s26, s16, $0xb8;
	[tilespmem:$0x1E800] =	vst v63  }
0x5d: {  	_ = 	snop  }
0x5e: {  	[tilespmem:s18], [sflag:$0x2] =	stream.indirect.gather [hbm4b:s4+s16], $0x80, s16, s16, $0xb8;
	[tilespmem:$0x1E800] =	vst v63  }
0x5f: {  	_ =	swait.ge [sflag:s19], $0x4000  }
0x60: {  	[sflag:s19] =	ssyncset.done $0x0  }
0x61: {  	s29 =	simm.s32 $0x1400;
	[sflag:s19] =	ssyncadd.s32 $0xFFFFC000  }
0x62: {  	[spmem:s2] =	stream.indirect.scatter.add.f32 [tilespmem:s17], [sflag:$0x3], $0x80, s29, s16, $0xb8;
	[tilespmem:$0x1E800] =	vst v63  }
0x63: {  	_ =	swait.ge [sflag:s20], $0x4000  }
0x64: {  	[sflag:s20] =	ssyncset.done $0x0  }
0x65: {  	s30 =	simm.s32 $0x1480;
	[sflag:s20] =	ssyncadd.s32 $0xFFFFC000  }
0x66: {  	[spmem:s2] =	stream.indirect.scatter.add.f32 [tilespmem:s18], [sflag:$0x4], $0x80, s30, s16, $0xb8;
	[tilespmem:$0x1E800] =	vst v63  }
0x67: {  	_ =	swait.ge [sflag:s21], $0x4000  }
0x68: {  	[sflag:s21] =	ssyncset.done $0x0  }
0x69: {  	s31 =	simm.s32 $0x100;
	[sflag:s21] =	ssyncadd.s32 $0xFFFFC000  }
0x6a: {  	[tilespmem:s17], [sflag:$0x1] =	stream.indirect.gather [hbm4b:s4+s16], $0x80, s31, s16, $0xb8;
	[tilespmem:$0x1E800] =	vst v63  }
0x6b: {  	_ =	swait.ge [sflag:s22], $0x4000  }
0x6c: {  	[sflag:s22] =	ssyncset.done $0x0  }
0x6d: {  	s28 =	simm.s32 $0x180;
	s26 =	simm.s32 $0x400;
	[sflag:s22] =	ssyncadd.s32 $0xFFFFC000  }
.LBB2_4:
0x6e: {  	[tilespmem:s18], [sflag:$0x2] =	stream.indirect.gather [hbm4b:s4+s16], $0x80, s28, s16, $0xb8;
	[tilespmem:$0x1E800] =	vst v63  }
0x6f: {  	s28 =	smov.u32 s26  }
0x70: {  	p0 =	sne.s32 s26, $0x4800;
	s26 =	sadd.s32 $0x400, s26;
	_ =	swait.ge [sflag:s19], $0x4000  }
0x71: {  	s28 =	sshra.s32 s28, $0x2;
	[sflag:s19] =	ssyncset.done $0x0  }
0x72: {  	s29 =	sadd.s32 $0x1400, s28;
	[sflag:s19] =	ssyncadd.s32 $0xFFFFC000  }
0x73: {  	[spmem:s2] =	stream.indirect.scatter.add.f32 [tilespmem:s17], [sflag:$0x3], $0x80, s29, s16, $0xb8;
	[tilespmem:$0x1E800] =	vst v63  }
0x74: {  	_ =	swait.ge [sflag:s20], $0x4000  }
0x75: {  	[sflag:s20] =	ssyncset.done $0x0  }
0x76: {  	s29 =	sadd.s32 $0x1480, s28;
	[sflag:s20] =	ssyncadd.s32 $0xFFFFC000  }
0x77: {  	[spmem:s2] =	stream.indirect.scatter.add.f32 [tilespmem:s18], [sflag:$0x4], $0x80, s29, s16, $0xb8;
	[tilespmem:$0x1E800] =	vst v63  }
0x78: {  	_ =	swait.ge [sflag:s21], $0x4000  }
0x79: {  	[sflag:s21] =	ssyncset.done $0x0  }
.Ltmp1:
0x7a: {  	s29 =	sadd.s32 $0x100, s28;
	[sflag:s21] =	ssyncadd.s32 $0xFFFFC000;
	(pc) =	sbr.rel @p0 .LBB2_4-.Ltmp1, $4  }
0x7b: {  	[tilespmem:s17], [sflag:$0x1] =	stream.indirect.gather [hbm4b:s4+s16], $0x80, s29, s16, $0xb8;
	[tilespmem:$0x1E800] =	vst v63  }
0x7c: {  	_ =	swait.ge [sflag:s22], $0x4000  }
0x7d: {  	[sflag:s22] =	ssyncset.done $0x0  }
0x7e: {  	s28 =	sadd.s32 $0x180, s28;
	[sflag:s22] =	ssyncadd.s32 $0xFFFFC000  }
0x7f: {  	[tilespmem:s18], [sflag:$0x2] =	stream.indirect.gather [hbm4b:s4+s16], $0x80, s28, s16, $0xb8;
	[tilespmem:$0x1E800] =	vst v63  }
0x80: {  	_ =	swait.ge [sflag:s19], $0x4000  }
0x81: {  	[sflag:s19] =	ssyncset.done $0x0  }
0x82: {  	[sflag:s19] =	ssyncadd.s32 $0xFFFFC000  }
0x83: {  	[spmem:s2] =	stream.indirect.scatter.add.f32 [tilespmem:s17], [sflag:$0x3], $0x80, s23, s16, $0xb8;
	[tilespmem:$0x1E800] =	vst v63  }
0x84: {  	_ =	swait.ge [sflag:s20], $0x4000  }
0x85: {  	[sflag:s20] =	ssyncset.done $0x0  }
0x86: {  	[sflag:s20] =	ssyncadd.s32 $0xFFFFC000  }
0x87: {  	[spmem:s2] =	stream.indirect.scatter.add.f32 [tilespmem:s18], [sflag:$0x4], $0x80, s24, s16, $0xb8;
	[tilespmem:$0x1E800] =	vst v63  }
0x88: {  	_ =	swait.ge [sflag:s21], $0x4000  }
0x89: {  	[sflag:s21] =	ssyncset.done $0x0  }
0x8a: {  	[sflag:s21] =	ssyncadd.s32 $0xFFFFC000  }
0x8b: {  	_ =	swait.ge [sflag:s22], $0x4000  }
0x8c: {  	s25 =	sadd.s32 $0x1, s25;
	[sflag:s22] =	ssyncset.done $0x0  }
0x8d: {  	p0 =	sne.s32 s25, s12;
	[sflag:s22] =	ssyncadd.s32 $0xFFFFC000  }
.Ltmp2:
0x8e: {  	[bflag:$0x0] =	sbarrier.arrive $0xFFFF;
	(pc) =	sbr.rel @p0 .LBB2_1-.Ltmp2, $4  }
0x8f: {  	[hbm:s11], [sflag:s6] =	dma.local [spmem:s13], $0x2800  }
0x90: {  	_ =	swait.ge [sflag:s14], $0x2800  }
0x91: {  	[sflag:s14] =	ssyncset.done $0x0  }
0x92: {  	[sflag:s14] =	ssyncadd.s32 $0xFFFFD800  }
0x93: {  	_ =	sfence.sel $0x180000  }
0x94: {  	[bflag:$0x0] =	sbarrier.arrive $0xFFFF  }
0x95: {  	p0 =	sne.s32 s1, $0x0;
	_ =	strace $0x9000004D  }
0x96: {  	s0 =	sadd.s32 @!p0 $0x100000, s0;
	[bflag:$0x2] =	sbarrier.arrive $0xFFFF  }
0x97: {  	[sflag:s0] =	ssyncadd.tile.s32 @!p0 $0x1;
	_ =	shalt  }
.Lfunc_end2:
_tile_overlayer_lowered:
.L_overlay_start_2:
0x98: {  	(tag) =	ssettag $0x2  }
0x99: {  	s0 =	rddreg [dreg:$0x0];
	s2 =	stileid.u32  }
0x9a: {  	s1 =	rddreg [dreg:$0x1];
	p0 =	sne.s32 s2, $0x0  }
0x9b: {  	s3 =	rddreg [dreg:$0x2];
	[bflag:$0x3] =	sbarrier.arrive $0xFFFF;
	s2 =	simm.s32 @!p0 $0x1C05  }
0x9c: {  	[timem:s3], [sflag:s2] =	dma.local @!p0 [hbm:s0], s1  }
0x9d: {  	s0 =	simm.s32 @!p0 $0x5  }
0x9e: {  	_ =	swait.ge @!p0 [sflag:s0], s1  }
0x9f: {  	s1 =	ssub.s32 @!p0 $0x0, s1;
	[sflag:s0] =	ssyncset.done @!p0 $0x0  }
0xa0: {  	[sflag:s0] =	ssyncadd.s32 @!p0 s1  }
0xa1: {  	[bflag:$0x3] =	sbarrier.arrive $0xFFFF  }
0xa2: {  	_ =	shalt  }

// kernel: kernel.19.cloned.1.call-start
scs
__scs_entry_jumppad:
0x0: {  	(pc) =	sbr.rel $0x88, $3  }
0x1: {  	(tag) =	ssettag $0x0;
	lr =	simm.s32 $0x1  }
0x2: {  	[smem:$0x3F95] =	sst lr;
	_ =	strace $0xD0000000  }
0x3: {  	_ = 	snop  }
0x4: {  	_ = 	snop  }
0x5: {  	_ = 	snop  }
0x6: {  	_ = 	snop  }
0x7: {  	_ = 	snop  }
__scs_overlays_trampoline_lowered:
0x8: {  	[smem:$0x3FA4] =	sst s0  }
0x9: {  	[smem:$0x3FA5] =	sst s1  }
0xa: {  	[smem:$0x3FA6] =	sst s2  }
0xb: {  	[smem:$0x3FA7] =	sst s3  }
0xc: {  	[smem:$0x3FA8] =	sst s4  }
0xd: {  	[smem:$0x3FA9] =	sst s5  }
0xe: {  	[smem:$0x3FAA] =	sst s6  }
0xf: {  	[smem:$0x3FAB] =	sst s7  }
0x10: {  	[smem:$0x3FAC] =	sst s8  }
0x11: {  	[smem:$0x3FAD] =	sst s9;
	s0 =	simm.s32 @!p0 $0x0  }
0x12: {  	s1 =	sld [smem:$0x3F93];
	s0 =	simm.s32 @p0 $0x1  }
0x13: {  	[smem:$0x3FAE] =	sst s0;
	s0 =	simm.s32 @!p1 $0x0  }
0x14: {  	s2 =	sld [smem:$0x3F92];
	s0 =	simm.s32 @p1 $0x1  }
0x15: {  	[smem:$0x3FAF] =	sst s0;
	s0 =	simm.s32 @!p2 $0x0  }
0x16: {  	s3 =	sld [smem:$0x3FDB];
	s0 =	simm.s32 @p2 $0x1  }
0x17: {  	s4 =	simm.s32 $0x1BF5;
	[smem:$0x3FB1] =	sst s0  }
0x18: {  	s0 =	sld [smem:$0x3F94];
	_ =	swait.ge [sflag:s4], $0x0  }
0x19: {  	s7 =	sld [smem:$0x3F95]  }
0x1a: {  	s8 =	sadd.s32 $0xFFFFE003, lr  }
0x1b: {  	s9 =	sadd.s32 $0xFFFFFEF7, lr;
	s5 =	simm.s32 $0xFFFFFFFF;
	p2 =	slt.u32 s8, $0xFFFFF086  }
0x1c: {  	p1 =	slt.u32 s9, $0xF7A;
	s5 =	simm.s32 @!p2 $0x0  }
0x1d: {  	s5 =	simm.s32 @p1 $0x1;
	p0 =	seq.s32 s7, s2  }
0x1e: {  	s7 =	smul.u32 @!p0 $0xF7A, s2;
	p2 =	seq.s32 @!p0 s5, $0x0  }
0x1f: {  	s9 =	smul.u32 $0xF7A, s1;
	s8 =	simm.s32 @!p0 $0x1BF5;
	p2 =	por !p2, p0  }
0x20: {  	[sflag:s8] =	ssyncset.s32 @!p0 $0xFFFFF086;
	s6 =	sadd.s32 @!p0 s3, s7;
	s7 =	simm.s32 @!p0 $0x108  }
0x21: {  	s3 =	sadd.s32 s3, s9;
	s6 =	sadd.s32 @!p0 $0x88, s6;
	s7 =	simm.s32 @p2 $0x1082  }
0x22: {  	[simem:s7], [sflag:s8] =	dma.local @!p0 [hbm:s6], $0xF7A  }
0x23: {  	s9 =	sor.u32 $0xD0000000, s2;
	s6 =	simm.s32 $0x108;
	_ =	swait.ge @!p0 [sflag:s8], $0x0  }
0x24: {  	s3 =	sadd.s32 $0x88, s3;
	s6 =	simm.s32 @!p1 $0x1082;
	[sflag:s4] =	ssyncset.s32 $0xFFFFF086  }
0x25: {  	[simem:s6], [sflag:s4] =	dma.local [hbm:s3], $0xF7A  }
0x26: {  	[smem:$0x3F95] =	sst s1;
	(tag) =	ssettag s2;
	_ =	strace s9  }
0x27: {  	s1 =	sld [smem:$0x3FA5]  }
0x28: {  	s2 =	sld [smem:$0x3FA6]  }
0x29: {  	s4 =	sld [smem:$0x3FA8]  }
0x2a: {  	p0 =	seq.s32 s5, $0x0;
	s5 =	sld [smem:$0x3FA9]  }
0x2b: {  	s6 =	sld [smem:$0x3FAA]  }
0x2c: {  	s7 =	sld [smem:$0x3FAB]  }
0x2d: {  	s3 =	simm.s32 $0x108;
	s8 =	sld [smem:$0x3FAC]  }
0x2e: {  	s3 =	simm.s32 @!p0 $0x1082;
	s9 =	sld [smem:$0x3FAD]  }
0x2f: {  	lr =	sadd.s32 s0, s3;
	s0 =	sld [smem:$0x3FA4]  }
0x30: {  	s3 =	sld [smem:$0x3FA7]  }
0x31: {  	[smem:$0x3FB0] =	sst s10  }
0x32: {  	s10 =	sld [smem:$0x3FAE];
	_ =	sdelay $0x3  }
0x33: {  	p0 =	seq.s32 s10, $0x1;
	s10 =	sld [smem:$0x3FB0];
	_ =	sdelay $0x3  }
0x34: {  	[smem:$0x3FB0] =	sst s10  }
0x35: {  	s10 =	sld [smem:$0x3FAF];
	_ =	sdelay $0x3  }
0x36: {  	p1 =	seq.s32 s10, $0x1;
	s10 =	sld [smem:$0x3FB0];
	_ =	sdelay $0x3  }
0x37: {  	[smem:$0x3FB0] =	sst s10  }
0x38: {  	s10 =	sld [smem:$0x3FB1]  }
0x39: {  	_ = 	snop;
	(pc) =	sbr.ind lr, $3  }
0x3a: {  	_ = 	snop  }
0x3b: {  	_ = 	snop  }
0x3c: {  	p2 =	seq.s32 s10, $0x1;
	s10 =	sld [smem:$0x3FB0]  }
0x3d: {  	_ =	shalt  }
0x3e: {  	_ =	shalt  }
0x3f: {  	_ =	shalt  }
0x40: {  	_ =	shalt  }
0x41: {  	_ =	shalt  }
0x42: {  	_ =	shalt  }
0x43: {  	_ =	shalt  }
0x44: {  	_ =	shalt  }
0x45: {  	_ =	shalt  }
0x46: {  	_ =	shalt  }
0x47: {  	_ =	shalt  }
0x48: {  	_ =	shalt  }
0x49: {  	_ =	shalt  }
0x4a: {  	_ =	shalt  }
0x4b: {  	_ =	shalt  }
0x4c: {  	_ =	shalt  }
0x4d: {  	_ =	shalt  }
0x4e: {  	_ =	shalt  }
0x4f: {  	_ =	shalt  }
0x50: {  	_ =	shalt  }
0x51: {  	_ =	shalt  }
0x52: {  	_ =	shalt  }
0x53: {  	_ =	shalt  }
0x54: {  	_ =	shalt  }
0x55: {  	_ =	shalt  }
0x56: {  	_ =	shalt  }
0x57: {  	_ =	shalt  }
0x58: {  	_ =	shalt  }
0x59: {  	_ =	shalt  }
0x5a: {  	_ =	shalt  }
0x5b: {  	_ =	shalt  }
0x5c: {  	_ =	shalt  }
0x5d: {  	_ =	shalt  }
0x5e: {  	_ =	shalt  }
0x5f: {  	_ =	shalt  }
0x60: {  	_ =	shalt  }
0x61: {  	_ =	shalt  }
0x62: {  	_ =	shalt  }
0x63: {  	_ =	shalt  }
0x64: {  	_ =	shalt  }
0x65: {  	_ =	shalt  }
0x66: {  	_ =	shalt  }
0x67: {  	_ =	shalt  }
0x68: {  	_ =	shalt  }
0x69: {  	_ =	shalt  }
0x6a: {  	_ =	shalt  }
0x6b: {  	_ =	shalt  }
0x6c: {  	_ =	shalt  }
0x6d: {  	_ =	shalt  }
0x6e: {  	_ =	shalt  }
0x6f: {  	_ =	shalt  }
0x70: {  	_ =	shalt  }
0x71: {  	_ =	shalt  }
0x72: {  	_ =	shalt  }
0x73: {  	_ =	shalt  }
0x74: {  	_ =	shalt  }
0x75: {  	_ =	shalt  }
0x76: {  	_ =	shalt  }
0x77: {  	_ =	shalt  }
0x78: {  	_ =	shalt  }
0x79: {  	_ =	shalt  }
0x7a: {  	_ =	shalt  }
0x7b: {  	_ =	shalt  }
0x7c: {  	_ =	shalt  }
0x7d: {  	_ =	shalt  }
0x7e: {  	_ =	shalt  }
0x7f: {  	_ =	shalt  }
0x80: {  	_ =	shalt  }
0x81: {  	_ =	shalt  }
0x82: {  	_ =	shalt  }
0x83: {  	_ =	shalt  }
0x84: {  	_ =	shalt  }
0x85: {  	_ =	shalt  }
0x86: {  	_ =	shalt  }
0x87: {  	_ =	shalt  }
.Lfunc_end0:
.L_simem_size_0:
called_computation.3_lowered:
.L_overlay_start_0:
0x88: {  	s2 =	sld [smem:$0x3FD9]  }
0x89: {  	s3 =	sld [smem:$0x3FFE];
	_ =	sdelay $0x1  }
0x8a: {  	s1 =	srdreg.scid  }
0x8b: {  	s0 =	sand.u32 $0x1, s1  }
0x8c: {  	s17 =	sshll.u32 s0, $0xA;
	s2 =	sadd.s32 s3, s2  }
0x8d: {  	s2 =	sadd.s32 s2, s17  }
0x8e: {  	[smem:$0x3FBC] =	sst s2  }
0x8f: {  	_ = 	snop  }
0x90: {  	s2 =	sld [smem:$0x3FD0];
	(tm) =	ssettm $0x1  }
0x91: {  	s18 =	sld [smem:$0x3FFB];
	_ =	sdelay $0x3  }
0x92: {  	_ =	strace s18  }
0x93: {  	s3 =	sld [smem:$0x3FFC];
	_ =	sdelay $0x3  }
0x94: {  	_ =	strace s3  }
0x95: {  	s3 =	sld [smem:$0x3FFD];
	_ =	sdelay $0x3  }
0x96: {  	_ =	strace s3  }
0x97: {  	_ =	strace $0x8FFFFFFF  }
0x98: {  	s19 =	sld [smem:$0x3FDB];
	_ =	sdelay $0x1  }
0x99: {  	s4 =	simm.s32 $_scs_section_size  }
0x9a: {  	s5 =	simm.s32 $_size__tile_overlayer_lowered;
	s6 =	simm.s32 $_tile_overlayer_lowered  }
0x9b: {  	s22 =	simm.s32 $0x1BFF;
	s21 =	sshll.u32 s6, $0x1;
	s3 =	sadd.s32 s4, s19  }
0x9c: {  	s7 =	simm.s32 $0x0;
	s20 =	sshll.u32 s5, $0x1;
	s5 =	sadd.s32 s21, s3  }
0x9d: {  	[timem:s7], [sflag:s22] =	dma.local [hbm:s5], s20  }
0x9e: {  	_ =	swait.ge [sflag:s22], s20  }
0x9f: {  	s4 =	ssub.s32 $0x0, s20;
	[sflag:s22] =	ssyncset.done $0x0  }
0xa0: {  	[sflag:s22] =	ssyncadd.s32 s4;
	_ =	sdelay $0x1  }
0xa1: {  	s23 =	simm.s32 $0x1B8B  }
0xa2: {  	_ =	swait.ge [sflag:s23], $0x1  }
0xa3: {  	[sflag:s23] =	ssyncset.done $0x0  }
0xa4: {  	s25 =	simm.s32 $0x1B8E;
	s24 =	sld [smem:$0x3FFE];
	[sflag:s23] =	ssyncadd.s32 $0xFFFFFFFF  }
0xa5: {  	s26 =	simm.s32 $execute0_lowered;
	[smem:$0x3FD2] =	sst s25  }
0xa6: {  	s5 =	sshll.u32 s26, $0x1;
	_ =	strace $0x8000004F;
	[dreg:$0x1] =	wrdreg $0xFFFFFFFF  }
0xa7: {  	s28 =	simm.s32 $_size_execute0_lowered;
	s3 =	sadd.s32 s3, s5;
	[dreg:$0x0] =	wrdreg $0x0  }
0xa8: {  	s5 =	sshll.u32 s28, $0x1;
	[dreg:$0x2] =	wrdreg s3  }
0xa9: {  	[dreg:$0x3] =	wrdreg s5  }
0xaa: {  	[dreg:$0x4] =	wrdreg $0xC0  }
0xab: {  	_ =	task [dreg:s7], $0x5FFFF  }
0xac: {  	[dreg:$0x1] =	wrdreg $0xFFFFFFFF  }
0xad: {  	[dreg:$0x0] =	wrdreg $0x60  }
0xae: {  	[dreg:$0x2] =	wrdreg s2  }
0xaf: {  	[dreg:$0x3] =	wrdreg s24  }
0xb0: {  	[dreg:$0x4] =	wrdreg $0xA8000  }
0xb1: {  	[dreg:$0x5] =	wrdreg $0x9  }
0xb2: {  	_ =	task.clear_ibuf [dreg:s7], $0x6FFFF;
	_ =	strace $0x9000004F  }
0xb3: {  	s29 =	simm.s32 $0x9;
	_ =	strace $0x80000051  }
0xb4: {  	_ =	swait.ge [sflag:s29], $0x1  }
0xb5: {  	[sflag:s29] =	ssyncadd.s32 $0xFFFFFFFF  }
0xb6: {  	_ =	strace $0x90000051  }
0xb7: {  	_ =	sfence  }
0xb8: {  	s30 =	sld [smem:$0x0];
	_ =	sdelay $0x2  }
0xb9: {  	s31 =	sshll.u32 s1, $0xD;
	s1 =	sshrl.u32 s1, $0x2  }
0xba: {  	s3 =	sand.u32 $0x4000, s31;
	s1 =	sadd.s32 s1, s30  }
0xbb: {  	s0 =	sor.u32 s3, s0;
	s1 =	sshll.u32 s1, $0x11  }
0xbc: {  	s0 =	sor.u32 s1, s0  }
0xbd: {  	s0 =	sadd.s32 $0x8F2B, s0  }
0xbe: {  	[sflag:s0] =	ssyncadd.remote.s32 $0x1  }
0xbf: {  	_ =	sfence.sel $0xFFFF  }
0xc0: {  	[dreg:$0x0] =	wrdreg $0xFFFFFFFF;
	(pc) =	sbr.abs _section_cstart, $3  }
0xc1: {  	[dreg:$0x1] =	wrdreg $0xFFFFFFFF  }
0xc2: {  	_ =	task.clear_ibuf [dreg:s7], $0x2FFFF;
	_ =	strace $0x9FFFFFFF  }
0xc3: {  	(tm) =	ssettm $0x7FFFFFFF  }
tec
execute0_lowered:
.L_overlay_start_1:
0x0: {  	(tag) =	ssettag $0x1  }
0x1: {  	s9 =	rddreg [dreg:$0x0]  }
0x2: {  	s5 =	rddreg [dreg:$0x1]  }
0x3: {  	s2 =	rddreg [dreg:$0x2]  }
0x4: {  	s0 =	rddreg [dreg:$0x3]  }
0x5: {  	s1 =	stileid.u32;
	s3 =	simm.s32 $0x0;
	s4 =	srdreg.scid  }
0x6: {  	s16 =	simm.s32 $0x80;
	s17 =	simm.s32 $0x2800;
	s18 =	simm.s32 $0x6800  }
0x7: {  	s19 =	simm.s32 $0x1;
	s20 =	simm.s32 $0x2;
	s21 =	simm.s32 $0x3  }
0x8: {  	s22 =	simm.s32 $0x4;
	s23 =	simm.s32 $0x2700;
	s24 =	simm.s32 $0x2780  }
0x9: {  	s25 =	simm.s32 $0x0;
	s6 =	smul.u32 $0x14000, s1;
	[smem:$0x7FF] =	sst s3  }
0xa: {  	s7 =	sand.u32 $0x1, s4;
	s11 =	sadd.s32 $0x3200, s5;
	s4 =	sadd.s32 $0x35200, s5  }
0xb: {  	s28 =	smul.u32 $0x50000, s1;
	s29 =	sshll.u32 s1, $0x6;
	_ =	strace $0x80000050  }
0xc: {  	s10 =	smul.u32 $0x140000, s7;
	s12 =	sshll.u32 s7, $0x4;
	s7 =	ssub.s32 $0x2, s7  }
0xd: {  	s8 =	sshrl.u32 s6, $0x3;
	s12 =	sor.u32 s1, s12;
	s13 =	sshrl.u32 s7, $0x1  }
0xe: {  	s8 =	sadd.s32 s8, s5;
	s6 =	sadd.s32 s6, s10;
	s10 =	sshrl.u32 s28, $0x2  }
0xf: {  	s12 =	smul.u32 $0x2800, s12;
	s13 =	ssub.s32 s7, s13;
	s6 =	sshrl.u32 s6, $0x3  }
0x10: {  	s15 =	sadd.s32 s10, s2;
	s14 =	sadd.s32 s6, s5;
	s5 =	sadd.s32 $0xD200, s8  }
0x11: {  	s30 =	sshrl.u32 s12, $0x3;
	s6 =	sor.u32 $0x1C05, s29;
	s12 =	smax.u32 s13, $0x1  }
0x12: {  	s13 =	sshrl.u32 s15, $0x3;
	s15 =	simm.s32 $0x1400;
	s31 =	sadd.s32 $0x280, s30  }
0x13: {  	s7 =	sadd.s32 s9, s30;
	s8 =	sadd.s32 s11, s30;
	s9 =	sadd.s32 s9, s31  }
0x14: {  	s10 =	sadd.s32 s11, s31;
	s11 =	sadd.s32 $0x5D200, s14;
	s14 =	simm.s32 $0x5  }
.LBB2_1:
0x15: {  	[spmem:s13], [sflag:s6] =	dma.local [hbm:s5], $0x2800  }
0x16: {  	_ =	swait.ge [sflag:s14], $0x2800  }
0x17: {  	[sflag:s14] =	ssyncset.done $0x0  }
0x18: {  	[sflag:s14] =	ssyncadd.s32 $0xFFFFD800  }
0x19: {  	[bflag:$0x0] =	sbarrier.arrive $0xFFFF  }
0x1a: {  	[tilespmem:s3], [sflag:$0x5] =	stream.linear.gather [hbm4b:s7+s3], $0x1400, $0x38;
	[tilespmem:$0x1E800] =	vst v63  }
0x1b: {  	_ =	swait.ge [sflag:s14], $0x1400  }
0x1c: {  	[sflag:s14] =	ssyncset.done $0x0  }
0x1d: {  	[sflag:s14] =	ssyncadd.s32 $0xFFFFEC00  }
0x1e: {  	[tilespmem:s15], [sflag:$0x5] =	stream.linear.gather [hbm4b:s8+s3], $0x1400, $0x38;
	[tilespmem:$0x1E800] =	vst v63  }
0x1f: {  	_ =	swait.ge [sflag:s14], $0x1400  }
0x20: {  	[sflag:s14] =	ssyncset.done $0x0  }
0x21: {  	[sflag:s14] =	ssyncadd.s32 $0xFFFFEC00  }
0x22: {  	[tilespmem:s17], [sflag:$0x1] =	stream.indirect.gather [hbm4b:s4+s16], $0x80, s3, s16, $0xb8;
	[tilespmem:$0x1E800] =	vst v63  }
0x23: {  	_ = 	snop  }
0x24: {  	[tilespmem:s18], [sflag:$0x2] =	stream.indirect.gather [hbm4b:s4+s16], $0x80, s16, s16, $0xb8;
	[tilespmem:$0x1E800] =	vst v63  }
0x25: {  	_ =	swait.ge [sflag:s19], $0x4000  }
0x26: {  	[sflag:s19] =	ssyncset.done $0x0  }
0x27: {  	s26 =	simm.s32 $0x1400;
	[sflag:s19] =	ssyncadd.s32 $0xFFFFC000  }
0x28: {  	[spmem:s2] =	stream.indirect.scatter.add.f32 [tilespmem:s17], [sflag:$0x3], $0x80, s26, s16, $0xb8;
	[tilespmem:$0x1E800] =	vst v63  }
0x29: {  	_ =	swait.ge [sflag:s20], $0x4000  }
0x2a: {  	[sflag:s20] =	ssyncset.done $0x0  }
0x2b: {  	s30 =	simm.s32 $0x1480;
	[sflag:s20] =	ssyncadd.s32 $0xFFFFC000  }
0x2c: {  	[spmem:s2] =	stream.indirect.scatter.add.f32 [tilespmem:s18], [sflag:$0x4], $0x80, s30, s16, $0xb8;
	[tilespmem:$0x1E800] =	vst v63  }
0x2d: {  	_ =	swait.ge [sflag:s21], $0x4000  }
0x2e: {  	[sflag:s21] =	ssyncset.done $0x0  }
0x2f: {  	s31 =	simm.s32 $0x100;
	[sflag:s21] =	ssyncadd.s32 $0xFFFFC000  }
0x30: {  	[tilespmem:s17], [sflag:$0x1] =	stream.indirect.gather [hbm4b:s4+s16], $0x80, s31, s16, $0xb8;
	[tilespmem:$0x1E800] =	vst v63  }
0x31: {  	_ =	swait.ge [sflag:s22], $0x4000  }
0x32: {  	[sflag:s22] =	ssyncset.done $0x0  }
0x33: {  	s28 =	simm.s32 $0x180;
	s26 =	simm.s32 $0x400;
	[sflag:s22] =	ssyncadd.s32 $0xFFFFC000  }
.LBB2_2:
0x34: {  	[tilespmem:s18], [sflag:$0x2] =	stream.indirect.gather [hbm4b:s4+s16], $0x80, s28, s16, $0xb8;
	[tilespmem:$0x1E800] =	vst v63  }
0x35: {  	s28 =	smov.u32 s26  }
0x36: {  	p0 =	sne.s32 s26, $0x4800;
	s26 =	sadd.s32 $0x400, s26;
	_ =	swait.ge [sflag:s19], $0x4000  }
0x37: {  	s28 =	sshra.s32 s28, $0x2;
	[sflag:s19] =	ssyncset.done $0x0  }
0x38: {  	s29 =	sadd.s32 $0x1400, s28;
	[sflag:s19] =	ssyncadd.s32 $0xFFFFC000  }
0x39: {  	[spmem:s2] =	stream.indirect.scatter.add.f32 [tilespmem:s17], [sflag:$0x3], $0x80, s29, s16, $0xb8;
	[tilespmem:$0x1E800] =	vst v63  }
0x3a: {  	_ =	swait.ge [sflag:s20], $0x4000  }
0x3b: {  	[sflag:s20] =	ssyncset.done $0x0  }
0x3c: {  	s29 =	sadd.s32 $0x1480, s28;
	[sflag:s20] =	ssyncadd.s32 $0xFFFFC000  }
0x3d: {  	[spmem:s2] =	stream.indirect.scatter.add.f32 [tilespmem:s18], [sflag:$0x4], $0x80, s29, s16, $0xb8;
	[tilespmem:$0x1E800] =	vst v63  }
0x3e: {  	_ =	swait.ge [sflag:s21], $0x4000  }
0x3f: {  	[sflag:s21] =	ssyncset.done $0x0  }
.Ltmp0:
0x40: {  	s29 =	sadd.s32 $0x100, s28;
	[sflag:s21] =	ssyncadd.s32 $0xFFFFC000;
	(pc) =	sbr.rel @p0 .LBB2_2-.Ltmp0, $4  }
0x41: {  	[tilespmem:s17], [sflag:$0x1] =	stream.indirect.gather [hbm4b:s4+s16], $0x80, s29, s16, $0xb8;
	[tilespmem:$0x1E800] =	vst v63  }
0x42: {  	_ =	swait.ge [sflag:s22], $0x4000  }
0x43: {  	[sflag:s22] =	ssyncset.done $0x0  }
0x44: {  	s28 =	sadd.s32 $0x180, s28;
	[sflag:s22] =	ssyncadd.s32 $0xFFFFC000  }
0x45: {  	[tilespmem:s18], [sflag:$0x2] =	stream.indirect.gather [hbm4b:s4+s16], $0x80, s28, s16, $0xb8;
	[tilespmem:$0x1E800] =	vst v63  }
0x46: {  	_ =	swait.ge [sflag:s19], $0x4000  }
0x47: {  	[sflag:s19] =	ssyncset.done $0x0  }
0x48: {  	[sflag:s19] =	ssyncadd.s32 $0xFFFFC000  }
0x49: {  	[spmem:s2] =	stream.indirect.scatter.add.f32 [tilespmem:s17], [sflag:$0x3], $0x80, s23, s16, $0xb8;
	[tilespmem:$0x1E800] =	vst v63  }
0x4a: {  	_ =	swait.ge [sflag:s20], $0x4000  }
0x4b: {  	[sflag:s20] =	ssyncset.done $0x0  }
0x4c: {  	[sflag:s20] =	ssyncadd.s32 $0xFFFFC000  }
0x4d: {  	[spmem:s2] =	stream.indirect.scatter.add.f32 [tilespmem:s18], [sflag:$0x4], $0x80, s24, s16, $0xb8;
	[tilespmem:$0x1E800] =	vst v63  }
0x4e: {  	_ =	swait.ge [sflag:s21], $0x4000  }
0x4f: {  	[sflag:s21] =	ssyncset.done $0x0  }
0x50: {  	[sflag:s21] =	ssyncadd.s32 $0xFFFFC000  }
0x51: {  	_ =	swait.ge [sflag:s22], $0x4000  }
0x52: {  	[sflag:s22] =	ssyncset.done $0x0  }
0x53: {  	s26 =	simm.s32 $0x0;
	[sflag:s22] =	ssyncadd.s32 $0xFFFFC000  }
0x54: {  	[tilespmem:s26], [sflag:$0x5] =	stream.linear.gather [hbm4b:s9+s26], $0x1400, $0x38;
	[tilespmem:$0x1E800] =	vst v63  }
0x55: {  	_ =	swait.ge [sflag:s14], $0x1400  }
0x56: {  	[sflag:s14] =	ssyncset.done $0x0  }
0x57: {  	[sflag:s14] =	ssyncadd.s32 $0xFFFFEC00  }
0x58: {  	[tilespmem:s15], [sflag:$0x5] =	stream.linear.gather [hbm4b:s10+s26], $0x1400, $0x38;
	[tilespmem:$0x1E800] =	vst v63  }
0x59: {  	_ =	swait.ge [sflag:s14], $0x1400  }
0x5a: {  	[sflag:s14] =	ssyncset.done $0x0  }
0x5b: {  	[sflag:s14] =	ssyncadd.s32 $0xFFFFEC00  }
0x5c: {  	[tilespmem:s17], [sflag:$0x1] =	stream.indirect.gather [hbm4b:s4+s16], $0x80, s26, s16, $0xb8;
	[tilespmem:$0x1E800] =	vst v63  }
0x5d: {  	_ = 	snop  }
0x5e: {  	[tilespmem:s18], [sflag:$0x2] =	stream.indirect.gather [hbm4b:s4+s16], $0x80, s16, s16, $0xb8;
	[tilespmem:$0x1E800] =	vst v63  }
0x5f: {  	_ =	swait.ge [sflag:s19], $0x4000  }
0x60: {  	[sflag:s19] =	ssyncset.done $0x0  }
0x61: {  	s29 =	simm.s32 $0x1400;
	[sflag:s19] =	ssyncadd.s32 $0xFFFFC000  }
0x62: {  	[spmem:s2] =	stream.indirect.scatter.add.f32 [tilespmem:s17], [sflag:$0x3], $0x80, s29, s16, $0xb8;
	[tilespmem:$0x1E800] =	vst v63  }
0x63: {  	_ =	swait.ge [sflag:s20], $0x4000  }
0x64: {  	[sflag:s20] =	ssyncset.done $0x0  }
0x65: {  	s30 =	simm.s32 $0x1480;
	[sflag:s20] =	ssyncadd.s32 $0xFFFFC000  }
0x66: {  	[spmem:s2] =	stream.indirect.scatter.add.f32 [tilespmem:s18], [sflag:$0x4], $0x80, s30, s16, $0xb8;
	[tilespmem:$0x1E800] =	vst v63  }
0x67: {  	_ =	swait.ge [sflag:s21], $0x4000  }
0x68: {  	[sflag:s21] =	ssyncset.done $0x0  }
0x69: {  	s31 =	simm.s32 $0x100;
	[sflag:s21] =	ssyncadd.s32 $0xFFFFC000  }
0x6a: {  	[tilespmem:s17], [sflag:$0x1] =	stream.indirect.gather [hbm4b:s4+s16], $0x80, s31, s16, $0xb8;
	[tilespmem:$0x1E800] =	vst v63  }
0x6b: {  	_ =	swait.ge [sflag:s22], $0x4000  }
0x6c: {  	[sflag:s22] =	ssyncset.done $0x0  }
0x6d: {  	s28 =	simm.s32 $0x180;
	s26 =	simm.s32 $0x400;
	[sflag:s22] =	ssyncadd.s32 $0xFFFFC000  }
.LBB2_4:
0x6e: {  	[tilespmem:s18], [sflag:$0x2] =	stream.indirect.gather [hbm4b:s4+s16], $0x80, s28, s16, $0xb8;
	[tilespmem:$0x1E800] =	vst v63  }
0x6f: {  	s28 =	smov.u32 s26  }
0x70: {  	p0 =	sne.s32 s26, $0x4800;
	s26 =	sadd.s32 $0x400, s26;
	_ =	swait.ge [sflag:s19], $0x4000  }
0x71: {  	s28 =	sshra.s32 s28, $0x2;
	[sflag:s19] =	ssyncset.done $0x0  }
0x72: {  	s29 =	sadd.s32 $0x1400, s28;
	[sflag:s19] =	ssyncadd.s32 $0xFFFFC000  }
0x73: {  	[spmem:s2] =	stream.indirect.scatter.add.f32 [tilespmem:s17], [sflag:$0x3], $0x80, s29, s16, $0xb8;
	[tilespmem:$0x1E800] =	vst v63  }
0x74: {  	_ =	swait.ge [sflag:s20], $0x4000  }
0x75: {  	[sflag:s20] =	ssyncset.done $0x0  }
0x76: {  	s29 =	sadd.s32 $0x1480, s28;
	[sflag:s20] =	ssyncadd.s32 $0xFFFFC000  }
0x77: {  	[spmem:s2] =	stream.indirect.scatter.add.f32 [tilespmem:s18], [sflag:$0x4], $0x80, s29, s16, $0xb8;
	[tilespmem:$0x1E800] =	vst v63  }
0x78: {  	_ =	swait.ge [sflag:s21], $0x4000  }
0x79: {  	[sflag:s21] =	ssyncset.done $0x0  }
.Ltmp1:
0x7a: {  	s29 =	sadd.s32 $0x100, s28;
	[sflag:s21] =	ssyncadd.s32 $0xFFFFC000;
	(pc) =	sbr.rel @p0 .LBB2_4-.Ltmp1, $4  }
0x7b: {  	[tilespmem:s17], [sflag:$0x1] =	stream.indirect.gather [hbm4b:s4+s16], $0x80, s29, s16, $0xb8;
	[tilespmem:$0x1E800] =	vst v63  }
0x7c: {  	_ =	swait.ge [sflag:s22], $0x4000  }
0x7d: {  	[sflag:s22] =	ssyncset.done $0x0  }
0x7e: {  	s28 =	sadd.s32 $0x180, s28;
	[sflag:s22] =	ssyncadd.s32 $0xFFFFC000  }
0x7f: {  	[tilespmem:s18], [sflag:$0x2] =	stream.indirect.gather [hbm4b:s4+s16], $0x80, s28, s16, $0xb8;
	[tilespmem:$0x1E800] =	vst v63  }
0x80: {  	_ =	swait.ge [sflag:s19], $0x4000  }
0x81: {  	[sflag:s19] =	ssyncset.done $0x0  }
0x82: {  	[sflag:s19] =	ssyncadd.s32 $0xFFFFC000  }
0x83: {  	[spmem:s2] =	stream.indirect.scatter.add.f32 [tilespmem:s17], [sflag:$0x3], $0x80, s23, s16, $0xb8;
	[tilespmem:$0x1E800] =	vst v63  }
0x84: {  	_ =	swait.ge [sflag:s20], $0x4000  }
0x85: {  	[sflag:s20] =	ssyncset.done $0x0  }
0x86: {  	[sflag:s20] =	ssyncadd.s32 $0xFFFFC000  }
0x87: {  	[spmem:s2] =	stream.indirect.scatter.add.f32 [tilespmem:s18], [sflag:$0x4], $0x80, s24, s16, $0xb8;
	[tilespmem:$0x1E800] =	vst v63  }
0x88: {  	_ =	swait.ge [sflag:s21], $0x4000  }
0x89: {  	[sflag:s21] =	ssyncset.done $0x0  }
0x8a: {  	[sflag:s21] =	ssyncadd.s32 $0xFFFFC000  }
0x8b: {  	_ =	swait.ge [sflag:s22], $0x4000  }
0x8c: {  	s25 =	sadd.s32 $0x1, s25;
	[sflag:s22] =	ssyncset.done $0x0  }
0x8d: {  	p0 =	sne.s32 s25, s12;
	[sflag:s22] =	ssyncadd.s32 $0xFFFFC000  }
.Ltmp2:
0x8e: {  	[bflag:$0x0] =	sbarrier.arrive $0xFFFF;
	(pc) =	sbr.rel @p0 .LBB2_1-.Ltmp2, $4  }
0x8f: {  	[hbm:s11], [sflag:s6] =	dma.local [spmem:s13], $0x2800  }
0x90: {  	_ =	swait.ge [sflag:s14], $0x2800  }
0x91: {  	[sflag:s14] =	ssyncset.done $0x0  }
0x92: {  	[sflag:s14] =	ssyncadd.s32 $0xFFFFD800  }
0x93: {  	_ =	sfence.sel $0x180000  }
0x94: {  	[bflag:$0x0] =	sbarrier.arrive $0xFFFF  }
0x95: {  	p0 =	sne.s32 s1, $0x0;
	_ =	strace $0x90000050  }
0x96: {  	s0 =	sadd.s32 @!p0 $0x100000, s0;
	[bflag:$0x2] =	sbarrier.arrive $0xFFFF  }
0x97: {  	[sflag:s0] =	ssyncadd.tile.s32 @!p0 $0x1;
	_ =	shalt  }
.Lfunc_end2:
_tile_overlayer_lowered:
.L_overlay_start_2:
0x98: {  	(tag) =	ssettag $0x2  }
0x99: {  	s0 =	rddreg [dreg:$0x0];
	s2 =	stileid.u32  }
0x9a: {  	s1 =	rddreg [dreg:$0x1];
	p0 =	sne.s32 s2, $0x0  }
0x9b: {  	s3 =	rddreg [dreg:$0x2];
	[bflag:$0x3] =	sbarrier.arrive $0xFFFF;
	s2 =	simm.s32 @!p0 $0x1C05  }
0x9c: {  	[timem:s3], [sflag:s2] =	dma.local @!p0 [hbm:s0], s1  }
0x9d: {  	s0 =	simm.s32 @!p0 $0x5  }
0x9e: {  	_ =	swait.ge @!p0 [sflag:s0], s1  }
0x9f: {  	s1 =	ssub.s32 @!p0 $0x0, s1;
	[sflag:s0] =	ssyncset.done @!p0 $0x0  }
0xa0: {  	[sflag:s0] =	ssyncadd.s32 @!p0 s1  }
0xa1: {  	[bflag:$0x3] =	sbarrier.arrive $0xFFFF  }
0xa2: {  	_ =	shalt  }

</sc_bundles>
